<compile_context>
chip_gen: v7x
topology: tpu7x:2x2x1
jax: 0.10.2.dev20260603
libtpu: 0.0.44.dev20260713+nightly
codegen_flags: <defaults>
</compile_context>

<pallas_src>
import jax
import jax.numpy as jnp
from jax import lax
from jax.experimental import pallas as pl
from jax.experimental.pallas import tpu as pltpu, tpu_sc as plsc

_TOKENS = (11, 257, 1024, 4096, 9999, 20000, 50000, 99999)
_C = len(_TOKENS)
_STARTS = tuple((t // 8) * 8 for t in _TOKENS)
_OFFS = tuple(t % 8 for t in _TOKENS)
_LANES = 16
_RPW = 8
_NW = 4

_LN2 = 0.6931471805599453


def _sc_body(logits_hbm, tgt_hbm, out_hbm, vals_v, tgt_v, loss_v, sem):
    sid = lax.axis_index("s")
    S = logits_hbm.shape[1]

    @pl.when(sid < _NW)
    def _():
        base = sid * _RPW

        copies = []
        for j in range(_RPW):
            for c in range(_C):
                copies.append(pltpu.async_copy(
                    logits_hbm.at[base + j, S - 1, pl.ds(_STARTS[c], 8)],
                    vals_v.at[pl.ds((j * _C + c) * 8, 8)],
                    sem,
                ))
        pltpu.sync_copy(tgt_hbm.at[pl.ds(base, _RPW)], tgt_v)
        for cp in copies:
            cp.wait()

        lane = lax.iota(jnp.int32, _LANES)
        row = lane % _RPW
        vals = [
            plsc.load_gather(vals_v, [row * (_C * 8) + (c * 8 + _OFFS[c])])
            for c in range(_C)
        ]
        m = vals[0]
        for c in range(1, _C):
            m = jnp.maximum(m, vals[c])
        s = jnp.exp(vals[0] - m)
        for c in range(1, _C):
            s = s + jnp.exp(vals[c] - m)

        bits = lax.bitcast_convert_type(s, jnp.int32)
        y = bits.astype(jnp.float32) * (_LN2 / (1 << 23)) - 127.0450466 * _LN2
        for _unused in range(3):
            y = y - 1.0 + s * jnp.exp(-y)

        tgt = plsc.load_gather(tgt_v, [row])
        picked = vals[0]
        for c in range(1, _C):
            picked = jnp.where(tgt == c, vals[c], picked)

        loss_v[...] = (m + y) - picked
        pltpu.sync_copy(loss_v.at[pl.ds(0, _RPW)], out_hbm.at[pl.ds(base, _RPW)])


def kernel(model_outputs, targets, input_pos):
    del input_pos
    B, S, V = model_outputs.shape
    tgt = targets.reshape(-1).astype(jnp.int32)

    k = pl.kernel(
        _sc_body,
        mesh=plsc.VectorSubcoreMesh(
            core_axis_name="c", subcore_axis_name="s", num_cores=1),
        out_type=jax.ShapeDtypeStruct((B,), jnp.float32),
        scratch_types=[
            pltpu.VMEM((_RPW * _C * 8,), jnp.float32),
            pltpu.VMEM((_RPW,), jnp.int32),
            pltpu.VMEM((_LANES,), jnp.float32),
            pltpu.SemaphoreType.DMA,
        ],
        compiler_params=pltpu.CompilerParams(needs_layout_passes=False),
    )
    return k(model_outputs, tgt)

# --- scband reference (transcript-rebuilt; emitter-appended) ---
"""Pipeline reference for scband-sequence-classification-on-logits-17712445129323 (READ-ONLY COPY).

The authoritative reference and input builder live on the scoring server;
editing this copy changes nothing except your own understanding.
"""

import jax, jax.numpy as jnp
import numpy as np

VOCAB = 100000
CLASS_TOKENS = (11, 257, 1024, 4096, 9999, 20000, 50000, 99999)
NUM_CLASSES = len(CLASS_TOKENS)


def setup_inputs(seed: int = 0) -> dict:
    key = jax.random.key(seed)
    k1, k2 = jax.random.split(key)
    model_outputs = jax.random.normal(k1, (32, 8, VOCAB), dtype=jnp.float32)
    targets = jax.random.randint(k2, (32, 1), 0, NUM_CLASSES, dtype=jnp.int64 if jax.config.jax_enable_x64 else jnp.int32)
    return {"model_outputs": model_outputs, "targets": targets, "input_pos": 0}


def reference(model_outputs, targets, input_pos):
    # _check_model_outputs_targets: diff = S - targets.length
    diff = model_outputs.shape[-2] - targets.shape[-1]
    tokens = jnp.array(CLASS_TOKENS, dtype=jnp.int32)
    # gather: model_outputs[:, diff:, class_label_tokens]
    selected_logits = jnp.take(model_outputs[:, diff:, :], tokens, axis=-1)  # [B, T, C]
    B, T, C = selected_logits.shape
    logits = selected_logits.reshape(-1, C)
    tgt = targets.reshape(-1)
    # F.cross_entropy(..., reduction='none')
    lse = jax.nn.logsumexp(logits, axis=-1)
    picked = jnp.take_along_axis(logits, tgt[:, None].astype(jnp.int32), axis=-1)[:, 0]
    losses = lse - picked
    return losses.reshape(B, T).mean(axis=-1)

if __name__ == "__main__":
    import jax
    _d = setup_inputs()
    print(jax.jit(kernel)(*tuple(_d.values())))

</pallas_src>

<mosaic_0001>
#map = affine_map<(d0, d1) -> (0, 0, 0)>
#map1 = affine_map<(d0, d1) -> (0)>
module attributes {stable_mosaic.version = 14 : i64} {
  func.func @_sc_body(%arg0: i32, %arg1: i32, %arg2: memref<32x8x100000xf32, #tpu.memory_space<hbm>>, %arg3: memref<32xi32, #tpu.memory_space<hbm>>, %arg4: memref<32xf32, #tpu.memory_space<hbm>>, %arg5: memref<512xf32, #tpu.memory_space<vmem>>, %arg6: memref<8xi32, #tpu.memory_space<vmem>>, %arg7: memref<16xf32, #tpu.memory_space<vmem>>, %arg8: memref<!tpu.dma_semaphore, #tpu.memory_space<semaphore_mem>>) attributes {dimension_semantics = [#tpu.dimension_semantics<core_parallel>, #tpu.dimension_semantics<subcore_parallel>], iteration_bounds = array<i64: 1, 16>, scalar_prefetch = 0 : i64, scratch_operands = 4 : i64, tpu.core_type = #tpu.core_type<sc_vector_subcore>, window_params = [{transform_indices = #map}, {transform_indices = #map1}, {transform_indices = #map1}]} {
    %lt3A = arith.constant 4 : i32
    %lt3A_0 = arith.cmpi slt, %arg1, %lt3A : i32
    %convert_element_type3A = arith.extui %lt3A_0 : i1 to i32
    %cond3A = arith.constant 0 : i32
    %cond3A_1 = arith.cmpi ne, %convert_element_type3A, %cond3A : i32
    scf.if %cond3A_1 {
      %mul3A = arith.constant 8 : i32
      %mul3A_2 = arith.muli %arg1, %mul3A : i32
      %add3A = arith.constant 0 : i32
      %add3A_3 = arith.addi %mul3A_2, %add3A : i32
      %dma_start3A = arith.constant 7 : i32
      %dma_start3A_4 = arith.constant 0 : i32
      %dma_start3A_5 = tpu.memref_slice %arg5[%dma_start3A_4] : memref<512xf32, #tpu.memory_space<vmem>> -> memref<8xf32, #tpu.memory_space<vmem>>
      %dma_start3A_6 = arith.constant 8 : i32
      %dma_start3A_7 = tpu.memref_slice %arg2[%add3A_3, %dma_start3A, %dma_start3A_6] : memref<32x8x100000xf32, #tpu.memory_space<hbm>> -> memref<1x1x8xf32, #tpu.memory_space<hbm>>
      %dma_start3A_8 = tpu.memref_squeeze %dma_start3A_7 : memref<1x1x8xf32, #tpu.memory_space<hbm>> -> memref<8xf32, #tpu.memory_space<hbm>>
      %dma_start3A_9 = arith.constant 0 : i32
      %dma_start3A_10 = tpu.memref_slice %arg5[%dma_start3A_9] : memref<512xf32, #tpu.memory_space<vmem>> -> memref<8xf32, #tpu.memory_space<vmem>>
      %dma_start3A_11 = arith.constant 8 : i32
      %dma_start3A_12 = tpu.memref_slice %arg2[%add3A_3, %dma_start3A, %dma_start3A_11] : memref<32x8x100000xf32, #tpu.memory_space<hbm>> -> memref<1x1x8xf32, #tpu.memory_space<hbm>>
      %dma_start3A_13 = tpu.memref_squeeze %dma_start3A_12 : memref<1x1x8xf32, #tpu.memory_space<hbm>> -> memref<8xf32, #tpu.memory_space<hbm>>
      tpu.enqueue_dma source(%dma_start3A_13 : memref<8xf32, #tpu.memory_space<hbm>>) target(%dma_start3A_10 : memref<8xf32, #tpu.memory_space<vmem>>) target_semaphore(%arg8 : memref<!tpu.dma_semaphore, #tpu.memory_space<semaphore_mem>>)
      %add3A_14 = arith.constant 0 : i32
      %add3A_15 = arith.addi %mul3A_2, %add3A_14 : i32
      %dma_start3A_16 = arith.constant 7 : i32
      %dma_start3A_17 = arith.constant 8 : i32
      %dma_start3A_18 = tpu.memref_slice %arg5[%dma_start3A_17] : memref<512xf32, #tpu.memory_space<vmem>> -> memref<8xf32, #tpu.memory_space<vmem>>
      %dma_start3A_19 = arith.constant 256 : i32
      %dma_start3A_20 = tpu.memref_slice %arg2[%add3A_15, %dma_start3A_16, %dma_start3A_19] : memref<32x8x100000xf32, #tpu.memory_space<hbm>> -> memref<1x1x8xf32, #tpu.memory_space<hbm>>
      %dma_start3A_21 = tpu.memref_squeeze %dma_start3A_20 : memref<1x1x8xf32, #tpu.memory_space<hbm>> -> memref<8xf32, #tpu.memory_space<hbm>>
      %dma_start3A_22 = arith.constant 8 : i32
      %dma_start3A_23 = tpu.memref_slice %arg5[%dma_start3A_22] : memref<512xf32, #tpu.memory_space<vmem>> -> memref<8xf32, #tpu.memory_space<vmem>>
      %dma_start3A_24 = arith.constant 256 : i32
      %dma_start3A_25 = tpu.memref_slice %arg2[%add3A_15, %dma_start3A_16, %dma_start3A_24] : memref<32x8x100000xf32, #tpu.memory_space<hbm>> -> memref<1x1x8xf32, #tpu.memory_space<hbm>>
      %dma_start3A_26 = tpu.memref_squeeze %dma_start3A_25 : memref<1x1x8xf32, #tpu.memory_space<hbm>> -> memref<8xf32, #tpu.memory_space<hbm>>
      tpu.enqueue_dma source(%dma_start3A_26 : memref<8xf32, #tpu.memory_space<hbm>>) target(%dma_start3A_23 : memref<8xf32, #tpu.memory_space<vmem>>) target_semaphore(%arg8 : memref<!tpu.dma_semaphore, #tpu.memory_space<semaphore_mem>>)
      %add3A_27 = arith.constant 0 : i32
      %add3A_28 = arith.addi %mul3A_2, %add3A_27 : i32
      %dma_start3A_29 = arith.constant 7 : i32
      %dma_start3A_30 = arith.constant 16 : i32
      %dma_start3A_31 = tpu.memref_slice %arg5[%dma_start3A_30] : memref<512xf32, #tpu.memory_space<vmem>> -> memref<8xf32, #tpu.memory_space<vmem>>
      %dma_start3A_32 = arith.constant 1024 : i32
      %dma_start3A_33 = tpu.memref_slice %arg2[%add3A_28, %dma_start3A_29, %dma_start3A_32] : memref<32x8x100000xf32, #tpu.memory_space<hbm>> -> memref<1x1x8xf32, #tpu.memory_space<hbm>>
      %dma_start3A_34 = tpu.memref_squeeze %dma_start3A_33 : memref<1x1x8xf32, #tpu.memory_space<hbm>> -> memref<8xf32, #tpu.memory_space<hbm>>
      %dma_start3A_35 = arith.constant 16 : i32
      %dma_start3A_36 = tpu.memref_slice %arg5[%dma_start3A_35] : memref<512xf32, #tpu.memory_space<vmem>> -> memref<8xf32, #tpu.memory_space<vmem>>
      %dma_start3A_37 = arith.constant 1024 : i32
      %dma_start3A_38 = tpu.memref_slice %arg2[%add3A_28, %dma_start3A_29, %dma_start3A_37] : memref<32x8x100000xf32, #tpu.memory_space<hbm>> -> memref<1x1x8xf32, #tpu.memory_space<hbm>>
      %dma_start3A_39 = tpu.memref_squeeze %dma_start3A_38 : memref<1x1x8xf32, #tpu.memory_space<hbm>> -> memref<8xf32, #tpu.memory_space<hbm>>
      tpu.enqueue_dma source(%dma_start3A_39 : memref<8xf32, #tpu.memory_space<hbm>>) target(%dma_start3A_36 : memref<8xf32, #tpu.memory_space<vmem>>) target_semaphore(%arg8 : memref<!tpu.dma_semaphore, #tpu.memory_space<semaphore_mem>>)
      %add3A_40 = arith.constant 0 : i32
      %add3A_41 = arith.addi %mul3A_2, %add3A_40 : i32
      %dma_start3A_42 = arith.constant 7 : i32
      %dma_start3A_43 = arith.constant 24 : i32
      %dma_start3A_44 = tpu.memref_slice %arg5[%dma_start3A_43] : memref<512xf32, #tpu.memory_space<vmem>> -> memref<8xf32, #tpu.memory_space<vmem>>
      %dma_start3A_45 = arith.constant 4096 : i32
      %dma_start3A_46 = tpu.memref_slice %arg2[%add3A_41, %dma_start3A_42, %dma_start3A_45] : memref<32x8x100000xf32, #tpu.memory_space<hbm>> -> memref<1x1x8xf32, #tpu.memory_space<hbm>>
      %dma_start3A_47 = tpu.memref_squeeze %dma_start3A_46 : memref<1x1x8xf32, #tpu.memory_space<hbm>> -> memref<8xf32, #tpu.memory_space<hbm>>
      %dma_start3A_48 = arith.constant 24 : i32
      %dma_start3A_49 = tpu.memref_slice %arg5[%dma_start3A_48] : memref<512xf32, #tpu.memory_space<vmem>> -> memref<8xf32, #tpu.memory_space<vmem>>
      %dma_start3A_50 = arith.constant 4096 : i32
      %dma_start3A_51 = tpu.memref_slice %arg2[%add3A_41, %dma_start3A_42, %dma_start3A_50] : memref<32x8x100000xf32, #tpu.memory_space<hbm>> -> memref<1x1x8xf32, #tpu.memory_space<hbm>>
      %dma_start3A_52 = tpu.memref_squeeze %dma_start3A_51 : memref<1x1x8xf32, #tpu.memory_space<hbm>> -> memref<8xf32, #tpu.memory_space<hbm>>
      tpu.enqueue_dma source(%dma_start3A_52 : memref<8xf32, #tpu.memory_space<hbm>>) target(%dma_start3A_49 : memref<8xf32, #tpu.memory_space<vmem>>) target_semaphore(%arg8 : memref<!tpu.dma_semaphore, #tpu.memory_space<semaphore_mem>>)
      %add3A_53 = arith.constant 0 : i32
      %add3A_54 = arith.addi %mul3A_2, %add3A_53 : i32
      %dma_start3A_55 = arith.constant 7 : i32
      %dma_start3A_56 = arith.constant 32 : i32
      %dma_start3A_57 = tpu.memref_slice %arg5[%dma_start3A_56] : memref<512xf32, #tpu.memory_space<vmem>> -> memref<8xf32, #tpu.memory_space<vmem>>
      %dma_start3A_58 = arith.constant 9992 : i32
      %dma_start3A_59 = tpu.memref_slice %arg2[%add3A_54, %dma_start3A_55, %dma_start3A_58] : memref<32x8x100000xf32, #tpu.memory_space<hbm>> -> memref<1x1x8xf32, #tpu.memory_space<hbm>>
      %dma_start3A_60 = tpu.memref_squeeze %dma_start3A_59 : memref<1x1x8xf32, #tpu.memory_space<hbm>> -> memref<8xf32, #tpu.memory_space<hbm>>
      %dma_start3A_61 = arith.constant 32 : i32
      %dma_start3A_62 = tpu.memref_slice %arg5[%dma_start3A_61] : memref<512xf32, #tpu.memory_space<vmem>> -> memref<8xf32, #tpu.memory_space<vmem>>
      %dma_start3A_63 = arith.constant 9992 : i32
      %dma_start3A_64 = tpu.memref_slice %arg2[%add3A_54, %dma_start3A_55, %dma_start3A_63] : memref<32x8x100000xf32, #tpu.memory_space<hbm>> -> memref<1x1x8xf32, #tpu.memory_space<hbm>>
      %dma_start3A_65 = tpu.memref_squeeze %dma_start3A_64 : memref<1x1x8xf32, #tpu.memory_space<hbm>> -> memref<8xf32, #tpu.memory_space<hbm>>
      tpu.enqueue_dma source(%dma_start3A_65 : memref<8xf32, #tpu.memory_space<hbm>>) target(%dma_start3A_62 : memref<8xf32, #tpu.memory_space<vmem>>) target_semaphore(%arg8 : memref<!tpu.dma_semaphore, #tpu.memory_space<semaphore_mem>>)
      %add3A_66 = arith.constant 0 : i32
      %add3A_67 = arith.addi %mul3A_2, %add3A_66 : i32
      %dma_start3A_68 = arith.constant 7 : i32
      %dma_start3A_69 = arith.constant 40 : i32
      %dma_start3A_70 = tpu.memref_slice %arg5[%dma_start3A_69] : memref<512xf32, #tpu.memory_space<vmem>> -> memref<8xf32, #tpu.memory_space<vmem>>
      %dma_start3A_71 = arith.constant 20000 : i32
      %dma_start3A_72 = tpu.memref_slice %arg2[%add3A_67, %dma_start3A_68, %dma_start3A_71] : memref<32x8x100000xf32, #tpu.memory_space<hbm>> -> memref<1x1x8xf32, #tpu.memory_space<hbm>>
      %dma_start3A_73 = tpu.memref_squeeze %dma_start3A_72 : memref<1x1x8xf32, #tpu.memory_space<hbm>> -> memref<8xf32, #tpu.memory_space<hbm>>
      %dma_start3A_74 = arith.constant 40 : i32
      %dma_start3A_75 = tpu.memref_slice %arg5[%dma_start3A_74] : memref<512xf32, #tpu.memory_space<vmem>> -> memref<8xf32, #tpu.memory_space<vmem>>
      %dma_start3A_76 = arith.constant 20000 : i32
      %dma_start3A_77 = tpu.memref_slice %arg2[%add3A_67, %dma_start3A_68, %dma_start3A_76] : memref<32x8x100000xf32, #tpu.memory_space<hbm>> -> memref<1x1x8xf32, #tpu.memory_space<hbm>>
      %dma_start3A_78 = tpu.memref_squeeze %dma_start3A_77 : memref<1x1x8xf32, #tpu.memory_space<hbm>> -> memref<8xf32, #tpu.memory_space<hbm>>
      tpu.enqueue_dma source(%dma_start3A_78 : memref<8xf32, #tpu.memory_space<hbm>>) target(%dma_start3A_75 : memref<8xf32, #tpu.memory_space<vmem>>) target_semaphore(%arg8 : memref<!tpu.dma_semaphore, #tpu.memory_space<semaphore_mem>>)
      %add3A_79 = arith.constant 0 : i32
      %add3A_80 = arith.addi %mul3A_2, %add3A_79 : i32
      %dma_start3A_81 = arith.constant 7 : i32
      %dma_start3A_82 = arith.constant 48 : i32
      %dma_start3A_83 = tpu.memref_slice %arg5[%dma_start3A_82] : memref<512xf32, #tpu.memory_space<vmem>> -> memref<8xf32, #tpu.memory_space<vmem>>
      %dma_start3A_84 = arith.constant 50000 : i32
      %dma_start3A_85 = tpu.memref_slice %arg2[%add3A_80, %dma_start3A_81, %dma_start3A_84] : memref<32x8x100000xf32, #tpu.memory_space<hbm>> -> memref<1x1x8xf32, #tpu.memory_space<hbm>>
      %dma_start3A_86 = tpu.memref_squeeze %dma_start3A_85 : memref<1x1x8xf32, #tpu.memory_space<hbm>> -> memref<8xf32, #tpu.memory_space<hbm>>
      %dma_start3A_87 = arith.constant 48 : i32
      %dma_start3A_88 = tpu.memref_slice %arg5[%dma_start3A_87] : memref<512xf32, #tpu.memory_space<vmem>> -> memref<8xf32, #tpu.memory_space<vmem>>
      %dma_start3A_89 = arith.constant 50000 : i32
      %dma_start3A_90 = tpu.memref_slice %arg2[%add3A_80, %dma_start3A_81, %dma_start3A_89] : memref<32x8x100000xf32, #tpu.memory_space<hbm>> -> memref<1x1x8xf32, #tpu.memory_space<hbm>>
      %dma_start3A_91 = tpu.memref_squeeze %dma_start3A_90 : memref<1x1x8xf32, #tpu.memory_space<hbm>> -> memref<8xf32, #tpu.memory_space<hbm>>
      tpu.enqueue_dma source(%dma_start3A_91 : memref<8xf32, #tpu.memory_space<hbm>>) target(%dma_start3A_88 : memref<8xf32, #tpu.memory_space<vmem>>) target_semaphore(%arg8 : memref<!tpu.dma_semaphore, #tpu.memory_space<semaphore_mem>>)
      %add3A_92 = arith.constant 0 : i32
      %add3A_93 = arith.addi %mul3A_2, %add3A_92 : i32
      %dma_start3A_94 = arith.constant 7 : i32
      %dma_start3A_95 = arith.constant 56 : i32
      %dma_start3A_96 = tpu.memref_slice %arg5[%dma_start3A_95] : memref<512xf32, #tpu.memory_space<vmem>> -> memref<8xf32, #tpu.memory_space<vmem>>
      %dma_start3A_97 = arith.constant 99992 : i32
      %dma_start3A_98 = tpu.memref_slice %arg2[%add3A_93, %dma_start3A_94, %dma_start3A_97] : memref<32x8x100000xf32, #tpu.memory_space<hbm>> -> memref<1x1x8xf32, #tpu.memory_space<hbm>>
      %dma_start3A_99 = tpu.memref_squeeze %dma_start3A_98 : memref<1x1x8xf32, #tpu.memory_space<hbm>> -> memref<8xf32, #tpu.memory_space<hbm>>
      %dma_start3A_100 = arith.constant 56 : i32
      %dma_start3A_101 = tpu.memref_slice %arg5[%dma_start3A_100] : memref<512xf32, #tpu.memory_space<vmem>> -> memref<8xf32, #tpu.memory_space<vmem>>
      %dma_start3A_102 = arith.constant 99992 : i32
      %dma_start3A_103 = tpu.memref_slice %arg2[%add3A_93, %dma_start3A_94, %dma_start3A_102] : memref<32x8x100000xf32, #tpu.memory_space<hbm>> -> memref<1x1x8xf32, #tpu.memory_space<hbm>>
      %dma_start3A_104 = tpu.memref_squeeze %dma_start3A_103 : memref<1x1x8xf32, #tpu.memory_space<hbm>> -> memref<8xf32, #tpu.memory_space<hbm>>
      tpu.enqueue_dma source(%dma_start3A_104 : memref<8xf32, #tpu.memory_space<hbm>>) target(%dma_start3A_101 : memref<8xf32, #tpu.memory_space<vmem>>) target_semaphore(%arg8 : memref<!tpu.dma_semaphore, #tpu.memory_space<semaphore_mem>>)
      %add3A_105 = arith.constant 1 : i32
      %add3A_106 = arith.addi %mul3A_2, %add3A_105 : i32
      %dma_start3A_107 = arith.constant 7 : i32
      %dma_start3A_108 = arith.constant 64 : i32
      %dma_start3A_109 = tpu.memref_slice %arg5[%dma_start3A_108] : memref<512xf32, #tpu.memory_space<vmem>> -> memref<8xf32, #tpu.memory_space<vmem>>
      %dma_start3A_110 = arith.constant 8 : i32
      %dma_start3A_111 = tpu.memref_slice %arg2[%add3A_106, %dma_start3A_107, %dma_start3A_110] : memref<32x8x100000xf32, #tpu.memory_space<hbm>> -> memref<1x1x8xf32, #tpu.memory_space<hbm>>
      %dma_start3A_112 = tpu.memref_squeeze %dma_start3A_111 : memref<1x1x8xf32, #tpu.memory_space<hbm>> -> memref<8xf32, #tpu.memory_space<hbm>>
      %dma_start3A_113 = arith.constant 64 : i32
      %dma_start3A_114 = tpu.memref_slice %arg5[%dma_start3A_113] : memref<512xf32, #tpu.memory_space<vmem>> -> memref<8xf32, #tpu.memory_space<vmem>>
      %dma_start3A_115 = arith.constant 8 : i32
      %dma_start3A_116 = tpu.memref_slice %arg2[%add3A_106, %dma_start3A_107, %dma_start3A_115] : memref<32x8x100000xf32, #tpu.memory_space<hbm>> -> memref<1x1x8xf32, #tpu.memory_space<hbm>>
      %dma_start3A_117 = tpu.memref_squeeze %dma_start3A_116 : memref<1x1x8xf32, #tpu.memory_space<hbm>> -> memref<8xf32, #tpu.memory_space<hbm>>
      tpu.enqueue_dma source(%dma_start3A_117 : memref<8xf32, #tpu.memory_space<hbm>>) target(%dma_start3A_114 : memref<8xf32, #tpu.memory_space<vmem>>) target_semaphore(%arg8 : memref<!tpu.dma_semaphore, #tpu.memory_space<semaphore_mem>>)
      %add3A_118 = arith.constant 1 : i32
      %add3A_119 = arith.addi %mul3A_2, %add3A_118 : i32
      %dma_start3A_120 = arith.constant 7 : i32
      %dma_start3A_121 = arith.constant 72 : i32
      %dma_start3A_122 = tpu.memref_slice %arg5[%dma_start3A_121] : memref<512xf32, #tpu.memory_space<vmem>> -> memref<8xf32, #tpu.memory_space<vmem>>
      %dma_start3A_123 = arith.constant 256 : i32
      %dma_start3A_124 = tpu.memref_slice %arg2[%add3A_119, %dma_start3A_120, %dma_start3A_123] : memref<32x8x100000xf32, #tpu.memory_space<hbm>> -> memref<1x1x8xf32, #tpu.memory_space<hbm>>
      %dma_start3A_125 = tpu.memref_squeeze %dma_start3A_124 : memref<1x1x8xf32, #tpu.memory_space<hbm>> -> memref<8xf32, #tpu.memory_space<hbm>>
      %dma_start3A_126 = arith.constant 72 : i32
      %dma_start3A_127 = tpu.memref_slice %arg5[%dma_start3A_126] : memref<512xf32, #tpu.memory_space<vmem>> -> memref<8xf32, #tpu.memory_space<vmem>>
      %dma_start3A_128 = arith.constant 256 : i32
      %dma_start3A_129 = tpu.memref_slice %arg2[%add3A_119, %dma_start3A_120, %dma_start3A_128] : memref<32x8x100000xf32, #tpu.memory_space<hbm>> -> memref<1x1x8xf32, #tpu.memory_space<hbm>>
      %dma_start3A_130 = tpu.memref_squeeze %dma_start3A_129 : memref<1x1x8xf32, #tpu.memory_space<hbm>> -> memref<8xf32, #tpu.memory_space<hbm>>
      tpu.enqueue_dma source(%dma_start3A_130 : memref<8xf32, #tpu.memory_space<hbm>>) target(%dma_start3A_127 : memref<8xf32, #tpu.memory_space<vmem>>) target_semaphore(%arg8 : memref<!tpu.dma_semaphore, #tpu.memory_space<semaphore_mem>>)
      %add3A_131 = arith.constant 1 : i32
      %add3A_132 = arith.addi %mul3A_2, %add3A_131 : i32
      %dma_start3A_133 = arith.constant 7 : i32
      %dma_start3A_134 = arith.constant 80 : i32
      %dma_start3A_135 = tpu.memref_slice %arg5[%dma_start3A_134] : memref<512xf32, #tpu.memory_space<vmem>> -> memref<8xf32, #tpu.memory_space<vmem>>
      %dma_start3A_136 = arith.constant 1024 : i32
      %dma_start3A_137 = tpu.memref_slice %arg2[%add3A_132, %dma_start3A_133, %dma_start3A_136] : memref<32x8x100000xf32, #tpu.memory_space<hbm>> -> memref<1x1x8xf32, #tpu.memory_space<hbm>>
      %dma_start3A_138 = tpu.memref_squeeze %dma_start3A_137 : memref<1x1x8xf32, #tpu.memory_space<hbm>> -> memref<8xf32, #tpu.memory_space<hbm>>
      %dma_start3A_139 = arith.constant 80 : i32
      %dma_start3A_140 = tpu.memref_slice %arg5[%dma_start3A_139] : memref<512xf32, #tpu.memory_space<vmem>> -> memref<8xf32, #tpu.memory_space<vmem>>
      %dma_start3A_141 = arith.constant 1024 : i32
      %dma_start3A_142 = tpu.memref_slice %arg2[%add3A_132, %dma_start3A_133, %dma_start3A_141] : memref<32x8x100000xf32, #tpu.memory_space<hbm>> -> memref<1x1x8xf32, #tpu.memory_space<hbm>>
      %dma_start3A_143 = tpu.memref_squeeze %dma_start3A_142 : memref<1x1x8xf32, #tpu.memory_space<hbm>> -> memref<8xf32, #tpu.memory_space<hbm>>
      tpu.enqueue_dma source(%dma_start3A_143 : memref<8xf32, #tpu.memory_space<hbm>>) target(%dma_start3A_140 : memref<8xf32, #tpu.memory_space<vmem>>) target_semaphore(%arg8 : memref<!tpu.dma_semaphore, #tpu.memory_space<semaphore_mem>>)
      %add3A_144 = arith.constant 1 : i32
      %add3A_145 = arith.addi %mul3A_2, %add3A_144 : i32
      %dma_start3A_146 = arith.constant 7 : i32
      %dma_start3A_147 = arith.constant 88 : i32
      %dma_start3A_148 = tpu.memref_slice %arg5[%dma_start3A_147] : memref<512xf32, #tpu.memory_space<vmem>> -> memref<8xf32, #tpu.memory_space<vmem>>
      %dma_start3A_149 = arith.constant 4096 : i32
      %dma_start3A_150 = tpu.memref_slice %arg2[%add3A_145, %dma_start3A_146, %dma_start3A_149] : memref<32x8x100000xf32, #tpu.memory_space<hbm>> -> memref<1x1x8xf32, #tpu.memory_space<hbm>>
      %dma_start3A_151 = tpu.memref_squeeze %dma_start3A_150 : memref<1x1x8xf32, #tpu.memory_space<hbm>> -> memref<8xf32, #tpu.memory_space<hbm>>
      %dma_start3A_152 = arith.constant 88 : i32
      %dma_start3A_153 = tpu.memref_slice %arg5[%dma_start3A_152] : memref<512xf32, #tpu.memory_space<vmem>> -> memref<8xf32, #tpu.memory_space<vmem>>
      %dma_start3A_154 = arith.constant 4096 : i32
      %dma_start3A_155 = tpu.memref_slice %arg2[%add3A_145, %dma_start3A_146, %dma_start3A_154] : memref<32x8x100000xf32, #tpu.memory_space<hbm>> -> memref<1x1x8xf32, #tpu.memory_space<hbm>>
      %dma_start3A_156 = tpu.memref_squeeze %dma_start3A_155 : memref<1x1x8xf32, #tpu.memory_space<hbm>> -> memref<8xf32, #tpu.memory_space<hbm>>
      tpu.enqueue_dma source(%dma_start3A_156 : memref<8xf32, #tpu.memory_space<hbm>>) target(%dma_start3A_153 : memref<8xf32, #tpu.memory_space<vmem>>) target_semaphore(%arg8 : memref<!tpu.dma_semaphore, #tpu.memory_space<semaphore_mem>>)
      %add3A_157 = arith.constant 1 : i32
      %add3A_158 = arith.addi %mul3A_2, %add3A_157 : i32
      %dma_start3A_159 = arith.constant 7 : i32
      %dma_start3A_160 = arith.constant 96 : i32
      %dma_start3A_161 = tpu.memref_slice %arg5[%dma_start3A_160] : memref<512xf32, #tpu.memory_space<vmem>> -> memref<8xf32, #tpu.memory_space<vmem>>
      %dma_start3A_162 = arith.constant 9992 : i32
      %dma_start3A_163 = tpu.memref_slice %arg2[%add3A_158, %dma_start3A_159, %dma_start3A_162] : memref<32x8x100000xf32, #tpu.memory_space<hbm>> -> memref<1x1x8xf32, #tpu.memory_space<hbm>>
      %dma_start3A_164 = tpu.memref_squeeze %dma_start3A_163 : memref<1x1x8xf32, #tpu.memory_space<hbm>> -> memref<8xf32, #tpu.memory_space<hbm>>
      %dma_start3A_165 = arith.constant 96 : i32
      %dma_start3A_166 = tpu.memref_slice %arg5[%dma_start3A_165] : memref<512xf32, #tpu.memory_space<vmem>> -> memref<8xf32, #tpu.memory_space<vmem>>
      %dma_start3A_167 = arith.constant 9992 : i32
      %dma_start3A_168 = tpu.memref_slice %arg2[%add3A_158, %dma_start3A_159, %dma_start3A_167] : memref<32x8x100000xf32, #tpu.memory_space<hbm>> -> memref<1x1x8xf32, #tpu.memory_space<hbm>>
      %dma_start3A_169 = tpu.memref_squeeze %dma_start3A_168 : memref<1x1x8xf32, #tpu.memory_space<hbm>> -> memref<8xf32, #tpu.memory_space<hbm>>
      tpu.enqueue_dma source(%dma_start3A_169 : memref<8xf32, #tpu.memory_space<hbm>>) target(%dma_start3A_166 : memref<8xf32, #tpu.memory_space<vmem>>) target_semaphore(%arg8 : memref<!tpu.dma_semaphore, #tpu.memory_space<semaphore_mem>>)
      %add3A_170 = arith.constant 1 : i32
      %add3A_171 = arith.addi %mul3A_2, %add3A_170 : i32
      %dma_start3A_172 = arith.constant 7 : i32
      %dma_start3A_173 = arith.constant 104 : i32
      %dma_start3A_174 = tpu.memref_slice %arg5[%dma_start3A_173] : memref<512xf32, #tpu.memory_space<vmem>> -> memref<8xf32, #tpu.memory_space<vmem>>
      %dma_start3A_175 = arith.constant 20000 : i32
      %dma_start3A_176 = tpu.memref_slice %arg2[%add3A_171, %dma_start3A_172, %dma_start3A_175] : memref<32x8x100000xf32, #tpu.memory_space<hbm>> -> memref<1x1x8xf32, #tpu.memory_space<hbm>>
      %dma_start3A_177 = tpu.memref_squeeze %dma_start3A_176 : memref<1x1x8xf32, #tpu.memory_space<hbm>> -> memref<8xf32, #tpu.memory_space<hbm>>
      %dma_start3A_178 = arith.constant 104 : i32
      %dma_start3A_179 = tpu.memref_slice %arg5[%dma_start3A_178] : memref<512xf32, #tpu.memory_space<vmem>> -> memref<8xf32, #tpu.memory_space<vmem>>
      %dma_start3A_180 = arith.constant 20000 : i32
      %dma_start3A_181 = tpu.memref_slice %arg2[%add3A_171, %dma_start3A_172, %dma_start3A_180] : memref<32x8x100000xf32, #tpu.memory_space<hbm>> -> memref<1x1x8xf32, #tpu.memory_space<hbm>>
      %dma_start3A_182 = tpu.memref_squeeze %dma_start3A_181 : memref<1x1x8xf32, #tpu.memory_space<hbm>> -> memref<8xf32, #tpu.memory_space<hbm>>
      tpu.enqueue_dma source(%dma_start3A_182 : memref<8xf32, #tpu.memory_space<hbm>>) target(%dma_start3A_179 : memref<8xf32, #tpu.memory_space<vmem>>) target_semaphore(%arg8 : memref<!tpu.dma_semaphore, #tpu.memory_space<semaphore_mem>>)
      %add3A_183 = arith.constant 1 : i32
      %add3A_184 = arith.addi %mul3A_2, %add3A_183 : i32
      %dma_start3A_185 = arith.constant 7 : i32
      %dma_start3A_186 = arith.constant 112 : i32
      %dma_start3A_187 = tpu.memref_slice %arg5[%dma_start3A_186] : memref<512xf32, #tpu.memory_space<vmem>> -> memref<8xf32, #tpu.memory_space<vmem>>
      %dma_start3A_188 = arith.constant 50000 : i32
      %dma_start3A_189 = tpu.memref_slice %arg2[%add3A_184, %dma_start3A_185, %dma_start3A_188] : memref<32x8x100000xf32, #tpu.memory_space<hbm>> -> memref<1x1x8xf32, #tpu.memory_space<hbm>>
      %dma_start3A_190 = tpu.memref_squeeze %dma_start3A_189 : memref<1x1x8xf32, #tpu.memory_space<hbm>> -> memref<8xf32, #tpu.memory_space<hbm>>
      %dma_start3A_191 = arith.constant 112 : i32
      %dma_start3A_192 = tpu.memref_slice %arg5[%dma_start3A_191] : memref<512xf32, #tpu.memory_space<vmem>> -> memref<8xf32, #tpu.memory_space<vmem>>
      %dma_start3A_193 = arith.constant 50000 : i32
      %dma_start3A_194 = tpu.memref_slice %arg2[%add3A_184, %dma_start3A_185, %dma_start3A_193] : memref<32x8x100000xf32, #tpu.memory_space<hbm>> -> memref<1x1x8xf32, #tpu.memory_space<hbm>>
      %dma_start3A_195 = tpu.memref_squeeze %dma_start3A_194 : memref<1x1x8xf32, #tpu.memory_space<hbm>> -> memref<8xf32, #tpu.memory_space<hbm>>
      tpu.enqueue_dma source(%dma_start3A_195 : memref<8xf32, #tpu.memory_space<hbm>>) target(%dma_start3A_192 : memref<8xf32, #tpu.memory_space<vmem>>) target_semaphore(%arg8 : memref<!tpu.dma_semaphore, #tpu.memory_space<semaphore_mem>>)
      %add3A_196 = arith.constant 1 : i32
      %add3A_197 = arith.addi %mul3A_2, %add3A_196 : i32
      %dma_start3A_198 = arith.constant 7 : i32
      %dma_start3A_199 = arith.constant 120 : i32
      %dma_start3A_200 = tpu.memref_slice %arg5[%dma_start3A_199] : memref<512xf32, #tpu.memory_space<vmem>> -> memref<8xf32, #tpu.memory_space<vmem>>
      %dma_start3A_201 = arith.constant 99992 : i32
      %dma_start3A_202 = tpu.memref_slice %arg2[%add3A_197, %dma_start3A_198, %dma_start3A_201] : memref<32x8x100000xf32, #tpu.memory_space<hbm>> -> memref<1x1x8xf32, #tpu.memory_space<hbm>>
      %dma_start3A_203 = tpu.memref_squeeze %dma_start3A_202 : memref<1x1x8xf32, #tpu.memory_space<hbm>> -> memref<8xf32, #tpu.memory_space<hbm>>
      %dma_start3A_204 = arith.constant 120 : i32
      %dma_start3A_205 = tpu.memref_slice %arg5[%dma_start3A_204] : memref<512xf32, #tpu.memory_space<vmem>> -> memref<8xf32, #tpu.memory_space<vmem>>
      %dma_start3A_206 = arith.constant 99992 : i32
      %dma_start3A_207 = tpu.memref_slice %arg2[%add3A_197, %dma_start3A_198, %dma_start3A_206] : memref<32x8x100000xf32, #tpu.memory_space<hbm>> -> memref<1x1x8xf32, #tpu.memory_space<hbm>>
      %dma_start3A_208 = tpu.memref_squeeze %dma_start3A_207 : memref<1x1x8xf32, #tpu.memory_space<hbm>> -> memref<8xf32, #tpu.memory_space<hbm>>
      tpu.enqueue_dma source(%dma_start3A_208 : memref<8xf32, #tpu.memory_space<hbm>>) target(%dma_start3A_205 : memref<8xf32, #tpu.memory_space<vmem>>) target_semaphore(%arg8 : memref<!tpu.dma_semaphore, #tpu.memory_space<semaphore_mem>>)
      %add3A_209 = arith.constant 2 : i32
      %add3A_210 = arith.addi %mul3A_2, %add3A_209 : i32
      %dma_start3A_211 = arith.constant 7 : i32
      %dma_start3A_212 = arith.constant 128 : i32
      %dma_start3A_213 = tpu.memref_slice %arg5[%dma_start3A_212] : memref<512xf32, #tpu.memory_space<vmem>> -> memref<8xf32, #tpu.memory_space<vmem>>
      %dma_start3A_214 = arith.constant 8 : i32
      %dma_start3A_215 = tpu.memref_slice %arg2[%add3A_210, %dma_start3A_211, %dma_start3A_214] : memref<32x8x100000xf32, #tpu.memory_space<hbm>> -> memref<1x1x8xf32, #tpu.memory_space<hbm>>
      %dma_start3A_216 = tpu.memref_squeeze %dma_start3A_215 : memref<1x1x8xf32, #tpu.memory_space<hbm>> -> memref<8xf32, #tpu.memory_space<hbm>>
      %dma_start3A_217 = arith.constant 128 : i32
      %dma_start3A_218 = tpu.memref_slice %arg5[%dma_start3A_217] : memref<512xf32, #tpu.memory_space<vmem>> -> memref<8xf32, #tpu.memory_space<vmem>>
      %dma_start3A_219 = arith.constant 8 : i32
      %dma_start3A_220 = tpu.memref_slice %arg2[%add3A_210, %dma_start3A_211, %dma_start3A_219] : memref<32x8x100000xf32, #tpu.memory_space<hbm>> -> memref<1x1x8xf32, #tpu.memory_space<hbm>>
      %dma_start3A_221 = tpu.memref_squeeze %dma_start3A_220 : memref<1x1x8xf32, #tpu.memory_space<hbm>> -> memref<8xf32, #tpu.memory_space<hbm>>
      tpu.enqueue_dma source(%dma_start3A_221 : memref<8xf32, #tpu.memory_space<hbm>>) target(%dma_start3A_218 : memref<8xf32, #tpu.memory_space<vmem>>) target_semaphore(%arg8 : memref<!tpu.dma_semaphore, #tpu.memory_space<semaphore_mem>>)
      %add3A_222 = arith.constant 2 : i32
      %add3A_223 = arith.addi %mul3A_2, %add3A_222 : i32
      %dma_start3A_224 = arith.constant 7 : i32
      %dma_start3A_225 = arith.constant 136 : i32
      %dma_start3A_226 = tpu.memref_slice %arg5[%dma_start3A_225] : memref<512xf32, #tpu.memory_space<vmem>> -> memref<8xf32, #tpu.memory_space<vmem>>
      %dma_start3A_227 = arith.constant 256 : i32
      %dma_start3A_228 = tpu.memref_slice %arg2[%add3A_223, %dma_start3A_224, %dma_start3A_227] : memref<32x8x100000xf32, #tpu.memory_space<hbm>> -> memref<1x1x8xf32, #tpu.memory_space<hbm>>
      %dma_start3A_229 = tpu.memref_squeeze %dma_start3A_228 : memref<1x1x8xf32, #tpu.memory_space<hbm>> -> memref<8xf32, #tpu.memory_space<hbm>>
      %dma_start3A_230 = arith.constant 136 : i32
      %dma_start3A_231 = tpu.memref_slice %arg5[%dma_start3A_230] : memref<512xf32, #tpu.memory_space<vmem>> -> memref<8xf32, #tpu.memory_space<vmem>>
      %dma_start3A_232 = arith.constant 256 : i32
      %dma_start3A_233 = tpu.memref_slice %arg2[%add3A_223, %dma_start3A_224, %dma_start3A_232] : memref<32x8x100000xf32, #tpu.memory_space<hbm>> -> memref<1x1x8xf32, #tpu.memory_space<hbm>>
      %dma_start3A_234 = tpu.memref_squeeze %dma_start3A_233 : memref<1x1x8xf32, #tpu.memory_space<hbm>> -> memref<8xf32, #tpu.memory_space<hbm>>
      tpu.enqueue_dma source(%dma_start3A_234 : memref<8xf32, #tpu.memory_space<hbm>>) target(%dma_start3A_231 : memref<8xf32, #tpu.memory_space<vmem>>) target_semaphore(%arg8 : memref<!tpu.dma_semaphore, #tpu.memory_space<semaphore_mem>>)
      %add3A_235 = arith.constant 2 : i32
      %add3A_236 = arith.addi %mul3A_2, %add3A_235 : i32
      %dma_start3A_237 = arith.constant 7 : i32
      %dma_start3A_238 = arith.constant 144 : i32
      %dma_start3A_239 = tpu.memref_slice %arg5[%dma_start3A_238] : memref<512xf32, #tpu.memory_space<vmem>> -> memref<8xf32, #tpu.memory_space<vmem>>
      %dma_start3A_240 = arith.constant 1024 : i32
      %dma_start3A_241 = tpu.memref_slice %arg2[%add3A_236, %dma_start3A_237, %dma_start3A_240] : memref<32x8x100000xf32, #tpu.memory_space<hbm>> -> memref<1x1x8xf32, #tpu.memory_space<hbm>>
      %dma_start3A_242 = tpu.memref_squeeze %dma_start3A_241 : memref<1x1x8xf32, #tpu.memory_space<hbm>> -> memref<8xf32, #tpu.memory_space<hbm>>
      %dma_start3A_243 = arith.constant 144 : i32
      %dma_start3A_244 = tpu.memref_slice %arg5[%dma_start3A_243] : memref<512xf32, #tpu.memory_space<vmem>> -> memref<8xf32, #tpu.memory_space<vmem>>
      %dma_start3A_245 = arith.constant 1024 : i32
      %dma_start3A_246 = tpu.memref_slice %arg2[%add3A_236, %dma_start3A_237, %dma_start3A_245] : memref<32x8x100000xf32, #tpu.memory_space<hbm>> -> memref<1x1x8xf32, #tpu.memory_space<hbm>>
      %dma_start3A_247 = tpu.memref_squeeze %dma_start3A_246 : memref<1x1x8xf32, #tpu.memory_space<hbm>> -> memref<8xf32, #tpu.memory_space<hbm>>
      tpu.enqueue_dma source(%dma_start3A_247 : memref<8xf32, #tpu.memory_space<hbm>>) target(%dma_start3A_244 : memref<8xf32, #tpu.memory_space<vmem>>) target_semaphore(%arg8 : memref<!tpu.dma_semaphore, #tpu.memory_space<semaphore_mem>>)
      %add3A_248 = arith.constant 2 : i32
      %add3A_249 = arith.addi %mul3A_2, %add3A_248 : i32
      %dma_start3A_250 = arith.constant 7 : i32
      %dma_start3A_251 = arith.constant 152 : i32
      %dma_start3A_252 = tpu.memref_slice %arg5[%dma_start3A_251] : memref<512xf32, #tpu.memory_space<vmem>> -> memref<8xf32, #tpu.memory_space<vmem>>
      %dma_start3A_253 = arith.constant 4096 : i32
      %dma_start3A_254 = tpu.memref_slice %arg2[%add3A_249, %dma_start3A_250, %dma_start3A_253] : memref<32x8x100000xf32, #tpu.memory_space<hbm>> -> memref<1x1x8xf32, #tpu.memory_space<hbm>>
      %dma_start3A_255 = tpu.memref_squeeze %dma_start3A_254 : memref<1x1x8xf32, #tpu.memory_space<hbm>> -> memref<8xf32, #tpu.memory_space<hbm>>
      %dma_start3A_256 = arith.constant 152 : i32
      %dma_start3A_257 = tpu.memref_slice %arg5[%dma_start3A_256] : memref<512xf32, #tpu.memory_space<vmem>> -> memref<8xf32, #tpu.memory_space<vmem>>
      %dma_start3A_258 = arith.constant 4096 : i32
      %dma_start3A_259 = tpu.memref_slice %arg2[%add3A_249, %dma_start3A_250, %dma_start3A_258] : memref<32x8x100000xf32, #tpu.memory_space<hbm>> -> memref<1x1x8xf32, #tpu.memory_space<hbm>>
      %dma_start3A_260 = tpu.memref_squeeze %dma_start3A_259 : memref<1x1x8xf32, #tpu.memory_space<hbm>> -> memref<8xf32, #tpu.memory_space<hbm>>
      tpu.enqueue_dma source(%dma_start3A_260 : memref<8xf32, #tpu.memory_space<hbm>>) target(%dma_start3A_257 : memref<8xf32, #tpu.memory_space<vmem>>) target_semaphore(%arg8 : memref<!tpu.dma_semaphore, #tpu.memory_space<semaphore_mem>>)
      %add3A_261 = arith.constant 2 : i32
      %add3A_262 = arith.addi %mul3A_2, %add3A_261 : i32
      %dma_start3A_263 = arith.constant 7 : i32
      %dma_start3A_264 = arith.constant 160 : i32
      %dma_start3A_265 = tpu.memref_slice %arg5[%dma_start3A_264] : memref<512xf32, #tpu.memory_space<vmem>> -> memref<8xf32, #tpu.memory_space<vmem>>
      %dma_start3A_266 = arith.constant 9992 : i32
      %dma_start3A_267 = tpu.memref_slice %arg2[%add3A_262, %dma_start3A_263, %dma_start3A_266] : memref<32x8x100000xf32, #tpu.memory_space<hbm>> -> memref<1x1x8xf32, #tpu.memory_space<hbm>>
      %dma_start3A_268 = tpu.memref_squeeze %dma_start3A_267 : memref<1x1x8xf32, #tpu.memory_space<hbm>> -> memref<8xf32, #tpu.memory_space<hbm>>
      %dma_start3A_269 = arith.constant 160 : i32
      %dma_start3A_270 = tpu.memref_slice %arg5[%dma_start3A_269] : memref<512xf32, #tpu.memory_space<vmem>> -> memref<8xf32, #tpu.memory_space<vmem>>
      %dma_start3A_271 = arith.constant 9992 : i32
      %dma_start3A_272 = tpu.memref_slice %arg2[%add3A_262, %dma_start3A_263, %dma_start3A_271] : memref<32x8x100000xf32, #tpu.memory_space<hbm>> -> memref<1x1x8xf32, #tpu.memory_space<hbm>>
      %dma_start3A_273 = tpu.memref_squeeze %dma_start3A_272 : memref<1x1x8xf32, #tpu.memory_space<hbm>> -> memref<8xf32, #tpu.memory_space<hbm>>
      tpu.enqueue_dma source(%dma_start3A_273 : memref<8xf32, #tpu.memory_space<hbm>>) target(%dma_start3A_270 : memref<8xf32, #tpu.memory_space<vmem>>) target_semaphore(%arg8 : memref<!tpu.dma_semaphore, #tpu.memory_space<semaphore_mem>>)
      %add3A_274 = arith.constant 2 : i32
      %add3A_275 = arith.addi %mul3A_2, %add3A_274 : i32
      %dma_start3A_276 = arith.constant 7 : i32
      %dma_start3A_277 = arith.constant 168 : i32
      %dma_start3A_278 = tpu.memref_slice %arg5[%dma_start3A_277] : memref<512xf32, #tpu.memory_space<vmem>> -> memref<8xf32, #tpu.memory_space<vmem>>
      %dma_start3A_279 = arith.constant 20000 : i32
      %dma_start3A_280 = tpu.memref_slice %arg2[%add3A_275, %dma_start3A_276, %dma_start3A_279] : memref<32x8x100000xf32, #tpu.memory_space<hbm>> -> memref<1x1x8xf32, #tpu.memory_space<hbm>>
      %dma_start3A_281 = tpu.memref_squeeze %dma_start3A_280 : memref<1x1x8xf32, #tpu.memory_space<hbm>> -> memref<8xf32, #tpu.memory_space<hbm>>
      %dma_start3A_282 = arith.constant 168 : i32
      %dma_start3A_283 = tpu.memref_slice %arg5[%dma_start3A_282] : memref<512xf32, #tpu.memory_space<vmem>> -> memref<8xf32, #tpu.memory_space<vmem>>
      %dma_start3A_284 = arith.constant 20000 : i32
      %dma_start3A_285 = tpu.memref_slice %arg2[%add3A_275, %dma_start3A_276, %dma_start3A_284] : memref<32x8x100000xf32, #tpu.memory_space<hbm>> -> memref<1x1x8xf32, #tpu.memory_space<hbm>>
      %dma_start3A_286 = tpu.memref_squeeze %dma_start3A_285 : memref<1x1x8xf32, #tpu.memory_space<hbm>> -> memref<8xf32, #tpu.memory_space<hbm>>
      tpu.enqueue_dma source(%dma_start3A_286 : memref<8xf32, #tpu.memory_space<hbm>>) target(%dma_start3A_283 : memref<8xf32, #tpu.memory_space<vmem>>) target_semaphore(%arg8 : memref<!tpu.dma_semaphore, #tpu.memory_space<semaphore_mem>>)
      %add3A_287 = arith.constant 2 : i32
      %add3A_288 = arith.addi %mul3A_2, %add3A_287 : i32
      %dma_start3A_289 = arith.constant 7 : i32
      %dma_start3A_290 = arith.constant 176 : i32
      %dma_start3A_291 = tpu.memref_slice %arg5[%dma_start3A_290] : memref<512xf32, #tpu.memory_space<vmem>> -> memref<8xf32, #tpu.memory_space<vmem>>
      %dma_start3A_292 = arith.constant 50000 : i32
      %dma_start3A_293 = tpu.memref_slice %arg2[%add3A_288, %dma_start3A_289, %dma_start3A_292] : memref<32x8x100000xf32, #tpu.memory_space<hbm>> -> memref<1x1x8xf32, #tpu.memory_space<hbm>>
      %dma_start3A_294 = tpu.memref_squeeze %dma_start3A_293 : memref<1x1x8xf32, #tpu.memory_space<hbm>> -> memref<8xf32, #tpu.memory_space<hbm>>
      %dma_start3A_295 = arith.constant 176 : i32
      %dma_start3A_296 = tpu.memref_slice %arg5[%dma_start3A_295] : memref<512xf32, #tpu.memory_space<vmem>> -> memref<8xf32, #tpu.memory_space<vmem>>
      %dma_start3A_297 = arith.constant 50000 : i32
      %dma_start3A_298 = tpu.memref_slice %arg2[%add3A_288, %dma_start3A_289, %dma_start3A_297] : memref<32x8x100000xf32, #tpu.memory_space<hbm>> -> memref<1x1x8xf32, #tpu.memory_space<hbm>>
      %dma_start3A_299 = tpu.memref_squeeze %dma_start3A_298 : memref<1x1x8xf32, #tpu.memory_space<hbm>> -> memref<8xf32, #tpu.memory_space<hbm>>
      tpu.enqueue_dma source(%dma_start3A_299 : memref<8xf32, #tpu.memory_space<hbm>>) target(%dma_start3A_296 : memref<8xf32, #tpu.memory_space<vmem>>) target_semaphore(%arg8 : memref<!tpu.dma_semaphore, #tpu.memory_space<semaphore_mem>>)
      %add3A_300 = arith.constant 2 : i32
      %add3A_301 = arith.addi %mul3A_2, %add3A_300 : i32
      %dma_start3A_302 = arith.constant 7 : i32
      %dma_start3A_303 = arith.constant 184 : i32
      %dma_start3A_304 = tpu.memref_slice %arg5[%dma_start3A_303] : memref<512xf32, #tpu.memory_space<vmem>> -> memref<8xf32, #tpu.memory_space<vmem>>
      %dma_start3A_305 = arith.constant 99992 : i32
      %dma_start3A_306 = tpu.memref_slice %arg2[%add3A_301, %dma_start3A_302, %dma_start3A_305] : memref<32x8x100000xf32, #tpu.memory_space<hbm>> -> memref<1x1x8xf32, #tpu.memory_space<hbm>>
      %dma_start3A_307 = tpu.memref_squeeze %dma_start3A_306 : memref<1x1x8xf32, #tpu.memory_space<hbm>> -> memref<8xf32, #tpu.memory_space<hbm>>
      %dma_start3A_308 = arith.constant 184 : i32
      %dma_start3A_309 = tpu.memref_slice %arg5[%dma_start3A_308] : memref<512xf32, #tpu.memory_space<vmem>> -> memref<8xf32, #tpu.memory_space<vmem>>
      %dma_start3A_310 = arith.constant 99992 : i32
      %dma_start3A_311 = tpu.memref_slice %arg2[%add3A_301, %dma_start3A_302, %dma_start3A_310] : memref<32x8x100000xf32, #tpu.memory_space<hbm>> -> memref<1x1x8xf32, #tpu.memory_space<hbm>>
      %dma_start3A_312 = tpu.memref_squeeze %dma_start3A_311 : memref<1x1x8xf32, #tpu.memory_space<hbm>> -> memref<8xf32, #tpu.memory_space<hbm>>
      tpu.enqueue_dma source(%dma_start3A_312 : memref<8xf32, #tpu.memory_space<hbm>>) target(%dma_start3A_309 : memref<8xf32, #tpu.memory_space<vmem>>) target_semaphore(%arg8 : memref<!tpu.dma_semaphore, #tpu.memory_space<semaphore_mem>>)
      %add3A_313 = arith.constant 3 : i32
      %add3A_314 = arith.addi %mul3A_2, %add3A_313 : i32
      %dma_start3A_315 = arith.constant 7 : i32
      %dma_start3A_316 = arith.constant 192 : i32
      %dma_start3A_317 = tpu.memref_slice %arg5[%dma_start3A_316] : memref<512xf32, #tpu.memory_space<vmem>> -> memref<8xf32, #tpu.memory_space<vmem>>
      %dma_start3A_318 = arith.constant 8 : i32
      %dma_start3A_319 = tpu.memref_slice %arg2[%add3A_314, %dma_start3A_315, %dma_start3A_318] : memref<32x8x100000xf32, #tpu.memory_space<hbm>> -> memref<1x1x8xf32, #tpu.memory_space<hbm>>
      %dma_start3A_320 = tpu.memref_squeeze %dma_start3A_319 : memref<1x1x8xf32, #tpu.memory_space<hbm>> -> memref<8xf32, #tpu.memory_space<hbm>>
      %dma_start3A_321 = arith.constant 192 : i32
      %dma_start3A_322 = tpu.memref_slice %arg5[%dma_start3A_321] : memref<512xf32, #tpu.memory_space<vmem>> -> memref<8xf32, #tpu.memory_space<vmem>>
      %dma_start3A_323 = arith.constant 8 : i32
      %dma_start3A_324 = tpu.memref_slice %arg2[%add3A_314, %dma_start3A_315, %dma_start3A_323] : memref<32x8x100000xf32, #tpu.memory_space<hbm>> -> memref<1x1x8xf32, #tpu.memory_space<hbm>>
      %dma_start3A_325 = tpu.memref_squeeze %dma_start3A_324 : memref<1x1x8xf32, #tpu.memory_space<hbm>> -> memref<8xf32, #tpu.memory_space<hbm>>
      tpu.enqueue_dma source(%dma_start3A_325 : memref<8xf32, #tpu.memory_space<hbm>>) target(%dma_start3A_322 : memref<8xf32, #tpu.memory_space<vmem>>) target_semaphore(%arg8 : memref<!tpu.dma_semaphore, #tpu.memory_space<semaphore_mem>>)
      %add3A_326 = arith.constant 3 : i32
      %add3A_327 = arith.addi %mul3A_2, %add3A_326 : i32
      %dma_start3A_328 = arith.constant 7 : i32
      %dma_start3A_329 = arith.constant 200 : i32
      %dma_start3A_330 = tpu.memref_slice %arg5[%dma_start3A_329] : memref<512xf32, #tpu.memory_space<vmem>> -> memref<8xf32, #tpu.memory_space<vmem>>
      %dma_start3A_331 = arith.constant 256 : i32
      %dma_start3A_332 = tpu.memref_slice %arg2[%add3A_327, %dma_start3A_328, %dma_start3A_331] : memref<32x8x100000xf32, #tpu.memory_space<hbm>> -> memref<1x1x8xf32, #tpu.memory_space<hbm>>
      %dma_start3A_333 = tpu.memref_squeeze %dma_start3A_332 : memref<1x1x8xf32, #tpu.memory_space<hbm>> -> memref<8xf32, #tpu.memory_space<hbm>>
      %dma_start3A_334 = arith.constant 200 : i32
      %dma_start3A_335 = tpu.memref_slice %arg5[%dma_start3A_334] : memref<512xf32, #tpu.memory_space<vmem>> -> memref<8xf32, #tpu.memory_space<vmem>>
      %dma_start3A_336 = arith.constant 256 : i32
      %dma_start3A_337 = tpu.memref_slice %arg2[%add3A_327, %dma_start3A_328, %dma_start3A_336] : memref<32x8x100000xf32, #tpu.memory_space<hbm>> -> memref<1x1x8xf32, #tpu.memory_space<hbm>>
      %dma_start3A_338 = tpu.memref_squeeze %dma_start3A_337 : memref<1x1x8xf32, #tpu.memory_space<hbm>> -> memref<8xf32, #tpu.memory_space<hbm>>
      tpu.enqueue_dma source(%dma_start3A_338 : memref<8xf32, #tpu.memory_space<hbm>>) target(%dma_start3A_335 : memref<8xf32, #tpu.memory_space<vmem>>) target_semaphore(%arg8 : memref<!tpu.dma_semaphore, #tpu.memory_space<semaphore_mem>>)
      %add3A_339 = arith.constant 3 : i32
      %add3A_340 = arith.addi %mul3A_2, %add3A_339 : i32
      %dma_start3A_341 = arith.constant 7 : i32
      %dma_start3A_342 = arith.constant 208 : i32
      %dma_start3A_343 = tpu.memref_slice %arg5[%dma_start3A_342] : memref<512xf32, #tpu.memory_space<vmem>> -> memref<8xf32, #tpu.memory_space<vmem>>
      %dma_start3A_344 = arith.constant 1024 : i32
      %dma_start3A_345 = tpu.memref_slice %arg2[%add3A_340, %dma_start3A_341, %dma_start3A_344] : memref<32x8x100000xf32, #tpu.memory_space<hbm>> -> memref<1x1x8xf32, #tpu.memory_space<hbm>>
      %dma_start3A_346 = tpu.memref_squeeze %dma_start3A_345 : memref<1x1x8xf32, #tpu.memory_space<hbm>> -> memref<8xf32, #tpu.memory_space<hbm>>
      %dma_start3A_347 = arith.constant 208 : i32
      %dma_start3A_348 = tpu.memref_slice %arg5[%dma_start3A_347] : memref<512xf32, #tpu.memory_space<vmem>> -> memref<8xf32, #tpu.memory_space<vmem>>
      %dma_start3A_349 = arith.constant 1024 : i32
      %dma_start3A_350 = tpu.memref_slice %arg2[%add3A_340, %dma_start3A_341, %dma_start3A_349] : memref<32x8x100000xf32, #tpu.memory_space<hbm>> -> memref<1x1x8xf32, #tpu.memory_space<hbm>>
      %dma_start3A_351 = tpu.memref_squeeze %dma_start3A_350 : memref<1x1x8xf32, #tpu.memory_space<hbm>> -> memref<8xf32, #tpu.memory_space<hbm>>
      tpu.enqueue_dma source(%dma_start3A_351 : memref<8xf32, #tpu.memory_space<hbm>>) target(%dma_start3A_348 : memref<8xf32, #tpu.memory_space<vmem>>) target_semaphore(%arg8 : memref<!tpu.dma_semaphore, #tpu.memory_space<semaphore_mem>>)
      %add3A_352 = arith.constant 3 : i32
      %add3A_353 = arith.addi %mul3A_2, %add3A_352 : i32
      %dma_start3A_354 = arith.constant 7 : i32
      %dma_start3A_355 = arith.constant 216 : i32
      %dma_start3A_356 = tpu.memref_slice %arg5[%dma_start3A_355] : memref<512xf32, #tpu.memory_space<vmem>> -> memref<8xf32, #tpu.memory_space<vmem>>
      %dma_start3A_357 = arith.constant 4096 : i32
      %dma_start3A_358 = tpu.memref_slice %arg2[%add3A_353, %dma_start3A_354, %dma_start3A_357] : memref<32x8x100000xf32, #tpu.memory_space<hbm>> -> memref<1x1x8xf32, #tpu.memory_space<hbm>>
      %dma_start3A_359 = tpu.memref_squeeze %dma_start3A_358 : memref<1x1x8xf32, #tpu.memory_space<hbm>> -> memref<8xf32, #tpu.memory_space<hbm>>
      %dma_start3A_360 = arith.constant 216 : i32
      %dma_start3A_361 = tpu.memref_slice %arg5[%dma_start3A_360] : memref<512xf32, #tpu.memory_space<vmem>> -> memref<8xf32, #tpu.memory_space<vmem>>
      %dma_start3A_362 = arith.constant 4096 : i32
      %dma_start3A_363 = tpu.memref_slice %arg2[%add3A_353, %dma_start3A_354, %dma_start3A_362] : memref<32x8x100000xf32, #tpu.memory_space<hbm>> -> memref<1x1x8xf32, #tpu.memory_space<hbm>>
      %dma_start3A_364 = tpu.memref_squeeze %dma_start3A_363 : memref<1x1x8xf32, #tpu.memory_space<hbm>> -> memref<8xf32, #tpu.memory_space<hbm>>
      tpu.enqueue_dma source(%dma_start3A_364 : memref<8xf32, #tpu.memory_space<hbm>>) target(%dma_start3A_361 : memref<8xf32, #tpu.memory_space<vmem>>) target_semaphore(%arg8 : memref<!tpu.dma_semaphore, #tpu.memory_space<semaphore_mem>>)
      %add3A_365 = arith.constant 3 : i32
      %add3A_366 = arith.addi %mul3A_2, %add3A_365 : i32
      %dma_start3A_367 = arith.constant 7 : i32
      %dma_start3A_368 = arith.constant 224 : i32
      %dma_start3A_369 = tpu.memref_slice %arg5[%dma_start3A_368] : memref<512xf32, #tpu.memory_space<vmem>> -> memref<8xf32, #tpu.memory_space<vmem>>
      %dma_start3A_370 = arith.constant 9992 : i32
      %dma_start3A_371 = tpu.memref_slice %arg2[%add3A_366, %dma_start3A_367, %dma_start3A_370] : memref<32x8x100000xf32, #tpu.memory_space<hbm>> -> memref<1x1x8xf32, #tpu.memory_space<hbm>>
      %dma_start3A_372 = tpu.memref_squeeze %dma_start3A_371 : memref<1x1x8xf32, #tpu.memory_space<hbm>> -> memref<8xf32, #tpu.memory_space<hbm>>
      %dma_start3A_373 = arith.constant 224 : i32
      %dma_start3A_374 = tpu.memref_slice %arg5[%dma_start3A_373] : memref<512xf32, #tpu.memory_space<vmem>> -> memref<8xf32, #tpu.memory_space<vmem>>
      %dma_start3A_375 = arith.constant 9992 : i32
      %dma_start3A_376 = tpu.memref_slice %arg2[%add3A_366, %dma_start3A_367, %dma_start3A_375] : memref<32x8x100000xf32, #tpu.memory_space<hbm>> -> memref<1x1x8xf32, #tpu.memory_space<hbm>>
      %dma_start3A_377 = tpu.memref_squeeze %dma_start3A_376 : memref<1x1x8xf32, #tpu.memory_space<hbm>> -> memref<8xf32, #tpu.memory_space<hbm>>
      tpu.enqueue_dma source(%dma_start3A_377 : memref<8xf32, #tpu.memory_space<hbm>>) target(%dma_start3A_374 : memref<8xf32, #tpu.memory_space<vmem>>) target_semaphore(%arg8 : memref<!tpu.dma_semaphore, #tpu.memory_space<semaphore_mem>>)
      %add3A_378 = arith.constant 3 : i32
      %add3A_379 = arith.addi %mul3A_2, %add3A_378 : i32
      %dma_start3A_380 = arith.constant 7 : i32
      %dma_start3A_381 = arith.constant 232 : i32
      %dma_start3A_382 = tpu.memref_slice %arg5[%dma_start3A_381] : memref<512xf32, #tpu.memory_space<vmem>> -> memref<8xf32, #tpu.memory_space<vmem>>
      %dma_start3A_383 = arith.constant 20000 : i32
      %dma_start3A_384 = tpu.memref_slice %arg2[%add3A_379, %dma_start3A_380, %dma_start3A_383] : memref<32x8x100000xf32, #tpu.memory_space<hbm>> -> memref<1x1x8xf32, #tpu.memory_space<hbm>>
      %dma_start3A_385 = tpu.memref_squeeze %dma_start3A_384 : memref<1x1x8xf32, #tpu.memory_space<hbm>> -> memref<8xf32, #tpu.memory_space<hbm>>
      %dma_start3A_386 = arith.constant 232 : i32
      %dma_start3A_387 = tpu.memref_slice %arg5[%dma_start3A_386] : memref<512xf32, #tpu.memory_space<vmem>> -> memref<8xf32, #tpu.memory_space<vmem>>
      %dma_start3A_388 = arith.constant 20000 : i32
      %dma_start3A_389 = tpu.memref_slice %arg2[%add3A_379, %dma_start3A_380, %dma_start3A_388] : memref<32x8x100000xf32, #tpu.memory_space<hbm>> -> memref<1x1x8xf32, #tpu.memory_space<hbm>>
      %dma_start3A_390 = tpu.memref_squeeze %dma_start3A_389 : memref<1x1x8xf32, #tpu.memory_space<hbm>> -> memref<8xf32, #tpu.memory_space<hbm>>
      tpu.enqueue_dma source(%dma_start3A_390 : memref<8xf32, #tpu.memory_space<hbm>>) target(%dma_start3A_387 : memref<8xf32, #tpu.memory_space<vmem>>) target_semaphore(%arg8 : memref<!tpu.dma_semaphore, #tpu.memory_space<semaphore_mem>>)
      %add3A_391 = arith.constant 3 : i32
      %add3A_392 = arith.addi %mul3A_2, %add3A_391 : i32
      %dma_start3A_393 = arith.constant 7 : i32
      %dma_start3A_394 = arith.constant 240 : i32
      %dma_start3A_395 = tpu.memref_slice %arg5[%dma_start3A_394] : memref<512xf32, #tpu.memory_space<vmem>> -> memref<8xf32, #tpu.memory_space<vmem>>
      %dma_start3A_396 = arith.constant 50000 : i32
      %dma_start3A_397 = tpu.memref_slice %arg2[%add3A_392, %dma_start3A_393, %dma_start3A_396] : memref<32x8x100000xf32, #tpu.memory_space<hbm>> -> memref<1x1x8xf32, #tpu.memory_space<hbm>>
      %dma_start3A_398 = tpu.memref_squeeze %dma_start3A_397 : memref<1x1x8xf32, #tpu.memory_space<hbm>> -> memref<8xf32, #tpu.memory_space<hbm>>
      %dma_start3A_399 = arith.constant 240 : i32
      %dma_start3A_400 = tpu.memref_slice %arg5[%dma_start3A_399] : memref<512xf32, #tpu.memory_space<vmem>> -> memref<8xf32, #tpu.memory_space<vmem>>
      %dma_start3A_401 = arith.constant 50000 : i32
      %dma_start3A_402 = tpu.memref_slice %arg2[%add3A_392, %dma_start3A_393, %dma_start3A_401] : memref<32x8x100000xf32, #tpu.memory_space<hbm>> -> memref<1x1x8xf32, #tpu.memory_space<hbm>>
      %dma_start3A_403 = tpu.memref_squeeze %dma_start3A_402 : memref<1x1x8xf32, #tpu.memory_space<hbm>> -> memref<8xf32, #tpu.memory_space<hbm>>
      tpu.enqueue_dma source(%dma_start3A_403 : memref<8xf32, #tpu.memory_space<hbm>>) target(%dma_start3A_400 : memref<8xf32, #tpu.memory_space<vmem>>) target_semaphore(%arg8 : memref<!tpu.dma_semaphore, #tpu.memory_space<semaphore_mem>>)
      %add3A_404 = arith.constant 3 : i32
      %add3A_405 = arith.addi %mul3A_2, %add3A_404 : i32
      %dma_start3A_406 = arith.constant 7 : i32
      %dma_start3A_407 = arith.constant 248 : i32
      %dma_start3A_408 = tpu.memref_slice %arg5[%dma_start3A_407] : memref<512xf32, #tpu.memory_space<vmem>> -> memref<8xf32, #tpu.memory_space<vmem>>
      %dma_start3A_409 = arith.constant 99992 : i32
      %dma_start3A_410 = tpu.memref_slice %arg2[%add3A_405, %dma_start3A_406, %dma_start3A_409] : memref<32x8x100000xf32, #tpu.memory_space<hbm>> -> memref<1x1x8xf32, #tpu.memory_space<hbm>>
      %dma_start3A_411 = tpu.memref_squeeze %dma_start3A_410 : memref<1x1x8xf32, #tpu.memory_space<hbm>> -> memref<8xf32, #tpu.memory_space<hbm>>
      %dma_start3A_412 = arith.constant 248 : i32
      %dma_start3A_413 = tpu.memref_slice %arg5[%dma_start3A_412] : memref<512xf32, #tpu.memory_space<vmem>> -> memref<8xf32, #tpu.memory_space<vmem>>
      %dma_start3A_414 = arith.constant 99992 : i32
      %dma_start3A_415 = tpu.memref_slice %arg2[%add3A_405, %dma_start3A_406, %dma_start3A_414] : memref<32x8x100000xf32, #tpu.memory_space<hbm>> -> memref<1x1x8xf32, #tpu.memory_space<hbm>>
      %dma_start3A_416 = tpu.memref_squeeze %dma_start3A_415 : memref<1x1x8xf32, #tpu.memory_space<hbm>> -> memref<8xf32, #tpu.memory_space<hbm>>
      tpu.enqueue_dma source(%dma_start3A_416 : memref<8xf32, #tpu.memory_space<hbm>>) target(%dma_start3A_413 : memref<8xf32, #tpu.memory_space<vmem>>) target_semaphore(%arg8 : memref<!tpu.dma_semaphore, #tpu.memory_space<semaphore_mem>>)
      %add3A_417 = arith.constant 4 : i32
      %add3A_418 = arith.addi %mul3A_2, %add3A_417 : i32
      %dma_start3A_419 = arith.constant 7 : i32
      %dma_start3A_420 = arith.constant 256 : i32
      %dma_start3A_421 = tpu.memref_slice %arg5[%dma_start3A_420] : memref<512xf32, #tpu.memory_space<vmem>> -> memref<8xf32, #tpu.memory_space<vmem>>
      %dma_start3A_422 = arith.constant 8 : i32
      %dma_start3A_423 = tpu.memref_slice %arg2[%add3A_418, %dma_start3A_419, %dma_start3A_422] : memref<32x8x100000xf32, #tpu.memory_space<hbm>> -> memref<1x1x8xf32, #tpu.memory_space<hbm>>
      %dma_start3A_424 = tpu.memref_squeeze %dma_start3A_423 : memref<1x1x8xf32, #tpu.memory_space<hbm>> -> memref<8xf32, #tpu.memory_space<hbm>>
      %dma_start3A_425 = arith.constant 256 : i32
      %dma_start3A_426 = tpu.memref_slice %arg5[%dma_start3A_425] : memref<512xf32, #tpu.memory_space<vmem>> -> memref<8xf32, #tpu.memory_space<vmem>>
      %dma_start3A_427 = arith.constant 8 : i32
      %dma_start3A_428 = tpu.memref_slice %arg2[%add3A_418, %dma_start3A_419, %dma_start3A_427] : memref<32x8x100000xf32, #tpu.memory_space<hbm>> -> memref<1x1x8xf32, #tpu.memory_space<hbm>>
      %dma_start3A_429 = tpu.memref_squeeze %dma_start3A_428 : memref<1x1x8xf32, #tpu.memory_space<hbm>> -> memref<8xf32, #tpu.memory_space<hbm>>
      tpu.enqueue_dma source(%dma_start3A_429 : memref<8xf32, #tpu.memory_space<hbm>>) target(%dma_start3A_426 : memref<8xf32, #tpu.memory_space<vmem>>) target_semaphore(%arg8 : memref<!tpu.dma_semaphore, #tpu.memory_space<semaphore_mem>>)
      %add3A_430 = arith.constant 4 : i32
      %add3A_431 = arith.addi %mul3A_2, %add3A_430 : i32
      %dma_start3A_432 = arith.constant 7 : i32
      %dma_start3A_433 = arith.constant 264 : i32
      %dma_start3A_434 = tpu.memref_slice %arg5[%dma_start3A_433] : memref<512xf32, #tpu.memory_space<vmem>> -> memref<8xf32, #tpu.memory_space<vmem>>
      %dma_start3A_435 = arith.constant 256 : i32
      %dma_start3A_436 = tpu.memref_slice %arg2[%add3A_431, %dma_start3A_432, %dma_start3A_435] : memref<32x8x100000xf32, #tpu.memory_space<hbm>> -> memref<1x1x8xf32, #tpu.memory_space<hbm>>
      %dma_start3A_437 = tpu.memref_squeeze %dma_start3A_436 : memref<1x1x8xf32, #tpu.memory_space<hbm>> -> memref<8xf32, #tpu.memory_space<hbm>>
      %dma_start3A_438 = arith.constant 264 : i32
      %dma_start3A_439 = tpu.memref_slice %arg5[%dma_start3A_438] : memref<512xf32, #tpu.memory_space<vmem>> -> memref<8xf32, #tpu.memory_space<vmem>>
      %dma_start3A_440 = arith.constant 256 : i32
      %dma_start3A_441 = tpu.memref_slice %arg2[%add3A_431, %dma_start3A_432, %dma_start3A_440] : memref<32x8x100000xf32, #tpu.memory_space<hbm>> -> memref<1x1x8xf32, #tpu.memory_space<hbm>>
      %dma_start3A_442 = tpu.memref_squeeze %dma_start3A_441 : memref<1x1x8xf32, #tpu.memory_space<hbm>> -> memref<8xf32, #tpu.memory_space<hbm>>
      tpu.enqueue_dma source(%dma_start3A_442 : memref<8xf32, #tpu.memory_space<hbm>>) target(%dma_start3A_439 : memref<8xf32, #tpu.memory_space<vmem>>) target_semaphore(%arg8 : memref<!tpu.dma_semaphore, #tpu.memory_space<semaphore_mem>>)
      %add3A_443 = arith.constant 4 : i32
      %add3A_444 = arith.addi %mul3A_2, %add3A_443 : i32
      %dma_start3A_445 = arith.constant 7 : i32
      %dma_start3A_446 = arith.constant 272 : i32
      %dma_start3A_447 = tpu.memref_slice %arg5[%dma_start3A_446] : memref<512xf32, #tpu.memory_space<vmem>> -> memref<8xf32, #tpu.memory_space<vmem>>
      %dma_start3A_448 = arith.constant 1024 : i32
      %dma_start3A_449 = tpu.memref_slice %arg2[%add3A_444, %dma_start3A_445, %dma_start3A_448] : memref<32x8x100000xf32, #tpu.memory_space<hbm>> -> memref<1x1x8xf32, #tpu.memory_space<hbm>>
      %dma_start3A_450 = tpu.memref_squeeze %dma_start3A_449 : memref<1x1x8xf32, #tpu.memory_space<hbm>> -> memref<8xf32, #tpu.memory_space<hbm>>
      %dma_start3A_451 = arith.constant 272 : i32
      %dma_start3A_452 = tpu.memref_slice %arg5[%dma_start3A_451] : memref<512xf32, #tpu.memory_space<vmem>> -> memref<8xf32, #tpu.memory_space<vmem>>
      %dma_start3A_453 = arith.constant 1024 : i32
      %dma_start3A_454 = tpu.memref_slice %arg2[%add3A_444, %dma_start3A_445, %dma_start3A_453] : memref<32x8x100000xf32, #tpu.memory_space<hbm>> -> memref<1x1x8xf32, #tpu.memory_space<hbm>>
      %dma_start3A_455 = tpu.memref_squeeze %dma_start3A_454 : memref<1x1x8xf32, #tpu.memory_space<hbm>> -> memref<8xf32, #tpu.memory_space<hbm>>
      tpu.enqueue_dma source(%dma_start3A_455 : memref<8xf32, #tpu.memory_space<hbm>>) target(%dma_start3A_452 : memref<8xf32, #tpu.memory_space<vmem>>) target_semaphore(%arg8 : memref<!tpu.dma_semaphore, #tpu.memory_space<semaphore_mem>>)
      %add3A_456 = arith.constant 4 : i32
      %add3A_457 = arith.addi %mul3A_2, %add3A_456 : i32
      %dma_start3A_458 = arith.constant 7 : i32
      %dma_start3A_459 = arith.constant 280 : i32
      %dma_start3A_460 = tpu.memref_slice %arg5[%dma_start3A_459] : memref<512xf32, #tpu.memory_space<vmem>> -> memref<8xf32, #tpu.memory_space<vmem>>
      %dma_start3A_461 = arith.constant 4096 : i32
      %dma_start3A_462 = tpu.memref_slice %arg2[%add3A_457, %dma_start3A_458, %dma_start3A_461] : memref<32x8x100000xf32, #tpu.memory_space<hbm>> -> memref<1x1x8xf32, #tpu.memory_space<hbm>>
      %dma_start3A_463 = tpu.memref_squeeze %dma_start3A_462 : memref<1x1x8xf32, #tpu.memory_space<hbm>> -> memref<8xf32, #tpu.memory_space<hbm>>
      %dma_start3A_464 = arith.constant 280 : i32
      %dma_start3A_465 = tpu.memref_slice %arg5[%dma_start3A_464] : memref<512xf32, #tpu.memory_space<vmem>> -> memref<8xf32, #tpu.memory_space<vmem>>
      %dma_start3A_466 = arith.constant 4096 : i32
      %dma_start3A_467 = tpu.memref_slice %arg2[%add3A_457, %dma_start3A_458, %dma_start3A_466] : memref<32x8x100000xf32, #tpu.memory_space<hbm>> -> memref<1x1x8xf32, #tpu.memory_space<hbm>>
      %dma_start3A_468 = tpu.memref_squeeze %dma_start3A_467 : memref<1x1x8xf32, #tpu.memory_space<hbm>> -> memref<8xf32, #tpu.memory_space<hbm>>
      tpu.enqueue_dma source(%dma_start3A_468 : memref<8xf32, #tpu.memory_space<hbm>>) target(%dma_start3A_465 : memref<8xf32, #tpu.memory_space<vmem>>) target_semaphore(%arg8 : memref<!tpu.dma_semaphore, #tpu.memory_space<semaphore_mem>>)
      %add3A_469 = arith.constant 4 : i32
      %add3A_470 = arith.addi %mul3A_2, %add3A_469 : i32
      %dma_start3A_471 = arith.constant 7 : i32
      %dma_start3A_472 = arith.constant 288 : i32
      %dma_start3A_473 = tpu.memref_slice %arg5[%dma_start3A_472] : memref<512xf32, #tpu.memory_space<vmem>> -> memref<8xf32, #tpu.memory_space<vmem>>
      %dma_start3A_474 = arith.constant 9992 : i32
      %dma_start3A_475 = tpu.memref_slice %arg2[%add3A_470, %dma_start3A_471, %dma_start3A_474] : memref<32x8x100000xf32, #tpu.memory_space<hbm>> -> memref<1x1x8xf32, #tpu.memory_space<hbm>>
      %dma_start3A_476 = tpu.memref_squeeze %dma_start3A_475 : memref<1x1x8xf32, #tpu.memory_space<hbm>> -> memref<8xf32, #tpu.memory_space<hbm>>
      %dma_start3A_477 = arith.constant 288 : i32
      %dma_start3A_478 = tpu.memref_slice %arg5[%dma_start3A_477] : memref<512xf32, #tpu.memory_space<vmem>> -> memref<8xf32, #tpu.memory_space<vmem>>
      %dma_start3A_479 = arith.constant 9992 : i32
      %dma_start3A_480 = tpu.memref_slice %arg2[%add3A_470, %dma_start3A_471, %dma_start3A_479] : memref<32x8x100000xf32, #tpu.memory_space<hbm>> -> memref<1x1x8xf32, #tpu.memory_space<hbm>>
      %dma_start3A_481 = tpu.memref_squeeze %dma_start3A_480 : memref<1x1x8xf32, #tpu.memory_space<hbm>> -> memref<8xf32, #tpu.memory_space<hbm>>
      tpu.enqueue_dma source(%dma_start3A_481 : memref<8xf32, #tpu.memory_space<hbm>>) target(%dma_start3A_478 : memref<8xf32, #tpu.memory_space<vmem>>) target_semaphore(%arg8 : memref<!tpu.dma_semaphore, #tpu.memory_space<semaphore_mem>>)
      %add3A_482 = arith.constant 4 : i32
      %add3A_483 = arith.addi %mul3A_2, %add3A_482 : i32
      %dma_start3A_484 = arith.constant 7 : i32
      %dma_start3A_485 = arith.constant 296 : i32
      %dma_start3A_486 = tpu.memref_slice %arg5[%dma_start3A_485] : memref<512xf32, #tpu.memory_space<vmem>> -> memref<8xf32, #tpu.memory_space<vmem>>
      %dma_start3A_487 = arith.constant 20000 : i32
      %dma_start3A_488 = tpu.memref_slice %arg2[%add3A_483, %dma_start3A_484, %dma_start3A_487] : memref<32x8x100000xf32, #tpu.memory_space<hbm>> -> memref<1x1x8xf32, #tpu.memory_space<hbm>>
      %dma_start3A_489 = tpu.memref_squeeze %dma_start3A_488 : memref<1x1x8xf32, #tpu.memory_space<hbm>> -> memref<8xf32, #tpu.memory_space<hbm>>
      %dma_start3A_490 = arith.constant 296 : i32
      %dma_start3A_491 = tpu.memref_slice %arg5[%dma_start3A_490] : memref<512xf32, #tpu.memory_space<vmem>> -> memref<8xf32, #tpu.memory_space<vmem>>
      %dma_start3A_492 = arith.constant 20000 : i32
      %dma_start3A_493 = tpu.memref_slice %arg2[%add3A_483, %dma_start3A_484, %dma_start3A_492] : memref<32x8x100000xf32, #tpu.memory_space<hbm>> -> memref<1x1x8xf32, #tpu.memory_space<hbm>>
      %dma_start3A_494 = tpu.memref_squeeze %dma_start3A_493 : memref<1x1x8xf32, #tpu.memory_space<hbm>> -> memref<8xf32, #tpu.memory_space<hbm>>
      tpu.enqueue_dma source(%dma_start3A_494 : memref<8xf32, #tpu.memory_space<hbm>>) target(%dma_start3A_491 : memref<8xf32, #tpu.memory_space<vmem>>) target_semaphore(%arg8 : memref<!tpu.dma_semaphore, #tpu.memory_space<semaphore_mem>>)
      %add3A_495 = arith.constant 4 : i32
      %add3A_496 = arith.addi %mul3A_2, %add3A_495 : i32
      %dma_start3A_497 = arith.constant 7 : i32
      %dma_start3A_498 = arith.constant 304 : i32
      %dma_start3A_499 = tpu.memref_slice %arg5[%dma_start3A_498] : memref<512xf32, #tpu.memory_space<vmem>> -> memref<8xf32, #tpu.memory_space<vmem>>
      %dma_start3A_500 = arith.constant 50000 : i32
      %dma_start3A_501 = tpu.memref_slice %arg2[%add3A_496, %dma_start3A_497, %dma_start3A_500] : memref<32x8x100000xf32, #tpu.memory_space<hbm>> -> memref<1x1x8xf32, #tpu.memory_space<hbm>>
      %dma_start3A_502 = tpu.memref_squeeze %dma_start3A_501 : memref<1x1x8xf32, #tpu.memory_space<hbm>> -> memref<8xf32, #tpu.memory_space<hbm>>
      %dma_start3A_503 = arith.constant 304 : i32
      %dma_start3A_504 = tpu.memref_slice %arg5[%dma_start3A_503] : memref<512xf32, #tpu.memory_space<vmem>> -> memref<8xf32, #tpu.memory_space<vmem>>
      %dma_start3A_505 = arith.constant 50000 : i32
      %dma_start3A_506 = tpu.memref_slice %arg2[%add3A_496, %dma_start3A_497, %dma_start3A_505] : memref<32x8x100000xf32, #tpu.memory_space<hbm>> -> memref<1x1x8xf32, #tpu.memory_space<hbm>>
      %dma_start3A_507 = tpu.memref_squeeze %dma_start3A_506 : memref<1x1x8xf32, #tpu.memory_space<hbm>> -> memref<8xf32, #tpu.memory_space<hbm>>
      tpu.enqueue_dma source(%dma_start3A_507 : memref<8xf32, #tpu.memory_space<hbm>>) target(%dma_start3A_504 : memref<8xf32, #tpu.memory_space<vmem>>) target_semaphore(%arg8 : memref<!tpu.dma_semaphore, #tpu.memory_space<semaphore_mem>>)
      %add3A_508 = arith.constant 4 : i32
      %add3A_509 = arith.addi %mul3A_2, %add3A_508 : i32
      %dma_start3A_510 = arith.constant 7 : i32
      %dma_start3A_511 = arith.constant 312 : i32
      %dma_start3A_512 = tpu.memref_slice %arg5[%dma_start3A_511] : memref<512xf32, #tpu.memory_space<vmem>> -> memref<8xf32, #tpu.memory_space<vmem>>
      %dma_start3A_513 = arith.constant 99992 : i32
      %dma_start3A_514 = tpu.memref_slice %arg2[%add3A_509, %dma_start3A_510, %dma_start3A_513] : memref<32x8x100000xf32, #tpu.memory_space<hbm>> -> memref<1x1x8xf32, #tpu.memory_space<hbm>>
      %dma_start3A_515 = tpu.memref_squeeze %dma_start3A_514 : memref<1x1x8xf32, #tpu.memory_space<hbm>> -> memref<8xf32, #tpu.memory_space<hbm>>
      %dma_start3A_516 = arith.constant 312 : i32
      %dma_start3A_517 = tpu.memref_slice %arg5[%dma_start3A_516] : memref<512xf32, #tpu.memory_space<vmem>> -> memref<8xf32, #tpu.memory_space<vmem>>
      %dma_start3A_518 = arith.constant 99992 : i32
      %dma_start3A_519 = tpu.memref_slice %arg2[%add3A_509, %dma_start3A_510, %dma_start3A_518] : memref<32x8x100000xf32, #tpu.memory_space<hbm>> -> memref<1x1x8xf32, #tpu.memory_space<hbm>>
      %dma_start3A_520 = tpu.memref_squeeze %dma_start3A_519 : memref<1x1x8xf32, #tpu.memory_space<hbm>> -> memref<8xf32, #tpu.memory_space<hbm>>
      tpu.enqueue_dma source(%dma_start3A_520 : memref<8xf32, #tpu.memory_space<hbm>>) target(%dma_start3A_517 : memref<8xf32, #tpu.memory_space<vmem>>) target_semaphore(%arg8 : memref<!tpu.dma_semaphore, #tpu.memory_space<semaphore_mem>>)
      %add3A_521 = arith.constant 5 : i32
      %add3A_522 = arith.addi %mul3A_2, %add3A_521 : i32
      %dma_start3A_523 = arith.constant 7 : i32
      %dma_start3A_524 = arith.constant 320 : i32
      %dma_start3A_525 = tpu.memref_slice %arg5[%dma_start3A_524] : memref<512xf32, #tpu.memory_space<vmem>> -> memref<8xf32, #tpu.memory_space<vmem>>
      %dma_start3A_526 = arith.constant 8 : i32
      %dma_start3A_527 = tpu.memref_slice %arg2[%add3A_522, %dma_start3A_523, %dma_start3A_526] : memref<32x8x100000xf32, #tpu.memory_space<hbm>> -> memref<1x1x8xf32, #tpu.memory_space<hbm>>
      %dma_start3A_528 = tpu.memref_squeeze %dma_start3A_527 : memref<1x1x8xf32, #tpu.memory_space<hbm>> -> memref<8xf32, #tpu.memory_space<hbm>>
      %dma_start3A_529 = arith.constant 320 : i32
      %dma_start3A_530 = tpu.memref_slice %arg5[%dma_start3A_529] : memref<512xf32, #tpu.memory_space<vmem>> -> memref<8xf32, #tpu.memory_space<vmem>>
      %dma_start3A_531 = arith.constant 8 : i32
      %dma_start3A_532 = tpu.memref_slice %arg2[%add3A_522, %dma_start3A_523, %dma_start3A_531] : memref<32x8x100000xf32, #tpu.memory_space<hbm>> -> memref<1x1x8xf32, #tpu.memory_space<hbm>>
      %dma_start3A_533 = tpu.memref_squeeze %dma_start3A_532 : memref<1x1x8xf32, #tpu.memory_space<hbm>> -> memref<8xf32, #tpu.memory_space<hbm>>
      tpu.enqueue_dma source(%dma_start3A_533 : memref<8xf32, #tpu.memory_space<hbm>>) target(%dma_start3A_530 : memref<8xf32, #tpu.memory_space<vmem>>) target_semaphore(%arg8 : memref<!tpu.dma_semaphore, #tpu.memory_space<semaphore_mem>>)
      %add3A_534 = arith.constant 5 : i32
      %add3A_535 = arith.addi %mul3A_2, %add3A_534 : i32
      %dma_start3A_536 = arith.constant 7 : i32
      %dma_start3A_537 = arith.constant 328 : i32
      %dma_start3A_538 = tpu.memref_slice %arg5[%dma_start3A_537] : memref<512xf32, #tpu.memory_space<vmem>> -> memref<8xf32, #tpu.memory_space<vmem>>
      %dma_start3A_539 = arith.constant 256 : i32
      %dma_start3A_540 = tpu.memref_slice %arg2[%add3A_535, %dma_start3A_536, %dma_start3A_539] : memref<32x8x100000xf32, #tpu.memory_space<hbm>> -> memref<1x1x8xf32, #tpu.memory_space<hbm>>
      %dma_start3A_541 = tpu.memref_squeeze %dma_start3A_540 : memref<1x1x8xf32, #tpu.memory_space<hbm>> -> memref<8xf32, #tpu.memory_space<hbm>>
      %dma_start3A_542 = arith.constant 328 : i32
      %dma_start3A_543 = tpu.memref_slice %arg5[%dma_start3A_542] : memref<512xf32, #tpu.memory_space<vmem>> -> memref<8xf32, #tpu.memory_space<vmem>>
      %dma_start3A_544 = arith.constant 256 : i32
      %dma_start3A_545 = tpu.memref_slice %arg2[%add3A_535, %dma_start3A_536, %dma_start3A_544] : memref<32x8x100000xf32, #tpu.memory_space<hbm>> -> memref<1x1x8xf32, #tpu.memory_space<hbm>>
      %dma_start3A_546 = tpu.memref_squeeze %dma_start3A_545 : memref<1x1x8xf32, #tpu.memory_space<hbm>> -> memref<8xf32, #tpu.memory_space<hbm>>
      tpu.enqueue_dma source(%dma_start3A_546 : memref<8xf32, #tpu.memory_space<hbm>>) target(%dma_start3A_543 : memref<8xf32, #tpu.memory_space<vmem>>) target_semaphore(%arg8 : memref<!tpu.dma_semaphore, #tpu.memory_space<semaphore_mem>>)
      %add3A_547 = arith.constant 5 : i32
      %add3A_548 = arith.addi %mul3A_2, %add3A_547 : i32
      %dma_start3A_549 = arith.constant 7 : i32
      %dma_start3A_550 = arith.constant 336 : i32
      %dma_start3A_551 = tpu.memref_slice %arg5[%dma_start3A_550] : memref<512xf32, #tpu.memory_space<vmem>> -> memref<8xf32, #tpu.memory_space<vmem>>
      %dma_start3A_552 = arith.constant 1024 : i32
      %dma_start3A_553 = tpu.memref_slice %arg2[%add3A_548, %dma_start3A_549, %dma_start3A_552] : memref<32x8x100000xf32, #tpu.memory_space<hbm>> -> memref<1x1x8xf32, #tpu.memory_space<hbm>>
      %dma_start3A_554 = tpu.memref_squeeze %dma_start3A_553 : memref<1x1x8xf32, #tpu.memory_space<hbm>> -> memref<8xf32, #tpu.memory_space<hbm>>
      %dma_start3A_555 = arith.constant 336 : i32
      %dma_start3A_556 = tpu.memref_slice %arg5[%dma_start3A_555] : memref<512xf32, #tpu.memory_space<vmem>> -> memref<8xf32, #tpu.memory_space<vmem>>
      %dma_start3A_557 = arith.constant 1024 : i32
      %dma_start3A_558 = tpu.memref_slice %arg2[%add3A_548, %dma_start3A_549, %dma_start3A_557] : memref<32x8x100000xf32, #tpu.memory_space<hbm>> -> memref<1x1x8xf32, #tpu.memory_space<hbm>>
      %dma_start3A_559 = tpu.memref_squeeze %dma_start3A_558 : memref<1x1x8xf32, #tpu.memory_space<hbm>> -> memref<8xf32, #tpu.memory_space<hbm>>
      tpu.enqueue_dma source(%dma_start3A_559 : memref<8xf32, #tpu.memory_space<hbm>>) target(%dma_start3A_556 : memref<8xf32, #tpu.memory_space<vmem>>) target_semaphore(%arg8 : memref<!tpu.dma_semaphore, #tpu.memory_space<semaphore_mem>>)
      %add3A_560 = arith.constant 5 : i32
      %add3A_561 = arith.addi %mul3A_2, %add3A_560 : i32
      %dma_start3A_562 = arith.constant 7 : i32
      %dma_start3A_563 = arith.constant 344 : i32
      %dma_start3A_564 = tpu.memref_slice %arg5[%dma_start3A_563] : memref<512xf32, #tpu.memory_space<vmem>> -> memref<8xf32, #tpu.memory_space<vmem>>
      %dma_start3A_565 = arith.constant 4096 : i32
      %dma_start3A_566 = tpu.memref_slice %arg2[%add3A_561, %dma_start3A_562, %dma_start3A_565] : memref<32x8x100000xf32, #tpu.memory_space<hbm>> -> memref<1x1x8xf32, #tpu.memory_space<hbm>>
      %dma_start3A_567 = tpu.memref_squeeze %dma_start3A_566 : memref<1x1x8xf32, #tpu.memory_space<hbm>> -> memref<8xf32, #tpu.memory_space<hbm>>
      %dma_start3A_568 = arith.constant 344 : i32
      %dma_start3A_569 = tpu.memref_slice %arg5[%dma_start3A_568] : memref<512xf32, #tpu.memory_space<vmem>> -> memref<8xf32, #tpu.memory_space<vmem>>
      %dma_start3A_570 = arith.constant 4096 : i32
      %dma_start3A_571 = tpu.memref_slice %arg2[%add3A_561, %dma_start3A_562, %dma_start3A_570] : memref<32x8x100000xf32, #tpu.memory_space<hbm>> -> memref<1x1x8xf32, #tpu.memory_space<hbm>>
      %dma_start3A_572 = tpu.memref_squeeze %dma_start3A_571 : memref<1x1x8xf32, #tpu.memory_space<hbm>> -> memref<8xf32, #tpu.memory_space<hbm>>
      tpu.enqueue_dma source(%dma_start3A_572 : memref<8xf32, #tpu.memory_space<hbm>>) target(%dma_start3A_569 : memref<8xf32, #tpu.memory_space<vmem>>) target_semaphore(%arg8 : memref<!tpu.dma_semaphore, #tpu.memory_space<semaphore_mem>>)
      %add3A_573 = arith.constant 5 : i32
      %add3A_574 = arith.addi %mul3A_2, %add3A_573 : i32
      %dma_start3A_575 = arith.constant 7 : i32
      %dma_start3A_576 = arith.constant 352 : i32
      %dma_start3A_577 = tpu.memref_slice %arg5[%dma_start3A_576] : memref<512xf32, #tpu.memory_space<vmem>> -> memref<8xf32, #tpu.memory_space<vmem>>
      %dma_start3A_578 = arith.constant 9992 : i32
      %dma_start3A_579 = tpu.memref_slice %arg2[%add3A_574, %dma_start3A_575, %dma_start3A_578] : memref<32x8x100000xf32, #tpu.memory_space<hbm>> -> memref<1x1x8xf32, #tpu.memory_space<hbm>>
      %dma_start3A_580 = tpu.memref_squeeze %dma_start3A_579 : memref<1x1x8xf32, #tpu.memory_space<hbm>> -> memref<8xf32, #tpu.memory_space<hbm>>
      %dma_start3A_581 = arith.constant 352 : i32
      %dma_start3A_582 = tpu.memref_slice %arg5[%dma_start3A_581] : memref<512xf32, #tpu.memory_space<vmem>> -> memref<8xf32, #tpu.memory_space<vmem>>
      %dma_start3A_583 = arith.constant 9992 : i32
      %dma_start3A_584 = tpu.memref_slice %arg2[%add3A_574, %dma_start3A_575, %dma_start3A_583] : memref<32x8x100000xf32, #tpu.memory_space<hbm>> -> memref<1x1x8xf32, #tpu.memory_space<hbm>>
      %dma_start3A_585 = tpu.memref_squeeze %dma_start3A_584 : memref<1x1x8xf32, #tpu.memory_space<hbm>> -> memref<8xf32, #tpu.memory_space<hbm>>
      tpu.enqueue_dma source(%dma_start3A_585 : memref<8xf32, #tpu.memory_space<hbm>>) target(%dma_start3A_582 : memref<8xf32, #tpu.memory_space<vmem>>) target_semaphore(%arg8 : memref<!tpu.dma_semaphore, #tpu.memory_space<semaphore_mem>>)
      %add3A_586 = arith.constant 5 : i32
      %add3A_587 = arith.addi %mul3A_2, %add3A_586 : i32
      %dma_start3A_588 = arith.constant 7 : i32
      %dma_start3A_589 = arith.constant 360 : i32
      %dma_start3A_590 = tpu.memref_slice %arg5[%dma_start3A_589] : memref<512xf32, #tpu.memory_space<vmem>> -> memref<8xf32, #tpu.memory_space<vmem>>
      %dma_start3A_591 = arith.constant 20000 : i32
      %dma_start3A_592 = tpu.memref_slice %arg2[%add3A_587, %dma_start3A_588, %dma_start3A_591] : memref<32x8x100000xf32, #tpu.memory_space<hbm>> -> memref<1x1x8xf32, #tpu.memory_space<hbm>>
      %dma_start3A_593 = tpu.memref_squeeze %dma_start3A_592 : memref<1x1x8xf32, #tpu.memory_space<hbm>> -> memref<8xf32, #tpu.memory_space<hbm>>
      %dma_start3A_594 = arith.constant 360 : i32
      %dma_start3A_595 = tpu.memref_slice %arg5[%dma_start3A_594] : memref<512xf32, #tpu.memory_space<vmem>> -> memref<8xf32, #tpu.memory_space<vmem>>
      %dma_start3A_596 = arith.constant 20000 : i32
      %dma_start3A_597 = tpu.memref_slice %arg2[%add3A_587, %dma_start3A_588, %dma_start3A_596] : memref<32x8x100000xf32, #tpu.memory_space<hbm>> -> memref<1x1x8xf32, #tpu.memory_space<hbm>>
      %dma_start3A_598 = tpu.memref_squeeze %dma_start3A_597 : memref<1x1x8xf32, #tpu.memory_space<hbm>> -> memref<8xf32, #tpu.memory_space<hbm>>
      tpu.enqueue_dma source(%dma_start3A_598 : memref<8xf32, #tpu.memory_space<hbm>>) target(%dma_start3A_595 : memref<8xf32, #tpu.memory_space<vmem>>) target_semaphore(%arg8 : memref<!tpu.dma_semaphore, #tpu.memory_space<semaphore_mem>>)
      %add3A_599 = arith.constant 5 : i32
      %add3A_600 = arith.addi %mul3A_2, %add3A_599 : i32
      %dma_start3A_601 = arith.constant 7 : i32
      %dma_start3A_602 = arith.constant 368 : i32
      %dma_start3A_603 = tpu.memref_slice %arg5[%dma_start3A_602] : memref<512xf32, #tpu.memory_space<vmem>> -> memref<8xf32, #tpu.memory_space<vmem>>
      %dma_start3A_604 = arith.constant 50000 : i32
      %dma_start3A_605 = tpu.memref_slice %arg2[%add3A_600, %dma_start3A_601, %dma_start3A_604] : memref<32x8x100000xf32, #tpu.memory_space<hbm>> -> memref<1x1x8xf32, #tpu.memory_space<hbm>>
      %dma_start3A_606 = tpu.memref_squeeze %dma_start3A_605 : memref<1x1x8xf32, #tpu.memory_space<hbm>> -> memref<8xf32, #tpu.memory_space<hbm>>
      %dma_start3A_607 = arith.constant 368 : i32
      %dma_start3A_608 = tpu.memref_slice %arg5[%dma_start3A_607] : memref<512xf32, #tpu.memory_space<vmem>> -> memref<8xf32, #tpu.memory_space<vmem>>
      %dma_start3A_609 = arith.constant 50000 : i32
      %dma_start3A_610 = tpu.memref_slice %arg2[%add3A_600, %dma_start3A_601, %dma_start3A_609] : memref<32x8x100000xf32, #tpu.memory_space<hbm>> -> memref<1x1x8xf32, #tpu.memory_space<hbm>>
      %dma_start3A_611 = tpu.memref_squeeze %dma_start3A_610 : memref<1x1x8xf32, #tpu.memory_space<hbm>> -> memref<8xf32, #tpu.memory_space<hbm>>
      tpu.enqueue_dma source(%dma_start3A_611 : memref<8xf32, #tpu.memory_space<hbm>>) target(%dma_start3A_608 : memref<8xf32, #tpu.memory_space<vmem>>) target_semaphore(%arg8 : memref<!tpu.dma_semaphore, #tpu.memory_space<semaphore_mem>>)
      %add3A_612 = arith.constant 5 : i32
      %add3A_613 = arith.addi %mul3A_2, %add3A_612 : i32
      %dma_start3A_614 = arith.constant 7 : i32
      %dma_start3A_615 = arith.constant 376 : i32
      %dma_start3A_616 = tpu.memref_slice %arg5[%dma_start3A_615] : memref<512xf32, #tpu.memory_space<vmem>> -> memref<8xf32, #tpu.memory_space<vmem>>
      %dma_start3A_617 = arith.constant 99992 : i32
      %dma_start3A_618 = tpu.memref_slice %arg2[%add3A_613, %dma_start3A_614, %dma_start3A_617] : memref<32x8x100000xf32, #tpu.memory_space<hbm>> -> memref<1x1x8xf32, #tpu.memory_space<hbm>>
      %dma_start3A_619 = tpu.memref_squeeze %dma_start3A_618 : memref<1x1x8xf32, #tpu.memory_space<hbm>> -> memref<8xf32, #tpu.memory_space<hbm>>
      %dma_start3A_620 = arith.constant 376 : i32
      %dma_start3A_621 = tpu.memref_slice %arg5[%dma_start3A_620] : memref<512xf32, #tpu.memory_space<vmem>> -> memref<8xf32, #tpu.memory_space<vmem>>
      %dma_start3A_622 = arith.constant 99992 : i32
      %dma_start3A_623 = tpu.memref_slice %arg2[%add3A_613, %dma_start3A_614, %dma_start3A_622] : memref<32x8x100000xf32, #tpu.memory_space<hbm>> -> memref<1x1x8xf32, #tpu.memory_space<hbm>>
      %dma_start3A_624 = tpu.memref_squeeze %dma_start3A_623 : memref<1x1x8xf32, #tpu.memory_space<hbm>> -> memref<8xf32, #tpu.memory_space<hbm>>
      tpu.enqueue_dma source(%dma_start3A_624 : memref<8xf32, #tpu.memory_space<hbm>>) target(%dma_start3A_621 : memref<8xf32, #tpu.memory_space<vmem>>) target_semaphore(%arg8 : memref<!tpu.dma_semaphore, #tpu.memory_space<semaphore_mem>>)
      %add3A_625 = arith.constant 6 : i32
      %add3A_626 = arith.addi %mul3A_2, %add3A_625 : i32
      %dma_start3A_627 = arith.constant 7 : i32
      %dma_start3A_628 = arith.constant 384 : i32
      %dma_start3A_629 = tpu.memref_slice %arg5[%dma_start3A_628] : memref<512xf32, #tpu.memory_space<vmem>> -> memref<8xf32, #tpu.memory_space<vmem>>
      %dma_start3A_630 = arith.constant 8 : i32
      %dma_start3A_631 = tpu.memref_slice %arg2[%add3A_626, %dma_start3A_627, %dma_start3A_630] : memref<32x8x100000xf32, #tpu.memory_space<hbm>> -> memref<1x1x8xf32, #tpu.memory_space<hbm>>
      %dma_start3A_632 = tpu.memref_squeeze %dma_start3A_631 : memref<1x1x8xf32, #tpu.memory_space<hbm>> -> memref<8xf32, #tpu.memory_space<hbm>>
      %dma_start3A_633 = arith.constant 384 : i32
      %dma_start3A_634 = tpu.memref_slice %arg5[%dma_start3A_633] : memref<512xf32, #tpu.memory_space<vmem>> -> memref<8xf32, #tpu.memory_space<vmem>>
      %dma_start3A_635 = arith.constant 8 : i32
      %dma_start3A_636 = tpu.memref_slice %arg2[%add3A_626, %dma_start3A_627, %dma_start3A_635] : memref<32x8x100000xf32, #tpu.memory_space<hbm>> -> memref<1x1x8xf32, #tpu.memory_space<hbm>>
      %dma_start3A_637 = tpu.memref_squeeze %dma_start3A_636 : memref<1x1x8xf32, #tpu.memory_space<hbm>> -> memref<8xf32, #tpu.memory_space<hbm>>
      tpu.enqueue_dma source(%dma_start3A_637 : memref<8xf32, #tpu.memory_space<hbm>>) target(%dma_start3A_634 : memref<8xf32, #tpu.memory_space<vmem>>) target_semaphore(%arg8 : memref<!tpu.dma_semaphore, #tpu.memory_space<semaphore_mem>>)
      %add3A_638 = arith.constant 6 : i32
      %add3A_639 = arith.addi %mul3A_2, %add3A_638 : i32
      %dma_start3A_640 = arith.constant 7 : i32
      %dma_start3A_641 = arith.constant 392 : i32
      %dma_start3A_642 = tpu.memref_slice %arg5[%dma_start3A_641] : memref<512xf32, #tpu.memory_space<vmem>> -> memref<8xf32, #tpu.memory_space<vmem>>
      %dma_start3A_643 = arith.constant 256 : i32
      %dma_start3A_644 = tpu.memref_slice %arg2[%add3A_639, %dma_start3A_640, %dma_start3A_643] : memref<32x8x100000xf32, #tpu.memory_space<hbm>> -> memref<1x1x8xf32, #tpu.memory_space<hbm>>
      %dma_start3A_645 = tpu.memref_squeeze %dma_start3A_644 : memref<1x1x8xf32, #tpu.memory_space<hbm>> -> memref<8xf32, #tpu.memory_space<hbm>>
      %dma_start3A_646 = arith.constant 392 : i32
      %dma_start3A_647 = tpu.memref_slice %arg5[%dma_start3A_646] : memref<512xf32, #tpu.memory_space<vmem>> -> memref<8xf32, #tpu.memory_space<vmem>>
      %dma_start3A_648 = arith.constant 256 : i32
      %dma_start3A_649 = tpu.memref_slice %arg2[%add3A_639, %dma_start3A_640, %dma_start3A_648] : memref<32x8x100000xf32, #tpu.memory_space<hbm>> -> memref<1x1x8xf32, #tpu.memory_space<hbm>>
      %dma_start3A_650 = tpu.memref_squeeze %dma_start3A_649 : memref<1x1x8xf32, #tpu.memory_space<hbm>> -> memref<8xf32, #tpu.memory_space<hbm>>
      tpu.enqueue_dma source(%dma_start3A_650 : memref<8xf32, #tpu.memory_space<hbm>>) target(%dma_start3A_647 : memref<8xf32, #tpu.memory_space<vmem>>) target_semaphore(%arg8 : memref<!tpu.dma_semaphore, #tpu.memory_space<semaphore_mem>>)
      %add3A_651 = arith.constant 6 : i32
      %add3A_652 = arith.addi %mul3A_2, %add3A_651 : i32
      %dma_start3A_653 = arith.constant 7 : i32
      %dma_start3A_654 = arith.constant 400 : i32
      %dma_start3A_655 = tpu.memref_slice %arg5[%dma_start3A_654] : memref<512xf32, #tpu.memory_space<vmem>> -> memref<8xf32, #tpu.memory_space<vmem>>
      %dma_start3A_656 = arith.constant 1024 : i32
      %dma_start3A_657 = tpu.memref_slice %arg2[%add3A_652, %dma_start3A_653, %dma_start3A_656] : memref<32x8x100000xf32, #tpu.memory_space<hbm>> -> memref<1x1x8xf32, #tpu.memory_space<hbm>>
      %dma_start3A_658 = tpu.memref_squeeze %dma_start3A_657 : memref<1x1x8xf32, #tpu.memory_space<hbm>> -> memref<8xf32, #tpu.memory_space<hbm>>
      %dma_start3A_659 = arith.constant 400 : i32
      %dma_start3A_660 = tpu.memref_slice %arg5[%dma_start3A_659] : memref<512xf32, #tpu.memory_space<vmem>> -> memref<8xf32, #tpu.memory_space<vmem>>
      %dma_start3A_661 = arith.constant 1024 : i32
      %dma_start3A_662 = tpu.memref_slice %arg2[%add3A_652, %dma_start3A_653, %dma_start3A_661] : memref<32x8x100000xf32, #tpu.memory_space<hbm>> -> memref<1x1x8xf32, #tpu.memory_space<hbm>>
      %dma_start3A_663 = tpu.memref_squeeze %dma_start3A_662 : memref<1x1x8xf32, #tpu.memory_space<hbm>> -> memref<8xf32, #tpu.memory_space<hbm>>
      tpu.enqueue_dma source(%dma_start3A_663 : memref<8xf32, #tpu.memory_space<hbm>>) target(%dma_start3A_660 : memref<8xf32, #tpu.memory_space<vmem>>) target_semaphore(%arg8 : memref<!tpu.dma_semaphore, #tpu.memory_space<semaphore_mem>>)
      %add3A_664 = arith.constant 6 : i32
      %add3A_665 = arith.addi %mul3A_2, %add3A_664 : i32
      %dma_start3A_666 = arith.constant 7 : i32
      %dma_start3A_667 = arith.constant 408 : i32
      %dma_start3A_668 = tpu.memref_slice %arg5[%dma_start3A_667] : memref<512xf32, #tpu.memory_space<vmem>> -> memref<8xf32, #tpu.memory_space<vmem>>
      %dma_start3A_669 = arith.constant 4096 : i32
      %dma_start3A_670 = tpu.memref_slice %arg2[%add3A_665, %dma_start3A_666, %dma_start3A_669] : memref<32x8x100000xf32, #tpu.memory_space<hbm>> -> memref<1x1x8xf32, #tpu.memory_space<hbm>>
      %dma_start3A_671 = tpu.memref_squeeze %dma_start3A_670 : memref<1x1x8xf32, #tpu.memory_space<hbm>> -> memref<8xf32, #tpu.memory_space<hbm>>
      %dma_start3A_672 = arith.constant 408 : i32
      %dma_start3A_673 = tpu.memref_slice %arg5[%dma_start3A_672] : memref<512xf32, #tpu.memory_space<vmem>> -> memref<8xf32, #tpu.memory_space<vmem>>
      %dma_start3A_674 = arith.constant 4096 : i32
      %dma_start3A_675 = tpu.memref_slice %arg2[%add3A_665, %dma_start3A_666, %dma_start3A_674] : memref<32x8x100000xf32, #tpu.memory_space<hbm>> -> memref<1x1x8xf32, #tpu.memory_space<hbm>>
      %dma_start3A_676 = tpu.memref_squeeze %dma_start3A_675 : memref<1x1x8xf32, #tpu.memory_space<hbm>> -> memref<8xf32, #tpu.memory_space<hbm>>
      tpu.enqueue_dma source(%dma_start3A_676 : memref<8xf32, #tpu.memory_space<hbm>>) target(%dma_start3A_673 : memref<8xf32, #tpu.memory_space<vmem>>) target_semaphore(%arg8 : memref<!tpu.dma_semaphore, #tpu.memory_space<semaphore_mem>>)
      %add3A_677 = arith.constant 6 : i32
      %add3A_678 = arith.addi %mul3A_2, %add3A_677 : i32
      %dma_start3A_679 = arith.constant 7 : i32
      %dma_start3A_680 = arith.constant 416 : i32
      %dma_start3A_681 = tpu.memref_slice %arg5[%dma_start3A_680] : memref<512xf32, #tpu.memory_space<vmem>> -> memref<8xf32, #tpu.memory_space<vmem>>
      %dma_start3A_682 = arith.constant 9992 : i32
      %dma_start3A_683 = tpu.memref_slice %arg2[%add3A_678, %dma_start3A_679, %dma_start3A_682] : memref<32x8x100000xf32, #tpu.memory_space<hbm>> -> memref<1x1x8xf32, #tpu.memory_space<hbm>>
      %dma_start3A_684 = tpu.memref_squeeze %dma_start3A_683 : memref<1x1x8xf32, #tpu.memory_space<hbm>> -> memref<8xf32, #tpu.memory_space<hbm>>
      %dma_start3A_685 = arith.constant 416 : i32
      %dma_start3A_686 = tpu.memref_slice %arg5[%dma_start3A_685] : memref<512xf32, #tpu.memory_space<vmem>> -> memref<8xf32, #tpu.memory_space<vmem>>
      %dma_start3A_687 = arith.constant 9992 : i32
      %dma_start3A_688 = tpu.memref_slice %arg2[%add3A_678, %dma_start3A_679, %dma_start3A_687] : memref<32x8x100000xf32, #tpu.memory_space<hbm>> -> memref<1x1x8xf32, #tpu.memory_space<hbm>>
      %dma_start3A_689 = tpu.memref_squeeze %dma_start3A_688 : memref<1x1x8xf32, #tpu.memory_space<hbm>> -> memref<8xf32, #tpu.memory_space<hbm>>
      tpu.enqueue_dma source(%dma_start3A_689 : memref<8xf32, #tpu.memory_space<hbm>>) target(%dma_start3A_686 : memref<8xf32, #tpu.memory_space<vmem>>) target_semaphore(%arg8 : memref<!tpu.dma_semaphore, #tpu.memory_space<semaphore_mem>>)
      %add3A_690 = arith.constant 6 : i32
      %add3A_691 = arith.addi %mul3A_2, %add3A_690 : i32
      %dma_start3A_692 = arith.constant 7 : i32
      %dma_start3A_693 = arith.constant 424 : i32
      %dma_start3A_694 = tpu.memref_slice %arg5[%dma_start3A_693] : memref<512xf32, #tpu.memory_space<vmem>> -> memref<8xf32, #tpu.memory_space<vmem>>
      %dma_start3A_695 = arith.constant 20000 : i32
      %dma_start3A_696 = tpu.memref_slice %arg2[%add3A_691, %dma_start3A_692, %dma_start3A_695] : memref<32x8x100000xf32, #tpu.memory_space<hbm>> -> memref<1x1x8xf32, #tpu.memory_space<hbm>>
      %dma_start3A_697 = tpu.memref_squeeze %dma_start3A_696 : memref<1x1x8xf32, #tpu.memory_space<hbm>> -> memref<8xf32, #tpu.memory_space<hbm>>
      %dma_start3A_698 = arith.constant 424 : i32
      %dma_start3A_699 = tpu.memref_slice %arg5[%dma_start3A_698] : memref<512xf32, #tpu.memory_space<vmem>> -> memref<8xf32, #tpu.memory_space<vmem>>
      %dma_start3A_700 = arith.constant 20000 : i32
      %dma_start3A_701 = tpu.memref_slice %arg2[%add3A_691, %dma_start3A_692, %dma_start3A_700] : memref<32x8x100000xf32, #tpu.memory_space<hbm>> -> memref<1x1x8xf32, #tpu.memory_space<hbm>>
      %dma_start3A_702 = tpu.memref_squeeze %dma_start3A_701 : memref<1x1x8xf32, #tpu.memory_space<hbm>> -> memref<8xf32, #tpu.memory_space<hbm>>
      tpu.enqueue_dma source(%dma_start3A_702 : memref<8xf32, #tpu.memory_space<hbm>>) target(%dma_start3A_699 : memref<8xf32, #tpu.memory_space<vmem>>) target_semaphore(%arg8 : memref<!tpu.dma_semaphore, #tpu.memory_space<semaphore_mem>>)
      %add3A_703 = arith.constant 6 : i32
      %add3A_704 = arith.addi %mul3A_2, %add3A_703 : i32
      %dma_start3A_705 = arith.constant 7 : i32
      %dma_start3A_706 = arith.constant 432 : i32
      %dma_start3A_707 = tpu.memref_slice %arg5[%dma_start3A_706] : memref<512xf32, #tpu.memory_space<vmem>> -> memref<8xf32, #tpu.memory_space<vmem>>
      %dma_start3A_708 = arith.constant 50000 : i32
      %dma_start3A_709 = tpu.memref_slice %arg2[%add3A_704, %dma_start3A_705, %dma_start3A_708] : memref<32x8x100000xf32, #tpu.memory_space<hbm>> -> memref<1x1x8xf32, #tpu.memory_space<hbm>>
      %dma_start3A_710 = tpu.memref_squeeze %dma_start3A_709 : memref<1x1x8xf32, #tpu.memory_space<hbm>> -> memref<8xf32, #tpu.memory_space<hbm>>
      %dma_start3A_711 = arith.constant 432 : i32
      %dma_start3A_712 = tpu.memref_slice %arg5[%dma_start3A_711] : memref<512xf32, #tpu.memory_space<vmem>> -> memref<8xf32, #tpu.memory_space<vmem>>
      %dma_start3A_713 = arith.constant 50000 : i32
      %dma_start3A_714 = tpu.memref_slice %arg2[%add3A_704, %dma_start3A_705, %dma_start3A_713] : memref<32x8x100000xf32, #tpu.memory_space<hbm>> -> memref<1x1x8xf32, #tpu.memory_space<hbm>>
      %dma_start3A_715 = tpu.memref_squeeze %dma_start3A_714 : memref<1x1x8xf32, #tpu.memory_space<hbm>> -> memref<8xf32, #tpu.memory_space<hbm>>
      tpu.enqueue_dma source(%dma_start3A_715 : memref<8xf32, #tpu.memory_space<hbm>>) target(%dma_start3A_712 : memref<8xf32, #tpu.memory_space<vmem>>) target_semaphore(%arg8 : memref<!tpu.dma_semaphore, #tpu.memory_space<semaphore_mem>>)
      %add3A_716 = arith.constant 6 : i32
      %add3A_717 = arith.addi %mul3A_2, %add3A_716 : i32
      %dma_start3A_718 = arith.constant 7 : i32
      %dma_start3A_719 = arith.constant 440 : i32
      %dma_start3A_720 = tpu.memref_slice %arg5[%dma_start3A_719] : memref<512xf32, #tpu.memory_space<vmem>> -> memref<8xf32, #tpu.memory_space<vmem>>
      %dma_start3A_721 = arith.constant 99992 : i32
      %dma_start3A_722 = tpu.memref_slice %arg2[%add3A_717, %dma_start3A_718, %dma_start3A_721] : memref<32x8x100000xf32, #tpu.memory_space<hbm>> -> memref<1x1x8xf32, #tpu.memory_space<hbm>>
      %dma_start3A_723 = tpu.memref_squeeze %dma_start3A_722 : memref<1x1x8xf32, #tpu.memory_space<hbm>> -> memref<8xf32, #tpu.memory_space<hbm>>
      %dma_start3A_724 = arith.constant 440 : i32
      %dma_start3A_725 = tpu.memref_slice %arg5[%dma_start3A_724] : memref<512xf32, #tpu.memory_space<vmem>> -> memref<8xf32, #tpu.memory_space<vmem>>
      %dma_start3A_726 = arith.constant 99992 : i32
      %dma_start3A_727 = tpu.memref_slice %arg2[%add3A_717, %dma_start3A_718, %dma_start3A_726] : memref<32x8x100000xf32, #tpu.memory_space<hbm>> -> memref<1x1x8xf32, #tpu.memory_space<hbm>>
      %dma_start3A_728 = tpu.memref_squeeze %dma_start3A_727 : memref<1x1x8xf32, #tpu.memory_space<hbm>> -> memref<8xf32, #tpu.memory_space<hbm>>
      tpu.enqueue_dma source(%dma_start3A_728 : memref<8xf32, #tpu.memory_space<hbm>>) target(%dma_start3A_725 : memref<8xf32, #tpu.memory_space<vmem>>) target_semaphore(%arg8 : memref<!tpu.dma_semaphore, #tpu.memory_space<semaphore_mem>>)
      %add3A_729 = arith.constant 7 : i32
      %add3A_730 = arith.addi %mul3A_2, %add3A_729 : i32
      %dma_start3A_731 = arith.constant 7 : i32
      %dma_start3A_732 = arith.constant 448 : i32
      %dma_start3A_733 = tpu.memref_slice %arg5[%dma_start3A_732] : memref<512xf32, #tpu.memory_space<vmem>> -> memref<8xf32, #tpu.memory_space<vmem>>
      %dma_start3A_734 = arith.constant 8 : i32
      %dma_start3A_735 = tpu.memref_slice %arg2[%add3A_730, %dma_start3A_731, %dma_start3A_734] : memref<32x8x100000xf32, #tpu.memory_space<hbm>> -> memref<1x1x8xf32, #tpu.memory_space<hbm>>
      %dma_start3A_736 = tpu.memref_squeeze %dma_start3A_735 : memref<1x1x8xf32, #tpu.memory_space<hbm>> -> memref<8xf32, #tpu.memory_space<hbm>>
      %dma_start3A_737 = arith.constant 448 : i32
      %dma_start3A_738 = tpu.memref_slice %arg5[%dma_start3A_737] : memref<512xf32, #tpu.memory_space<vmem>> -> memref<8xf32, #tpu.memory_space<vmem>>
      %dma_start3A_739 = arith.constant 8 : i32
      %dma_start3A_740 = tpu.memref_slice %arg2[%add3A_730, %dma_start3A_731, %dma_start3A_739] : memref<32x8x100000xf32, #tpu.memory_space<hbm>> -> memref<1x1x8xf32, #tpu.memory_space<hbm>>
      %dma_start3A_741 = tpu.memref_squeeze %dma_start3A_740 : memref<1x1x8xf32, #tpu.memory_space<hbm>> -> memref<8xf32, #tpu.memory_space<hbm>>
      tpu.enqueue_dma source(%dma_start3A_741 : memref<8xf32, #tpu.memory_space<hbm>>) target(%dma_start3A_738 : memref<8xf32, #tpu.memory_space<vmem>>) target_semaphore(%arg8 : memref<!tpu.dma_semaphore, #tpu.memory_space<semaphore_mem>>)
      %add3A_742 = arith.constant 7 : i32
      %add3A_743 = arith.addi %mul3A_2, %add3A_742 : i32
      %dma_start3A_744 = arith.constant 7 : i32
      %dma_start3A_745 = arith.constant 456 : i32
      %dma_start3A_746 = tpu.memref_slice %arg5[%dma_start3A_745] : memref<512xf32, #tpu.memory_space<vmem>> -> memref<8xf32, #tpu.memory_space<vmem>>
      %dma_start3A_747 = arith.constant 256 : i32
      %dma_start3A_748 = tpu.memref_slice %arg2[%add3A_743, %dma_start3A_744, %dma_start3A_747] : memref<32x8x100000xf32, #tpu.memory_space<hbm>> -> memref<1x1x8xf32, #tpu.memory_space<hbm>>
      %dma_start3A_749 = tpu.memref_squeeze %dma_start3A_748 : memref<1x1x8xf32, #tpu.memory_space<hbm>> -> memref<8xf32, #tpu.memory_space<hbm>>
      %dma_start3A_750 = arith.constant 456 : i32
      %dma_start3A_751 = tpu.memref_slice %arg5[%dma_start3A_750] : memref<512xf32, #tpu.memory_space<vmem>> -> memref<8xf32, #tpu.memory_space<vmem>>
      %dma_start3A_752 = arith.constant 256 : i32
      %dma_start3A_753 = tpu.memref_slice %arg2[%add3A_743, %dma_start3A_744, %dma_start3A_752] : memref<32x8x100000xf32, #tpu.memory_space<hbm>> -> memref<1x1x8xf32, #tpu.memory_space<hbm>>
      %dma_start3A_754 = tpu.memref_squeeze %dma_start3A_753 : memref<1x1x8xf32, #tpu.memory_space<hbm>> -> memref<8xf32, #tpu.memory_space<hbm>>
      tpu.enqueue_dma source(%dma_start3A_754 : memref<8xf32, #tpu.memory_space<hbm>>) target(%dma_start3A_751 : memref<8xf32, #tpu.memory_space<vmem>>) target_semaphore(%arg8 : memref<!tpu.dma_semaphore, #tpu.memory_space<semaphore_mem>>)
      %add3A_755 = arith.constant 7 : i32
      %add3A_756 = arith.addi %mul3A_2, %add3A_755 : i32
      %dma_start3A_757 = arith.constant 7 : i32
      %dma_start3A_758 = arith.constant 464 : i32
      %dma_start3A_759 = tpu.memref_slice %arg5[%dma_start3A_758] : memref<512xf32, #tpu.memory_space<vmem>> -> memref<8xf32, #tpu.memory_space<vmem>>
      %dma_start3A_760 = arith.constant 1024 : i32
      %dma_start3A_761 = tpu.memref_slice %arg2[%add3A_756, %dma_start3A_757, %dma_start3A_760] : memref<32x8x100000xf32, #tpu.memory_space<hbm>> -> memref<1x1x8xf32, #tpu.memory_space<hbm>>
      %dma_start3A_762 = tpu.memref_squeeze %dma_start3A_761 : memref<1x1x8xf32, #tpu.memory_space<hbm>> -> memref<8xf32, #tpu.memory_space<hbm>>
      %dma_start3A_763 = arith.constant 464 : i32
      %dma_start3A_764 = tpu.memref_slice %arg5[%dma_start3A_763] : memref<512xf32, #tpu.memory_space<vmem>> -> memref<8xf32, #tpu.memory_space<vmem>>
      %dma_start3A_765 = arith.constant 1024 : i32
      %dma_start3A_766 = tpu.memref_slice %arg2[%add3A_756, %dma_start3A_757, %dma_start3A_765] : memref<32x8x100000xf32, #tpu.memory_space<hbm>> -> memref<1x1x8xf32, #tpu.memory_space<hbm>>
      %dma_start3A_767 = tpu.memref_squeeze %dma_start3A_766 : memref<1x1x8xf32, #tpu.memory_space<hbm>> -> memref<8xf32, #tpu.memory_space<hbm>>
      tpu.enqueue_dma source(%dma_start3A_767 : memref<8xf32, #tpu.memory_space<hbm>>) target(%dma_start3A_764 : memref<8xf32, #tpu.memory_space<vmem>>) target_semaphore(%arg8 : memref<!tpu.dma_semaphore, #tpu.memory_space<semaphore_mem>>)
      %add3A_768 = arith.constant 7 : i32
      %add3A_769 = arith.addi %mul3A_2, %add3A_768 : i32
      %dma_start3A_770 = arith.constant 7 : i32
      %dma_start3A_771 = arith.constant 472 : i32
      %dma_start3A_772 = tpu.memref_slice %arg5[%dma_start3A_771] : memref<512xf32, #tpu.memory_space<vmem>> -> memref<8xf32, #tpu.memory_space<vmem>>
      %dma_start3A_773 = arith.constant 4096 : i32
      %dma_start3A_774 = tpu.memref_slice %arg2[%add3A_769, %dma_start3A_770, %dma_start3A_773] : memref<32x8x100000xf32, #tpu.memory_space<hbm>> -> memref<1x1x8xf32, #tpu.memory_space<hbm>>
      %dma_start3A_775 = tpu.memref_squeeze %dma_start3A_774 : memref<1x1x8xf32, #tpu.memory_space<hbm>> -> memref<8xf32, #tpu.memory_space<hbm>>
      %dma_start3A_776 = arith.constant 472 : i32
      %dma_start3A_777 = tpu.memref_slice %arg5[%dma_start3A_776] : memref<512xf32, #tpu.memory_space<vmem>> -> memref<8xf32, #tpu.memory_space<vmem>>
      %dma_start3A_778 = arith.constant 4096 : i32
      %dma_start3A_779 = tpu.memref_slice %arg2[%add3A_769, %dma_start3A_770, %dma_start3A_778] : memref<32x8x100000xf32, #tpu.memory_space<hbm>> -> memref<1x1x8xf32, #tpu.memory_space<hbm>>
      %dma_start3A_780 = tpu.memref_squeeze %dma_start3A_779 : memref<1x1x8xf32, #tpu.memory_space<hbm>> -> memref<8xf32, #tpu.memory_space<hbm>>
      tpu.enqueue_dma source(%dma_start3A_780 : memref<8xf32, #tpu.memory_space<hbm>>) target(%dma_start3A_777 : memref<8xf32, #tpu.memory_space<vmem>>) target_semaphore(%arg8 : memref<!tpu.dma_semaphore, #tpu.memory_space<semaphore_mem>>)
      %add3A_781 = arith.constant 7 : i32
      %add3A_782 = arith.addi %mul3A_2, %add3A_781 : i32
      %dma_start3A_783 = arith.constant 7 : i32
      %dma_start3A_784 = arith.constant 480 : i32
      %dma_start3A_785 = tpu.memref_slice %arg5[%dma_start3A_784] : memref<512xf32, #tpu.memory_space<vmem>> -> memref<8xf32, #tpu.memory_space<vmem>>
      %dma_start3A_786 = arith.constant 9992 : i32
      %dma_start3A_787 = tpu.memref_slice %arg2[%add3A_782, %dma_start3A_783, %dma_start3A_786] : memref<32x8x100000xf32, #tpu.memory_space<hbm>> -> memref<1x1x8xf32, #tpu.memory_space<hbm>>
      %dma_start3A_788 = tpu.memref_squeeze %dma_start3A_787 : memref<1x1x8xf32, #tpu.memory_space<hbm>> -> memref<8xf32, #tpu.memory_space<hbm>>
      %dma_start3A_789 = arith.constant 480 : i32
      %dma_start3A_790 = tpu.memref_slice %arg5[%dma_start3A_789] : memref<512xf32, #tpu.memory_space<vmem>> -> memref<8xf32, #tpu.memory_space<vmem>>
      %dma_start3A_791 = arith.constant 9992 : i32
      %dma_start3A_792 = tpu.memref_slice %arg2[%add3A_782, %dma_start3A_783, %dma_start3A_791] : memref<32x8x100000xf32, #tpu.memory_space<hbm>> -> memref<1x1x8xf32, #tpu.memory_space<hbm>>
      %dma_start3A_793 = tpu.memref_squeeze %dma_start3A_792 : memref<1x1x8xf32, #tpu.memory_space<hbm>> -> memref<8xf32, #tpu.memory_space<hbm>>
      tpu.enqueue_dma source(%dma_start3A_793 : memref<8xf32, #tpu.memory_space<hbm>>) target(%dma_start3A_790 : memref<8xf32, #tpu.memory_space<vmem>>) target_semaphore(%arg8 : memref<!tpu.dma_semaphore, #tpu.memory_space<semaphore_mem>>)
      %add3A_794 = arith.constant 7 : i32
      %add3A_795 = arith.addi %mul3A_2, %add3A_794 : i32
      %dma_start3A_796 = arith.constant 7 : i32
      %dma_start3A_797 = arith.constant 488 : i32
      %dma_start3A_798 = tpu.memref_slice %arg5[%dma_start3A_797] : memref<512xf32, #tpu.memory_space<vmem>> -> memref<8xf32, #tpu.memory_space<vmem>>
      %dma_start3A_799 = arith.constant 20000 : i32
      %dma_start3A_800 = tpu.memref_slice %arg2[%add3A_795, %dma_start3A_796, %dma_start3A_799] : memref<32x8x100000xf32, #tpu.memory_space<hbm>> -> memref<1x1x8xf32, #tpu.memory_space<hbm>>
      %dma_start3A_801 = tpu.memref_squeeze %dma_start3A_800 : memref<1x1x8xf32, #tpu.memory_space<hbm>> -> memref<8xf32, #tpu.memory_space<hbm>>
      %dma_start3A_802 = arith.constant 488 : i32
      %dma_start3A_803 = tpu.memref_slice %arg5[%dma_start3A_802] : memref<512xf32, #tpu.memory_space<vmem>> -> memref<8xf32, #tpu.memory_space<vmem>>
      %dma_start3A_804 = arith.constant 20000 : i32
      %dma_start3A_805 = tpu.memref_slice %arg2[%add3A_795, %dma_start3A_796, %dma_start3A_804] : memref<32x8x100000xf32, #tpu.memory_space<hbm>> -> memref<1x1x8xf32, #tpu.memory_space<hbm>>
      %dma_start3A_806 = tpu.memref_squeeze %dma_start3A_805 : memref<1x1x8xf32, #tpu.memory_space<hbm>> -> memref<8xf32, #tpu.memory_space<hbm>>
      tpu.enqueue_dma source(%dma_start3A_806 : memref<8xf32, #tpu.memory_space<hbm>>) target(%dma_start3A_803 : memref<8xf32, #tpu.memory_space<vmem>>) target_semaphore(%arg8 : memref<!tpu.dma_semaphore, #tpu.memory_space<semaphore_mem>>)
      %add3A_807 = arith.constant 7 : i32
      %add3A_808 = arith.addi %mul3A_2, %add3A_807 : i32
      %dma_start3A_809 = arith.constant 7 : i32
      %dma_start3A_810 = arith.constant 496 : i32
      %dma_start3A_811 = tpu.memref_slice %arg5[%dma_start3A_810] : memref<512xf32, #tpu.memory_space<vmem>> -> memref<8xf32, #tpu.memory_space<vmem>>
      %dma_start3A_812 = arith.constant 50000 : i32
      %dma_start3A_813 = tpu.memref_slice %arg2[%add3A_808, %dma_start3A_809, %dma_start3A_812] : memref<32x8x100000xf32, #tpu.memory_space<hbm>> -> memref<1x1x8xf32, #tpu.memory_space<hbm>>
      %dma_start3A_814 = tpu.memref_squeeze %dma_start3A_813 : memref<1x1x8xf32, #tpu.memory_space<hbm>> -> memref<8xf32, #tpu.memory_space<hbm>>
      %dma_start3A_815 = arith.constant 496 : i32
      %dma_start3A_816 = tpu.memref_slice %arg5[%dma_start3A_815] : memref<512xf32, #tpu.memory_space<vmem>> -> memref<8xf32, #tpu.memory_space<vmem>>
      %dma_start3A_817 = arith.constant 50000 : i32
      %dma_start3A_818 = tpu.memref_slice %arg2[%add3A_808, %dma_start3A_809, %dma_start3A_817] : memref<32x8x100000xf32, #tpu.memory_space<hbm>> -> memref<1x1x8xf32, #tpu.memory_space<hbm>>
      %dma_start3A_819 = tpu.memref_squeeze %dma_start3A_818 : memref<1x1x8xf32, #tpu.memory_space<hbm>> -> memref<8xf32, #tpu.memory_space<hbm>>
      tpu.enqueue_dma source(%dma_start3A_819 : memref<8xf32, #tpu.memory_space<hbm>>) target(%dma_start3A_816 : memref<8xf32, #tpu.memory_space<vmem>>) target_semaphore(%arg8 : memref<!tpu.dma_semaphore, #tpu.memory_space<semaphore_mem>>)
      %add3A_820 = arith.constant 7 : i32
      %add3A_821 = arith.addi %mul3A_2, %add3A_820 : i32
      %dma_start3A_822 = arith.constant 7 : i32
      %dma_start3A_823 = arith.constant 504 : i32
      %dma_start3A_824 = tpu.memref_slice %arg5[%dma_start3A_823] : memref<512xf32, #tpu.memory_space<vmem>> -> memref<8xf32, #tpu.memory_space<vmem>>
      %dma_start3A_825 = arith.constant 99992 : i32
      %dma_start3A_826 = tpu.memref_slice %arg2[%add3A_821, %dma_start3A_822, %dma_start3A_825] : memref<32x8x100000xf32, #tpu.memory_space<hbm>> -> memref<1x1x8xf32, #tpu.memory_space<hbm>>
      %dma_start3A_827 = tpu.memref_squeeze %dma_start3A_826 : memref<1x1x8xf32, #tpu.memory_space<hbm>> -> memref<8xf32, #tpu.memory_space<hbm>>
      %dma_start3A_828 = arith.constant 504 : i32
      %dma_start3A_829 = tpu.memref_slice %arg5[%dma_start3A_828] : memref<512xf32, #tpu.memory_space<vmem>> -> memref<8xf32, #tpu.memory_space<vmem>>
      %dma_start3A_830 = arith.constant 99992 : i32
      %dma_start3A_831 = tpu.memref_slice %arg2[%add3A_821, %dma_start3A_822, %dma_start3A_830] : memref<32x8x100000xf32, #tpu.memory_space<hbm>> -> memref<1x1x8xf32, #tpu.memory_space<hbm>>
      %dma_start3A_832 = tpu.memref_squeeze %dma_start3A_831 : memref<1x1x8xf32, #tpu.memory_space<hbm>> -> memref<8xf32, #tpu.memory_space<hbm>>
      tpu.enqueue_dma source(%dma_start3A_832 : memref<8xf32, #tpu.memory_space<hbm>>) target(%dma_start3A_829 : memref<8xf32, #tpu.memory_space<vmem>>) target_semaphore(%arg8 : memref<!tpu.dma_semaphore, #tpu.memory_space<semaphore_mem>>)
      "tpu.region"() ({
        %run_scoped3A = tpu.sem_alloc : memref<!tpu.dma_semaphore, #tpu.memory_space<semaphore_mem>>
        %dma_start3A_1699 = tpu.memref_slice %arg3[%mul3A_2] : memref<32xi32, #tpu.memory_space<hbm>> -> memref<8xi32, #tpu.memory_space<hbm>>
        %dma_start3A_1700 = tpu.memref_slice %arg3[%mul3A_2] : memref<32xi32, #tpu.memory_space<hbm>> -> memref<8xi32, #tpu.memory_space<hbm>>
        tpu.enqueue_dma source(%dma_start3A_1700 : memref<8xi32, #tpu.memory_space<hbm>>) target(%arg6 : memref<8xi32, #tpu.memory_space<vmem>>) target_semaphore(%run_scoped3A : memref<!tpu.dma_semaphore, #tpu.memory_space<semaphore_mem>>)
        %dma_wait3A_1701 = tpu.memref_slice %arg3[%mul3A_2] : memref<32xi32, #tpu.memory_space<hbm>> -> memref<8xi32, #tpu.memory_space<hbm>>
        %dma_wait3A_1702 = tpu.memref_slice %arg3[%mul3A_2] : memref<32xi32, #tpu.memory_space<hbm>> -> memref<8xi32, #tpu.memory_space<hbm>>
        tpu.wait_dma2 semaphore(%run_scoped3A : memref<!tpu.dma_semaphore, #tpu.memory_space<semaphore_mem>>) src(%dma_wait3A_1702 : memref<8xi32, #tpu.memory_space<hbm>>) dst(%arg6 : memref<8xi32, #tpu.memory_space<vmem>>)
        tpu.yield
      }) : () -> ()
      %dma_wait3A = arith.constant 7 : i32
      %dma_wait3A_833 = arith.constant 0 : i32
      %dma_wait3A_834 = tpu.memref_slice %arg5[%dma_wait3A_833] : memref<512xf32, #tpu.memory_space<vmem>> -> memref<8xf32, #tpu.memory_space<vmem>>
      %dma_wait3A_835 = arith.constant 8 : i32
      %dma_wait3A_836 = tpu.memref_slice %arg2[%add3A_3, %dma_wait3A, %dma_wait3A_835] : memref<32x8x100000xf32, #tpu.memory_space<hbm>> -> memref<1x1x8xf32, #tpu.memory_space<hbm>>
      %dma_wait3A_837 = tpu.memref_squeeze %dma_wait3A_836 : memref<1x1x8xf32, #tpu.memory_space<hbm>> -> memref<8xf32, #tpu.memory_space<hbm>>
      %dma_wait3A_838 = arith.constant 0 : i32
      %dma_wait3A_839 = tpu.memref_slice %arg5[%dma_wait3A_838] : memref<512xf32, #tpu.memory_space<vmem>> -> memref<8xf32, #tpu.memory_space<vmem>>
      %dma_wait3A_840 = arith.constant 8 : i32
      %dma_wait3A_841 = tpu.memref_slice %arg2[%add3A_3, %dma_wait3A, %dma_wait3A_840] : memref<32x8x100000xf32, #tpu.memory_space<hbm>> -> memref<1x1x8xf32, #tpu.memory_space<hbm>>
      %dma_wait3A_842 = tpu.memref_squeeze %dma_wait3A_841 : memref<1x1x8xf32, #tpu.memory_space<hbm>> -> memref<8xf32, #tpu.memory_space<hbm>>
      tpu.wait_dma2 semaphore(%arg8 : memref<!tpu.dma_semaphore, #tpu.memory_space<semaphore_mem>>) src(%dma_wait3A_842 : memref<8xf32, #tpu.memory_space<hbm>>) dst(%dma_wait3A_839 : memref<8xf32, #tpu.memory_space<vmem>>)
      %dma_wait3A_843 = arith.constant 7 : i32
      %dma_wait3A_844 = arith.constant 8 : i32
      %dma_wait3A_845 = tpu.memref_slice %arg5[%dma_wait3A_844] : memref<512xf32, #tpu.memory_space<vmem>> -> memref<8xf32, #tpu.memory_space<vmem>>
      %dma_wait3A_846 = arith.constant 256 : i32
      %dma_wait3A_847 = tpu.memref_slice %arg2[%add3A_15, %dma_wait3A_843, %dma_wait3A_846] : memref<32x8x100000xf32, #tpu.memory_space<hbm>> -> memref<1x1x8xf32, #tpu.memory_space<hbm>>
      %dma_wait3A_848 = tpu.memref_squeeze %dma_wait3A_847 : memref<1x1x8xf32, #tpu.memory_space<hbm>> -> memref<8xf32, #tpu.memory_space<hbm>>
      %dma_wait3A_849 = arith.constant 8 : i32
      %dma_wait3A_850 = tpu.memref_slice %arg5[%dma_wait3A_849] : memref<512xf32, #tpu.memory_space<vmem>> -> memref<8xf32, #tpu.memory_space<vmem>>
      %dma_wait3A_851 = arith.constant 256 : i32
      %dma_wait3A_852 = tpu.memref_slice %arg2[%add3A_15, %dma_wait3A_843, %dma_wait3A_851] : memref<32x8x100000xf32, #tpu.memory_space<hbm>> -> memref<1x1x8xf32, #tpu.memory_space<hbm>>
      %dma_wait3A_853 = tpu.memref_squeeze %dma_wait3A_852 : memref<1x1x8xf32, #tpu.memory_space<hbm>> -> memref<8xf32, #tpu.memory_space<hbm>>
      tpu.wait_dma2 semaphore(%arg8 : memref<!tpu.dma_semaphore, #tpu.memory_space<semaphore_mem>>) src(%dma_wait3A_853 : memref<8xf32, #tpu.memory_space<hbm>>) dst(%dma_wait3A_850 : memref<8xf32, #tpu.memory_space<vmem>>)
      %dma_wait3A_854 = arith.constant 7 : i32
      %dma_wait3A_855 = arith.constant 16 : i32
      %dma_wait3A_856 = tpu.memref_slice %arg5[%dma_wait3A_855] : memref<512xf32, #tpu.memory_space<vmem>> -> memref<8xf32, #tpu.memory_space<vmem>>
      %dma_wait3A_857 = arith.constant 1024 : i32
      %dma_wait3A_858 = tpu.memref_slice %arg2[%add3A_28, %dma_wait3A_854, %dma_wait3A_857] : memref<32x8x100000xf32, #tpu.memory_space<hbm>> -> memref<1x1x8xf32, #tpu.memory_space<hbm>>
      %dma_wait3A_859 = tpu.memref_squeeze %dma_wait3A_858 : memref<1x1x8xf32, #tpu.memory_space<hbm>> -> memref<8xf32, #tpu.memory_space<hbm>>
      %dma_wait3A_860 = arith.constant 16 : i32
      %dma_wait3A_861 = tpu.memref_slice %arg5[%dma_wait3A_860] : memref<512xf32, #tpu.memory_space<vmem>> -> memref<8xf32, #tpu.memory_space<vmem>>
      %dma_wait3A_862 = arith.constant 1024 : i32
      %dma_wait3A_863 = tpu.memref_slice %arg2[%add3A_28, %dma_wait3A_854, %dma_wait3A_862] : memref<32x8x100000xf32, #tpu.memory_space<hbm>> -> memref<1x1x8xf32, #tpu.memory_space<hbm>>
      %dma_wait3A_864 = tpu.memref_squeeze %dma_wait3A_863 : memref<1x1x8xf32, #tpu.memory_space<hbm>> -> memref<8xf32, #tpu.memory_space<hbm>>
      tpu.wait_dma2 semaphore(%arg8 : memref<!tpu.dma_semaphore, #tpu.memory_space<semaphore_mem>>) src(%dma_wait3A_864 : memref<8xf32, #tpu.memory_space<hbm>>) dst(%dma_wait3A_861 : memref<8xf32, #tpu.memory_space<vmem>>)
      %dma_wait3A_865 = arith.constant 7 : i32
      %dma_wait3A_866 = arith.constant 24 : i32
      %dma_wait3A_867 = tpu.memref_slice %arg5[%dma_wait3A_866] : memref<512xf32, #tpu.memory_space<vmem>> -> memref<8xf32, #tpu.memory_space<vmem>>
      %dma_wait3A_868 = arith.constant 4096 : i32
      %dma_wait3A_869 = tpu.memref_slice %arg2[%add3A_41, %dma_wait3A_865, %dma_wait3A_868] : memref<32x8x100000xf32, #tpu.memory_space<hbm>> -> memref<1x1x8xf32, #tpu.memory_space<hbm>>
      %dma_wait3A_870 = tpu.memref_squeeze %dma_wait3A_869 : memref<1x1x8xf32, #tpu.memory_space<hbm>> -> memref<8xf32, #tpu.memory_space<hbm>>
      %dma_wait3A_871 = arith.constant 24 : i32
      %dma_wait3A_872 = tpu.memref_slice %arg5[%dma_wait3A_871] : memref<512xf32, #tpu.memory_space<vmem>> -> memref<8xf32, #tpu.memory_space<vmem>>
      %dma_wait3A_873 = arith.constant 4096 : i32
      %dma_wait3A_874 = tpu.memref_slice %arg2[%add3A_41, %dma_wait3A_865, %dma_wait3A_873] : memref<32x8x100000xf32, #tpu.memory_space<hbm>> -> memref<1x1x8xf32, #tpu.memory_space<hbm>>
      %dma_wait3A_875 = tpu.memref_squeeze %dma_wait3A_874 : memref<1x1x8xf32, #tpu.memory_space<hbm>> -> memref<8xf32, #tpu.memory_space<hbm>>
      tpu.wait_dma2 semaphore(%arg8 : memref<!tpu.dma_semaphore, #tpu.memory_space<semaphore_mem>>) src(%dma_wait3A_875 : memref<8xf32, #tpu.memory_space<hbm>>) dst(%dma_wait3A_872 : memref<8xf32, #tpu.memory_space<vmem>>)
      %dma_wait3A_876 = arith.constant 7 : i32
      %dma_wait3A_877 = arith.constant 32 : i32
      %dma_wait3A_878 = tpu.memref_slice %arg5[%dma_wait3A_877] : memref<512xf32, #tpu.memory_space<vmem>> -> memref<8xf32, #tpu.memory_space<vmem>>
      %dma_wait3A_879 = arith.constant 9992 : i32
      %dma_wait3A_880 = tpu.memref_slice %arg2[%add3A_54, %dma_wait3A_876, %dma_wait3A_879] : memref<32x8x100000xf32, #tpu.memory_space<hbm>> -> memref<1x1x8xf32, #tpu.memory_space<hbm>>
      %dma_wait3A_881 = tpu.memref_squeeze %dma_wait3A_880 : memref<1x1x8xf32, #tpu.memory_space<hbm>> -> memref<8xf32, #tpu.memory_space<hbm>>
      %dma_wait3A_882 = arith.constant 32 : i32
      %dma_wait3A_883 = tpu.memref_slice %arg5[%dma_wait3A_882] : memref<512xf32, #tpu.memory_space<vmem>> -> memref<8xf32, #tpu.memory_space<vmem>>
      %dma_wait3A_884 = arith.constant 9992 : i32
      %dma_wait3A_885 = tpu.memref_slice %arg2[%add3A_54, %dma_wait3A_876, %dma_wait3A_884] : memref<32x8x100000xf32, #tpu.memory_space<hbm>> -> memref<1x1x8xf32, #tpu.memory_space<hbm>>
      %dma_wait3A_886 = tpu.memref_squeeze %dma_wait3A_885 : memref<1x1x8xf32, #tpu.memory_space<hbm>> -> memref<8xf32, #tpu.memory_space<hbm>>
      tpu.wait_dma2 semaphore(%arg8 : memref<!tpu.dma_semaphore, #tpu.memory_space<semaphore_mem>>) src(%dma_wait3A_886 : memref<8xf32, #tpu.memory_space<hbm>>) dst(%dma_wait3A_883 : memref<8xf32, #tpu.memory_space<vmem>>)
      %dma_wait3A_887 = arith.constant 7 : i32
      %dma_wait3A_888 = arith.constant 40 : i32
      %dma_wait3A_889 = tpu.memref_slice %arg5[%dma_wait3A_888] : memref<512xf32, #tpu.memory_space<vmem>> -> memref<8xf32, #tpu.memory_space<vmem>>
      %dma_wait3A_890 = arith.constant 20000 : i32
      %dma_wait3A_891 = tpu.memref_slice %arg2[%add3A_67, %dma_wait3A_887, %dma_wait3A_890] : memref<32x8x100000xf32, #tpu.memory_space<hbm>> -> memref<1x1x8xf32, #tpu.memory_space<hbm>>
      %dma_wait3A_892 = tpu.memref_squeeze %dma_wait3A_891 : memref<1x1x8xf32, #tpu.memory_space<hbm>> -> memref<8xf32, #tpu.memory_space<hbm>>
      %dma_wait3A_893 = arith.constant 40 : i32
      %dma_wait3A_894 = tpu.memref_slice %arg5[%dma_wait3A_893] : memref<512xf32, #tpu.memory_space<vmem>> -> memref<8xf32, #tpu.memory_space<vmem>>
      %dma_wait3A_895 = arith.constant 20000 : i32
      %dma_wait3A_896 = tpu.memref_slice %arg2[%add3A_67, %dma_wait3A_887, %dma_wait3A_895] : memref<32x8x100000xf32, #tpu.memory_space<hbm>> -> memref<1x1x8xf32, #tpu.memory_space<hbm>>
      %dma_wait3A_897 = tpu.memref_squeeze %dma_wait3A_896 : memref<1x1x8xf32, #tpu.memory_space<hbm>> -> memref<8xf32, #tpu.memory_space<hbm>>
      tpu.wait_dma2 semaphore(%arg8 : memref<!tpu.dma_semaphore, #tpu.memory_space<semaphore_mem>>) src(%dma_wait3A_897 : memref<8xf32, #tpu.memory_space<hbm>>) dst(%dma_wait3A_894 : memref<8xf32, #tpu.memory_space<vmem>>)
      %dma_wait3A_898 = arith.constant 7 : i32
      %dma_wait3A_899 = arith.constant 48 : i32
      %dma_wait3A_900 = tpu.memref_slice %arg5[%dma_wait3A_899] : memref<512xf32, #tpu.memory_space<vmem>> -> memref<8xf32, #tpu.memory_space<vmem>>
      %dma_wait3A_901 = arith.constant 50000 : i32
      %dma_wait3A_902 = tpu.memref_slice %arg2[%add3A_80, %dma_wait3A_898, %dma_wait3A_901] : memref<32x8x100000xf32, #tpu.memory_space<hbm>> -> memref<1x1x8xf32, #tpu.memory_space<hbm>>
      %dma_wait3A_903 = tpu.memref_squeeze %dma_wait3A_902 : memref<1x1x8xf32, #tpu.memory_space<hbm>> -> memref<8xf32, #tpu.memory_space<hbm>>
      %dma_wait3A_904 = arith.constant 48 : i32
      %dma_wait3A_905 = tpu.memref_slice %arg5[%dma_wait3A_904] : memref<512xf32, #tpu.memory_space<vmem>> -> memref<8xf32, #tpu.memory_space<vmem>>
      %dma_wait3A_906 = arith.constant 50000 : i32
      %dma_wait3A_907 = tpu.memref_slice %arg2[%add3A_80, %dma_wait3A_898, %dma_wait3A_906] : memref<32x8x100000xf32, #tpu.memory_space<hbm>> -> memref<1x1x8xf32, #tpu.memory_space<hbm>>
      %dma_wait3A_908 = tpu.memref_squeeze %dma_wait3A_907 : memref<1x1x8xf32, #tpu.memory_space<hbm>> -> memref<8xf32, #tpu.memory_space<hbm>>
      tpu.wait_dma2 semaphore(%arg8 : memref<!tpu.dma_semaphore, #tpu.memory_space<semaphore_mem>>) src(%dma_wait3A_908 : memref<8xf32, #tpu.memory_space<hbm>>) dst(%dma_wait3A_905 : memref<8xf32, #tpu.memory_space<vmem>>)
      %dma_wait3A_909 = arith.constant 7 : i32
      %dma_wait3A_910 = arith.constant 56 : i32
      %dma_wait3A_911 = tpu.memref_slice %arg5[%dma_wait3A_910] : memref<512xf32, #tpu.memory_space<vmem>> -> memref<8xf32, #tpu.memory_space<vmem>>
      %dma_wait3A_912 = arith.constant 99992 : i32
      %dma_wait3A_913 = tpu.memref_slice %arg2[%add3A_93, %dma_wait3A_909, %dma_wait3A_912] : memref<32x8x100000xf32, #tpu.memory_space<hbm>> -> memref<1x1x8xf32, #tpu.memory_space<hbm>>
      %dma_wait3A_914 = tpu.memref_squeeze %dma_wait3A_913 : memref<1x1x8xf32, #tpu.memory_space<hbm>> -> memref<8xf32, #tpu.memory_space<hbm>>
      %dma_wait3A_915 = arith.constant 56 : i32
      %dma_wait3A_916 = tpu.memref_slice %arg5[%dma_wait3A_915] : memref<512xf32, #tpu.memory_space<vmem>> -> memref<8xf32, #tpu.memory_space<vmem>>
      %dma_wait3A_917 = arith.constant 99992 : i32
      %dma_wait3A_918 = tpu.memref_slice %arg2[%add3A_93, %dma_wait3A_909, %dma_wait3A_917] : memref<32x8x100000xf32, #tpu.memory_space<hbm>> -> memref<1x1x8xf32, #tpu.memory_space<hbm>>
      %dma_wait3A_919 = tpu.memref_squeeze %dma_wait3A_918 : memref<1x1x8xf32, #tpu.memory_space<hbm>> -> memref<8xf32, #tpu.memory_space<hbm>>
      tpu.wait_dma2 semaphore(%arg8 : memref<!tpu.dma_semaphore, #tpu.memory_space<semaphore_mem>>) src(%dma_wait3A_919 : memref<8xf32, #tpu.memory_space<hbm>>) dst(%dma_wait3A_916 : memref<8xf32, #tpu.memory_space<vmem>>)
      %dma_wait3A_920 = arith.constant 7 : i32
      %dma_wait3A_921 = arith.constant 64 : i32
      %dma_wait3A_922 = tpu.memref_slice %arg5[%dma_wait3A_921] : memref<512xf32, #tpu.memory_space<vmem>> -> memref<8xf32, #tpu.memory_space<vmem>>
      %dma_wait3A_923 = arith.constant 8 : i32
      %dma_wait3A_924 = tpu.memref_slice %arg2[%add3A_106, %dma_wait3A_920, %dma_wait3A_923] : memref<32x8x100000xf32, #tpu.memory_space<hbm>> -> memref<1x1x8xf32, #tpu.memory_space<hbm>>
      %dma_wait3A_925 = tpu.memref_squeeze %dma_wait3A_924 : memref<1x1x8xf32, #tpu.memory_space<hbm>> -> memref<8xf32, #tpu.memory_space<hbm>>
      %dma_wait3A_926 = arith.constant 64 : i32
      %dma_wait3A_927 = tpu.memref_slice %arg5[%dma_wait3A_926] : memref<512xf32, #tpu.memory_space<vmem>> -> memref<8xf32, #tpu.memory_space<vmem>>
      %dma_wait3A_928 = arith.constant 8 : i32
      %dma_wait3A_929 = tpu.memref_slice %arg2[%add3A_106, %dma_wait3A_920, %dma_wait3A_928] : memref<32x8x100000xf32, #tpu.memory_space<hbm>> -> memref<1x1x8xf32, #tpu.memory_space<hbm>>
      %dma_wait3A_930 = tpu.memref_squeeze %dma_wait3A_929 : memref<1x1x8xf32, #tpu.memory_space<hbm>> -> memref<8xf32, #tpu.memory_space<hbm>>
      tpu.wait_dma2 semaphore(%arg8 : memref<!tpu.dma_semaphore, #tpu.memory_space<semaphore_mem>>) src(%dma_wait3A_930 : memref<8xf32, #tpu.memory_space<hbm>>) dst(%dma_wait3A_927 : memref<8xf32, #tpu.memory_space<vmem>>)
      %dma_wait3A_931 = arith.constant 7 : i32
      %dma_wait3A_932 = arith.constant 72 : i32
      %dma_wait3A_933 = tpu.memref_slice %arg5[%dma_wait3A_932] : memref<512xf32, #tpu.memory_space<vmem>> -> memref<8xf32, #tpu.memory_space<vmem>>
      %dma_wait3A_934 = arith.constant 256 : i32
      %dma_wait3A_935 = tpu.memref_slice %arg2[%add3A_119, %dma_wait3A_931, %dma_wait3A_934] : memref<32x8x100000xf32, #tpu.memory_space<hbm>> -> memref<1x1x8xf32, #tpu.memory_space<hbm>>
      %dma_wait3A_936 = tpu.memref_squeeze %dma_wait3A_935 : memref<1x1x8xf32, #tpu.memory_space<hbm>> -> memref<8xf32, #tpu.memory_space<hbm>>
      %dma_wait3A_937 = arith.constant 72 : i32
      %dma_wait3A_938 = tpu.memref_slice %arg5[%dma_wait3A_937] : memref<512xf32, #tpu.memory_space<vmem>> -> memref<8xf32, #tpu.memory_space<vmem>>
      %dma_wait3A_939 = arith.constant 256 : i32
      %dma_wait3A_940 = tpu.memref_slice %arg2[%add3A_119, %dma_wait3A_931, %dma_wait3A_939] : memref<32x8x100000xf32, #tpu.memory_space<hbm>> -> memref<1x1x8xf32, #tpu.memory_space<hbm>>
      %dma_wait3A_941 = tpu.memref_squeeze %dma_wait3A_940 : memref<1x1x8xf32, #tpu.memory_space<hbm>> -> memref<8xf32, #tpu.memory_space<hbm>>
      tpu.wait_dma2 semaphore(%arg8 : memref<!tpu.dma_semaphore, #tpu.memory_space<semaphore_mem>>) src(%dma_wait3A_941 : memref<8xf32, #tpu.memory_space<hbm>>) dst(%dma_wait3A_938 : memref<8xf32, #tpu.memory_space<vmem>>)
      %dma_wait3A_942 = arith.constant 7 : i32
      %dma_wait3A_943 = arith.constant 80 : i32
      %dma_wait3A_944 = tpu.memref_slice %arg5[%dma_wait3A_943] : memref<512xf32, #tpu.memory_space<vmem>> -> memref<8xf32, #tpu.memory_space<vmem>>
      %dma_wait3A_945 = arith.constant 1024 : i32
      %dma_wait3A_946 = tpu.memref_slice %arg2[%add3A_132, %dma_wait3A_942, %dma_wait3A_945] : memref<32x8x100000xf32, #tpu.memory_space<hbm>> -> memref<1x1x8xf32, #tpu.memory_space<hbm>>
      %dma_wait3A_947 = tpu.memref_squeeze %dma_wait3A_946 : memref<1x1x8xf32, #tpu.memory_space<hbm>> -> memref<8xf32, #tpu.memory_space<hbm>>
      %dma_wait3A_948 = arith.constant 80 : i32
      %dma_wait3A_949 = tpu.memref_slice %arg5[%dma_wait3A_948] : memref<512xf32, #tpu.memory_space<vmem>> -> memref<8xf32, #tpu.memory_space<vmem>>
      %dma_wait3A_950 = arith.constant 1024 : i32
      %dma_wait3A_951 = tpu.memref_slice %arg2[%add3A_132, %dma_wait3A_942, %dma_wait3A_950] : memref<32x8x100000xf32, #tpu.memory_space<hbm>> -> memref<1x1x8xf32, #tpu.memory_space<hbm>>
      %dma_wait3A_952 = tpu.memref_squeeze %dma_wait3A_951 : memref<1x1x8xf32, #tpu.memory_space<hbm>> -> memref<8xf32, #tpu.memory_space<hbm>>
      tpu.wait_dma2 semaphore(%arg8 : memref<!tpu.dma_semaphore, #tpu.memory_space<semaphore_mem>>) src(%dma_wait3A_952 : memref<8xf32, #tpu.memory_space<hbm>>) dst(%dma_wait3A_949 : memref<8xf32, #tpu.memory_space<vmem>>)
      %dma_wait3A_953 = arith.constant 7 : i32
      %dma_wait3A_954 = arith.constant 88 : i32
      %dma_wait3A_955 = tpu.memref_slice %arg5[%dma_wait3A_954] : memref<512xf32, #tpu.memory_space<vmem>> -> memref<8xf32, #tpu.memory_space<vmem>>
      %dma_wait3A_956 = arith.constant 4096 : i32
      %dma_wait3A_957 = tpu.memref_slice %arg2[%add3A_145, %dma_wait3A_953, %dma_wait3A_956] : memref<32x8x100000xf32, #tpu.memory_space<hbm>> -> memref<1x1x8xf32, #tpu.memory_space<hbm>>
      %dma_wait3A_958 = tpu.memref_squeeze %dma_wait3A_957 : memref<1x1x8xf32, #tpu.memory_space<hbm>> -> memref<8xf32, #tpu.memory_space<hbm>>
      %dma_wait3A_959 = arith.constant 88 : i32
      %dma_wait3A_960 = tpu.memref_slice %arg5[%dma_wait3A_959] : memref<512xf32, #tpu.memory_space<vmem>> -> memref<8xf32, #tpu.memory_space<vmem>>
      %dma_wait3A_961 = arith.constant 4096 : i32
      %dma_wait3A_962 = tpu.memref_slice %arg2[%add3A_145, %dma_wait3A_953, %dma_wait3A_961] : memref<32x8x100000xf32, #tpu.memory_space<hbm>> -> memref<1x1x8xf32, #tpu.memory_space<hbm>>
      %dma_wait3A_963 = tpu.memref_squeeze %dma_wait3A_962 : memref<1x1x8xf32, #tpu.memory_space<hbm>> -> memref<8xf32, #tpu.memory_space<hbm>>
      tpu.wait_dma2 semaphore(%arg8 : memref<!tpu.dma_semaphore, #tpu.memory_space<semaphore_mem>>) src(%dma_wait3A_963 : memref<8xf32, #tpu.memory_space<hbm>>) dst(%dma_wait3A_960 : memref<8xf32, #tpu.memory_space<vmem>>)
      %dma_wait3A_964 = arith.constant 7 : i32
      %dma_wait3A_965 = arith.constant 96 : i32
      %dma_wait3A_966 = tpu.memref_slice %arg5[%dma_wait3A_965] : memref<512xf32, #tpu.memory_space<vmem>> -> memref<8xf32, #tpu.memory_space<vmem>>
      %dma_wait3A_967 = arith.constant 9992 : i32
      %dma_wait3A_968 = tpu.memref_slice %arg2[%add3A_158, %dma_wait3A_964, %dma_wait3A_967] : memref<32x8x100000xf32, #tpu.memory_space<hbm>> -> memref<1x1x8xf32, #tpu.memory_space<hbm>>
      %dma_wait3A_969 = tpu.memref_squeeze %dma_wait3A_968 : memref<1x1x8xf32, #tpu.memory_space<hbm>> -> memref<8xf32, #tpu.memory_space<hbm>>
      %dma_wait3A_970 = arith.constant 96 : i32
      %dma_wait3A_971 = tpu.memref_slice %arg5[%dma_wait3A_970] : memref<512xf32, #tpu.memory_space<vmem>> -> memref<8xf32, #tpu.memory_space<vmem>>
      %dma_wait3A_972 = arith.constant 9992 : i32
      %dma_wait3A_973 = tpu.memref_slice %arg2[%add3A_158, %dma_wait3A_964, %dma_wait3A_972] : memref<32x8x100000xf32, #tpu.memory_space<hbm>> -> memref<1x1x8xf32, #tpu.memory_space<hbm>>
      %dma_wait3A_974 = tpu.memref_squeeze %dma_wait3A_973 : memref<1x1x8xf32, #tpu.memory_space<hbm>> -> memref<8xf32, #tpu.memory_space<hbm>>
      tpu.wait_dma2 semaphore(%arg8 : memref<!tpu.dma_semaphore, #tpu.memory_space<semaphore_mem>>) src(%dma_wait3A_974 : memref<8xf32, #tpu.memory_space<hbm>>) dst(%dma_wait3A_971 : memref<8xf32, #tpu.memory_space<vmem>>)
      %dma_wait3A_975 = arith.constant 7 : i32
      %dma_wait3A_976 = arith.constant 104 : i32
      %dma_wait3A_977 = tpu.memref_slice %arg5[%dma_wait3A_976] : memref<512xf32, #tpu.memory_space<vmem>> -> memref<8xf32, #tpu.memory_space<vmem>>
      %dma_wait3A_978 = arith.constant 20000 : i32
      %dma_wait3A_979 = tpu.memref_slice %arg2[%add3A_171, %dma_wait3A_975, %dma_wait3A_978] : memref<32x8x100000xf32, #tpu.memory_space<hbm>> -> memref<1x1x8xf32, #tpu.memory_space<hbm>>
      %dma_wait3A_980 = tpu.memref_squeeze %dma_wait3A_979 : memref<1x1x8xf32, #tpu.memory_space<hbm>> -> memref<8xf32, #tpu.memory_space<hbm>>
      %dma_wait3A_981 = arith.constant 104 : i32
      %dma_wait3A_982 = tpu.memref_slice %arg5[%dma_wait3A_981] : memref<512xf32, #tpu.memory_space<vmem>> -> memref<8xf32, #tpu.memory_space<vmem>>
      %dma_wait3A_983 = arith.constant 20000 : i32
      %dma_wait3A_984 = tpu.memref_slice %arg2[%add3A_171, %dma_wait3A_975, %dma_wait3A_983] : memref<32x8x100000xf32, #tpu.memory_space<hbm>> -> memref<1x1x8xf32, #tpu.memory_space<hbm>>
      %dma_wait3A_985 = tpu.memref_squeeze %dma_wait3A_984 : memref<1x1x8xf32, #tpu.memory_space<hbm>> -> memref<8xf32, #tpu.memory_space<hbm>>
      tpu.wait_dma2 semaphore(%arg8 : memref<!tpu.dma_semaphore, #tpu.memory_space<semaphore_mem>>) src(%dma_wait3A_985 : memref<8xf32, #tpu.memory_space<hbm>>) dst(%dma_wait3A_982 : memref<8xf32, #tpu.memory_space<vmem>>)
      %dma_wait3A_986 = arith.constant 7 : i32
      %dma_wait3A_987 = arith.constant 112 : i32
      %dma_wait3A_988 = tpu.memref_slice %arg5[%dma_wait3A_987] : memref<512xf32, #tpu.memory_space<vmem>> -> memref<8xf32, #tpu.memory_space<vmem>>
      %dma_wait3A_989 = arith.constant 50000 : i32
      %dma_wait3A_990 = tpu.memref_slice %arg2[%add3A_184, %dma_wait3A_986, %dma_wait3A_989] : memref<32x8x100000xf32, #tpu.memory_space<hbm>> -> memref<1x1x8xf32, #tpu.memory_space<hbm>>
      %dma_wait3A_991 = tpu.memref_squeeze %dma_wait3A_990 : memref<1x1x8xf32, #tpu.memory_space<hbm>> -> memref<8xf32, #tpu.memory_space<hbm>>
      %dma_wait3A_992 = arith.constant 112 : i32
      %dma_wait3A_993 = tpu.memref_slice %arg5[%dma_wait3A_992] : memref<512xf32, #tpu.memory_space<vmem>> -> memref<8xf32, #tpu.memory_space<vmem>>
      %dma_wait3A_994 = arith.constant 50000 : i32
      %dma_wait3A_995 = tpu.memref_slice %arg2[%add3A_184, %dma_wait3A_986, %dma_wait3A_994] : memref<32x8x100000xf32, #tpu.memory_space<hbm>> -> memref<1x1x8xf32, #tpu.memory_space<hbm>>
      %dma_wait3A_996 = tpu.memref_squeeze %dma_wait3A_995 : memref<1x1x8xf32, #tpu.memory_space<hbm>> -> memref<8xf32, #tpu.memory_space<hbm>>
      tpu.wait_dma2 semaphore(%arg8 : memref<!tpu.dma_semaphore, #tpu.memory_space<semaphore_mem>>) src(%dma_wait3A_996 : memref<8xf32, #tpu.memory_space<hbm>>) dst(%dma_wait3A_993 : memref<8xf32, #tpu.memory_space<vmem>>)
      %dma_wait3A_997 = arith.constant 7 : i32
      %dma_wait3A_998 = arith.constant 120 : i32
      %dma_wait3A_999 = tpu.memref_slice %arg5[%dma_wait3A_998] : memref<512xf32, #tpu.memory_space<vmem>> -> memref<8xf32, #tpu.memory_space<vmem>>
      %dma_wait3A_1000 = arith.constant 99992 : i32
      %dma_wait3A_1001 = tpu.memref_slice %arg2[%add3A_197, %dma_wait3A_997, %dma_wait3A_1000] : memref<32x8x100000xf32, #tpu.memory_space<hbm>> -> memref<1x1x8xf32, #tpu.memory_space<hbm>>
      %dma_wait3A_1002 = tpu.memref_squeeze %dma_wait3A_1001 : memref<1x1x8xf32, #tpu.memory_space<hbm>> -> memref<8xf32, #tpu.memory_space<hbm>>
      %dma_wait3A_1003 = arith.constant 120 : i32
      %dma_wait3A_1004 = tpu.memref_slice %arg5[%dma_wait3A_1003] : memref<512xf32, #tpu.memory_space<vmem>> -> memref<8xf32, #tpu.memory_space<vmem>>
      %dma_wait3A_1005 = arith.constant 99992 : i32
      %dma_wait3A_1006 = tpu.memref_slice %arg2[%add3A_197, %dma_wait3A_997, %dma_wait3A_1005] : memref<32x8x100000xf32, #tpu.memory_space<hbm>> -> memref<1x1x8xf32, #tpu.memory_space<hbm>>
      %dma_wait3A_1007 = tpu.memref_squeeze %dma_wait3A_1006 : memref<1x1x8xf32, #tpu.memory_space<hbm>> -> memref<8xf32, #tpu.memory_space<hbm>>
      tpu.wait_dma2 semaphore(%arg8 : memref<!tpu.dma_semaphore, #tpu.memory_space<semaphore_mem>>) src(%dma_wait3A_1007 : memref<8xf32, #tpu.memory_space<hbm>>) dst(%dma_wait3A_1004 : memref<8xf32, #tpu.memory_space<vmem>>)
      %dma_wait3A_1008 = arith.constant 7 : i32
      %dma_wait3A_1009 = arith.constant 128 : i32
      %dma_wait3A_1010 = tpu.memref_slice %arg5[%dma_wait3A_1009] : memref<512xf32, #tpu.memory_space<vmem>> -> memref<8xf32, #tpu.memory_space<vmem>>
      %dma_wait3A_1011 = arith.constant 8 : i32
      %dma_wait3A_1012 = tpu.memref_slice %arg2[%add3A_210, %dma_wait3A_1008, %dma_wait3A_1011] : memref<32x8x100000xf32, #tpu.memory_space<hbm>> -> memref<1x1x8xf32, #tpu.memory_space<hbm>>
      %dma_wait3A_1013 = tpu.memref_squeeze %dma_wait3A_1012 : memref<1x1x8xf32, #tpu.memory_space<hbm>> -> memref<8xf32, #tpu.memory_space<hbm>>
      %dma_wait3A_1014 = arith.constant 128 : i32
      %dma_wait3A_1015 = tpu.memref_slice %arg5[%dma_wait3A_1014] : memref<512xf32, #tpu.memory_space<vmem>> -> memref<8xf32, #tpu.memory_space<vmem>>
      %dma_wait3A_1016 = arith.constant 8 : i32
      %dma_wait3A_1017 = tpu.memref_slice %arg2[%add3A_210, %dma_wait3A_1008, %dma_wait3A_1016] : memref<32x8x100000xf32, #tpu.memory_space<hbm>> -> memref<1x1x8xf32, #tpu.memory_space<hbm>>
      %dma_wait3A_1018 = tpu.memref_squeeze %dma_wait3A_1017 : memref<1x1x8xf32, #tpu.memory_space<hbm>> -> memref<8xf32, #tpu.memory_space<hbm>>
      tpu.wait_dma2 semaphore(%arg8 : memref<!tpu.dma_semaphore, #tpu.memory_space<semaphore_mem>>) src(%dma_wait3A_1018 : memref<8xf32, #tpu.memory_space<hbm>>) dst(%dma_wait3A_1015 : memref<8xf32, #tpu.memory_space<vmem>>)
      %dma_wait3A_1019 = arith.constant 7 : i32
      %dma_wait3A_1020 = arith.constant 136 : i32
      %dma_wait3A_1021 = tpu.memref_slice %arg5[%dma_wait3A_1020] : memref<512xf32, #tpu.memory_space<vmem>> -> memref<8xf32, #tpu.memory_space<vmem>>
      %dma_wait3A_1022 = arith.constant 256 : i32
      %dma_wait3A_1023 = tpu.memref_slice %arg2[%add3A_223, %dma_wait3A_1019, %dma_wait3A_1022] : memref<32x8x100000xf32, #tpu.memory_space<hbm>> -> memref<1x1x8xf32, #tpu.memory_space<hbm>>
      %dma_wait3A_1024 = tpu.memref_squeeze %dma_wait3A_1023 : memref<1x1x8xf32, #tpu.memory_space<hbm>> -> memref<8xf32, #tpu.memory_space<hbm>>
      %dma_wait3A_1025 = arith.constant 136 : i32
      %dma_wait3A_1026 = tpu.memref_slice %arg5[%dma_wait3A_1025] : memref<512xf32, #tpu.memory_space<vmem>> -> memref<8xf32, #tpu.memory_space<vmem>>
      %dma_wait3A_1027 = arith.constant 256 : i32
      %dma_wait3A_1028 = tpu.memref_slice %arg2[%add3A_223, %dma_wait3A_1019, %dma_wait3A_1027] : memref<32x8x100000xf32, #tpu.memory_space<hbm>> -> memref<1x1x8xf32, #tpu.memory_space<hbm>>
      %dma_wait3A_1029 = tpu.memref_squeeze %dma_wait3A_1028 : memref<1x1x8xf32, #tpu.memory_space<hbm>> -> memref<8xf32, #tpu.memory_space<hbm>>
      tpu.wait_dma2 semaphore(%arg8 : memref<!tpu.dma_semaphore, #tpu.memory_space<semaphore_mem>>) src(%dma_wait3A_1029 : memref<8xf32, #tpu.memory_space<hbm>>) dst(%dma_wait3A_1026 : memref<8xf32, #tpu.memory_space<vmem>>)
      %dma_wait3A_1030 = arith.constant 7 : i32
      %dma_wait3A_1031 = arith.constant 144 : i32
      %dma_wait3A_1032 = tpu.memref_slice %arg5[%dma_wait3A_1031] : memref<512xf32, #tpu.memory_space<vmem>> -> memref<8xf32, #tpu.memory_space<vmem>>
      %dma_wait3A_1033 = arith.constant 1024 : i32
      %dma_wait3A_1034 = tpu.memref_slice %arg2[%add3A_236, %dma_wait3A_1030, %dma_wait3A_1033] : memref<32x8x100000xf32, #tpu.memory_space<hbm>> -> memref<1x1x8xf32, #tpu.memory_space<hbm>>
      %dma_wait3A_1035 = tpu.memref_squeeze %dma_wait3A_1034 : memref<1x1x8xf32, #tpu.memory_space<hbm>> -> memref<8xf32, #tpu.memory_space<hbm>>
      %dma_wait3A_1036 = arith.constant 144 : i32
      %dma_wait3A_1037 = tpu.memref_slice %arg5[%dma_wait3A_1036] : memref<512xf32, #tpu.memory_space<vmem>> -> memref<8xf32, #tpu.memory_space<vmem>>
      %dma_wait3A_1038 = arith.constant 1024 : i32
      %dma_wait3A_1039 = tpu.memref_slice %arg2[%add3A_236, %dma_wait3A_1030, %dma_wait3A_1038] : memref<32x8x100000xf32, #tpu.memory_space<hbm>> -> memref<1x1x8xf32, #tpu.memory_space<hbm>>
      %dma_wait3A_1040 = tpu.memref_squeeze %dma_wait3A_1039 : memref<1x1x8xf32, #tpu.memory_space<hbm>> -> memref<8xf32, #tpu.memory_space<hbm>>
      tpu.wait_dma2 semaphore(%arg8 : memref<!tpu.dma_semaphore, #tpu.memory_space<semaphore_mem>>) src(%dma_wait3A_1040 : memref<8xf32, #tpu.memory_space<hbm>>) dst(%dma_wait3A_1037 : memref<8xf32, #tpu.memory_space<vmem>>)
      %dma_wait3A_1041 = arith.constant 7 : i32
      %dma_wait3A_1042 = arith.constant 152 : i32
      %dma_wait3A_1043 = tpu.memref_slice %arg5[%dma_wait3A_1042] : memref<512xf32, #tpu.memory_space<vmem>> -> memref<8xf32, #tpu.memory_space<vmem>>
      %dma_wait3A_1044 = arith.constant 4096 : i32
      %dma_wait3A_1045 = tpu.memref_slice %arg2[%add3A_249, %dma_wait3A_1041, %dma_wait3A_1044] : memref<32x8x100000xf32, #tpu.memory_space<hbm>> -> memref<1x1x8xf32, #tpu.memory_space<hbm>>
      %dma_wait3A_1046 = tpu.memref_squeeze %dma_wait3A_1045 : memref<1x1x8xf32, #tpu.memory_space<hbm>> -> memref<8xf32, #tpu.memory_space<hbm>>
      %dma_wait3A_1047 = arith.constant 152 : i32
      %dma_wait3A_1048 = tpu.memref_slice %arg5[%dma_wait3A_1047] : memref<512xf32, #tpu.memory_space<vmem>> -> memref<8xf32, #tpu.memory_space<vmem>>
      %dma_wait3A_1049 = arith.constant 4096 : i32
      %dma_wait3A_1050 = tpu.memref_slice %arg2[%add3A_249, %dma_wait3A_1041, %dma_wait3A_1049] : memref<32x8x100000xf32, #tpu.memory_space<hbm>> -> memref<1x1x8xf32, #tpu.memory_space<hbm>>
      %dma_wait3A_1051 = tpu.memref_squeeze %dma_wait3A_1050 : memref<1x1x8xf32, #tpu.memory_space<hbm>> -> memref<8xf32, #tpu.memory_space<hbm>>
      tpu.wait_dma2 semaphore(%arg8 : memref<!tpu.dma_semaphore, #tpu.memory_space<semaphore_mem>>) src(%dma_wait3A_1051 : memref<8xf32, #tpu.memory_space<hbm>>) dst(%dma_wait3A_1048 : memref<8xf32, #tpu.memory_space<vmem>>)
      %dma_wait3A_1052 = arith.constant 7 : i32
      %dma_wait3A_1053 = arith.constant 160 : i32
      %dma_wait3A_1054 = tpu.memref_slice %arg5[%dma_wait3A_1053] : memref<512xf32, #tpu.memory_space<vmem>> -> memref<8xf32, #tpu.memory_space<vmem>>
      %dma_wait3A_1055 = arith.constant 9992 : i32
      %dma_wait3A_1056 = tpu.memref_slice %arg2[%add3A_262, %dma_wait3A_1052, %dma_wait3A_1055] : memref<32x8x100000xf32, #tpu.memory_space<hbm>> -> memref<1x1x8xf32, #tpu.memory_space<hbm>>
      %dma_wait3A_1057 = tpu.memref_squeeze %dma_wait3A_1056 : memref<1x1x8xf32, #tpu.memory_space<hbm>> -> memref<8xf32, #tpu.memory_space<hbm>>
      %dma_wait3A_1058 = arith.constant 160 : i32
      %dma_wait3A_1059 = tpu.memref_slice %arg5[%dma_wait3A_1058] : memref<512xf32, #tpu.memory_space<vmem>> -> memref<8xf32, #tpu.memory_space<vmem>>
      %dma_wait3A_1060 = arith.constant 9992 : i32
      %dma_wait3A_1061 = tpu.memref_slice %arg2[%add3A_262, %dma_wait3A_1052, %dma_wait3A_1060] : memref<32x8x100000xf32, #tpu.memory_space<hbm>> -> memref<1x1x8xf32, #tpu.memory_space<hbm>>
      %dma_wait3A_1062 = tpu.memref_squeeze %dma_wait3A_1061 : memref<1x1x8xf32, #tpu.memory_space<hbm>> -> memref<8xf32, #tpu.memory_space<hbm>>
      tpu.wait_dma2 semaphore(%arg8 : memref<!tpu.dma_semaphore, #tpu.memory_space<semaphore_mem>>) src(%dma_wait3A_1062 : memref<8xf32, #tpu.memory_space<hbm>>) dst(%dma_wait3A_1059 : memref<8xf32, #tpu.memory_space<vmem>>)
      %dma_wait3A_1063 = arith.constant 7 : i32
      %dma_wait3A_1064 = arith.constant 168 : i32
      %dma_wait3A_1065 = tpu.memref_slice %arg5[%dma_wait3A_1064] : memref<512xf32, #tpu.memory_space<vmem>> -> memref<8xf32, #tpu.memory_space<vmem>>
      %dma_wait3A_1066 = arith.constant 20000 : i32
      %dma_wait3A_1067 = tpu.memref_slice %arg2[%add3A_275, %dma_wait3A_1063, %dma_wait3A_1066] : memref<32x8x100000xf32, #tpu.memory_space<hbm>> -> memref<1x1x8xf32, #tpu.memory_space<hbm>>
      %dma_wait3A_1068 = tpu.memref_squeeze %dma_wait3A_1067 : memref<1x1x8xf32, #tpu.memory_space<hbm>> -> memref<8xf32, #tpu.memory_space<hbm>>
      %dma_wait3A_1069 = arith.constant 168 : i32
      %dma_wait3A_1070 = tpu.memref_slice %arg5[%dma_wait3A_1069] : memref<512xf32, #tpu.memory_space<vmem>> -> memref<8xf32, #tpu.memory_space<vmem>>
      %dma_wait3A_1071 = arith.constant 20000 : i32
      %dma_wait3A_1072 = tpu.memref_slice %arg2[%add3A_275, %dma_wait3A_1063, %dma_wait3A_1071] : memref<32x8x100000xf32, #tpu.memory_space<hbm>> -> memref<1x1x8xf32, #tpu.memory_space<hbm>>
      %dma_wait3A_1073 = tpu.memref_squeeze %dma_wait3A_1072 : memref<1x1x8xf32, #tpu.memory_space<hbm>> -> memref<8xf32, #tpu.memory_space<hbm>>
      tpu.wait_dma2 semaphore(%arg8 : memref<!tpu.dma_semaphore, #tpu.memory_space<semaphore_mem>>) src(%dma_wait3A_1073 : memref<8xf32, #tpu.memory_space<hbm>>) dst(%dma_wait3A_1070 : memref<8xf32, #tpu.memory_space<vmem>>)
      %dma_wait3A_1074 = arith.constant 7 : i32
      %dma_wait3A_1075 = arith.constant 176 : i32
      %dma_wait3A_1076 = tpu.memref_slice %arg5[%dma_wait3A_1075] : memref<512xf32, #tpu.memory_space<vmem>> -> memref<8xf32, #tpu.memory_space<vmem>>
      %dma_wait3A_1077 = arith.constant 50000 : i32
      %dma_wait3A_1078 = tpu.memref_slice %arg2[%add3A_288, %dma_wait3A_1074, %dma_wait3A_1077] : memref<32x8x100000xf32, #tpu.memory_space<hbm>> -> memref<1x1x8xf32, #tpu.memory_space<hbm>>
      %dma_wait3A_1079 = tpu.memref_squeeze %dma_wait3A_1078 : memref<1x1x8xf32, #tpu.memory_space<hbm>> -> memref<8xf32, #tpu.memory_space<hbm>>
      %dma_wait3A_1080 = arith.constant 176 : i32
      %dma_wait3A_1081 = tpu.memref_slice %arg5[%dma_wait3A_1080] : memref<512xf32, #tpu.memory_space<vmem>> -> memref<8xf32, #tpu.memory_space<vmem>>
      %dma_wait3A_1082 = arith.constant 50000 : i32
      %dma_wait3A_1083 = tpu.memref_slice %arg2[%add3A_288, %dma_wait3A_1074, %dma_wait3A_1082] : memref<32x8x100000xf32, #tpu.memory_space<hbm>> -> memref<1x1x8xf32, #tpu.memory_space<hbm>>
      %dma_wait3A_1084 = tpu.memref_squeeze %dma_wait3A_1083 : memref<1x1x8xf32, #tpu.memory_space<hbm>> -> memref<8xf32, #tpu.memory_space<hbm>>
      tpu.wait_dma2 semaphore(%arg8 : memref<!tpu.dma_semaphore, #tpu.memory_space<semaphore_mem>>) src(%dma_wait3A_1084 : memref<8xf32, #tpu.memory_space<hbm>>) dst(%dma_wait3A_1081 : memref<8xf32, #tpu.memory_space<vmem>>)
      %dma_wait3A_1085 = arith.constant 7 : i32
      %dma_wait3A_1086 = arith.constant 184 : i32
      %dma_wait3A_1087 = tpu.memref_slice %arg5[%dma_wait3A_1086] : memref<512xf32, #tpu.memory_space<vmem>> -> memref<8xf32, #tpu.memory_space<vmem>>
      %dma_wait3A_1088 = arith.constant 99992 : i32
      %dma_wait3A_1089 = tpu.memref_slice %arg2[%add3A_301, %dma_wait3A_1085, %dma_wait3A_1088] : memref<32x8x100000xf32, #tpu.memory_space<hbm>> -> memref<1x1x8xf32, #tpu.memory_space<hbm>>
      %dma_wait3A_1090 = tpu.memref_squeeze %dma_wait3A_1089 : memref<1x1x8xf32, #tpu.memory_space<hbm>> -> memref<8xf32, #tpu.memory_space<hbm>>
      %dma_wait3A_1091 = arith.constant 184 : i32
      %dma_wait3A_1092 = tpu.memref_slice %arg5[%dma_wait3A_1091] : memref<512xf32, #tpu.memory_space<vmem>> -> memref<8xf32, #tpu.memory_space<vmem>>
      %dma_wait3A_1093 = arith.constant 99992 : i32
      %dma_wait3A_1094 = tpu.memref_slice %arg2[%add3A_301, %dma_wait3A_1085, %dma_wait3A_1093] : memref<32x8x100000xf32, #tpu.memory_space<hbm>> -> memref<1x1x8xf32, #tpu.memory_space<hbm>>
      %dma_wait3A_1095 = tpu.memref_squeeze %dma_wait3A_1094 : memref<1x1x8xf32, #tpu.memory_space<hbm>> -> memref<8xf32, #tpu.memory_space<hbm>>
      tpu.wait_dma2 semaphore(%arg8 : memref<!tpu.dma_semaphore, #tpu.memory_space<semaphore_mem>>) src(%dma_wait3A_1095 : memref<8xf32, #tpu.memory_space<hbm>>) dst(%dma_wait3A_1092 : memref<8xf32, #tpu.memory_space<vmem>>)
      %dma_wait3A_1096 = arith.constant 7 : i32
      %dma_wait3A_1097 = arith.constant 192 : i32
      %dma_wait3A_1098 = tpu.memref_slice %arg5[%dma_wait3A_1097] : memref<512xf32, #tpu.memory_space<vmem>> -> memref<8xf32, #tpu.memory_space<vmem>>
      %dma_wait3A_1099 = arith.constant 8 : i32
      %dma_wait3A_1100 = tpu.memref_slice %arg2[%add3A_314, %dma_wait3A_1096, %dma_wait3A_1099] : memref<32x8x100000xf32, #tpu.memory_space<hbm>> -> memref<1x1x8xf32, #tpu.memory_space<hbm>>
      %dma_wait3A_1101 = tpu.memref_squeeze %dma_wait3A_1100 : memref<1x1x8xf32, #tpu.memory_space<hbm>> -> memref<8xf32, #tpu.memory_space<hbm>>
      %dma_wait3A_1102 = arith.constant 192 : i32
      %dma_wait3A_1103 = tpu.memref_slice %arg5[%dma_wait3A_1102] : memref<512xf32, #tpu.memory_space<vmem>> -> memref<8xf32, #tpu.memory_space<vmem>>
      %dma_wait3A_1104 = arith.constant 8 : i32
      %dma_wait3A_1105 = tpu.memref_slice %arg2[%add3A_314, %dma_wait3A_1096, %dma_wait3A_1104] : memref<32x8x100000xf32, #tpu.memory_space<hbm>> -> memref<1x1x8xf32, #tpu.memory_space<hbm>>
      %dma_wait3A_1106 = tpu.memref_squeeze %dma_wait3A_1105 : memref<1x1x8xf32, #tpu.memory_space<hbm>> -> memref<8xf32, #tpu.memory_space<hbm>>
      tpu.wait_dma2 semaphore(%arg8 : memref<!tpu.dma_semaphore, #tpu.memory_space<semaphore_mem>>) src(%dma_wait3A_1106 : memref<8xf32, #tpu.memory_space<hbm>>) dst(%dma_wait3A_1103 : memref<8xf32, #tpu.memory_space<vmem>>)
      %dma_wait3A_1107 = arith.constant 7 : i32
      %dma_wait3A_1108 = arith.constant 200 : i32
      %dma_wait3A_1109 = tpu.memref_slice %arg5[%dma_wait3A_1108] : memref<512xf32, #tpu.memory_space<vmem>> -> memref<8xf32, #tpu.memory_space<vmem>>
      %dma_wait3A_1110 = arith.constant 256 : i32
      %dma_wait3A_1111 = tpu.memref_slice %arg2[%add3A_327, %dma_wait3A_1107, %dma_wait3A_1110] : memref<32x8x100000xf32, #tpu.memory_space<hbm>> -> memref<1x1x8xf32, #tpu.memory_space<hbm>>
      %dma_wait3A_1112 = tpu.memref_squeeze %dma_wait3A_1111 : memref<1x1x8xf32, #tpu.memory_space<hbm>> -> memref<8xf32, #tpu.memory_space<hbm>>
      %dma_wait3A_1113 = arith.constant 200 : i32
      %dma_wait3A_1114 = tpu.memref_slice %arg5[%dma_wait3A_1113] : memref<512xf32, #tpu.memory_space<vmem>> -> memref<8xf32, #tpu.memory_space<vmem>>
      %dma_wait3A_1115 = arith.constant 256 : i32
      %dma_wait3A_1116 = tpu.memref_slice %arg2[%add3A_327, %dma_wait3A_1107, %dma_wait3A_1115] : memref<32x8x100000xf32, #tpu.memory_space<hbm>> -> memref<1x1x8xf32, #tpu.memory_space<hbm>>
      %dma_wait3A_1117 = tpu.memref_squeeze %dma_wait3A_1116 : memref<1x1x8xf32, #tpu.memory_space<hbm>> -> memref<8xf32, #tpu.memory_space<hbm>>
      tpu.wait_dma2 semaphore(%arg8 : memref<!tpu.dma_semaphore, #tpu.memory_space<semaphore_mem>>) src(%dma_wait3A_1117 : memref<8xf32, #tpu.memory_space<hbm>>) dst(%dma_wait3A_1114 : memref<8xf32, #tpu.memory_space<vmem>>)
      %dma_wait3A_1118 = arith.constant 7 : i32
      %dma_wait3A_1119 = arith.constant 208 : i32
      %dma_wait3A_1120 = tpu.memref_slice %arg5[%dma_wait3A_1119] : memref<512xf32, #tpu.memory_space<vmem>> -> memref<8xf32, #tpu.memory_space<vmem>>
      %dma_wait3A_1121 = arith.constant 1024 : i32
      %dma_wait3A_1122 = tpu.memref_slice %arg2[%add3A_340, %dma_wait3A_1118, %dma_wait3A_1121] : memref<32x8x100000xf32, #tpu.memory_space<hbm>> -> memref<1x1x8xf32, #tpu.memory_space<hbm>>
      %dma_wait3A_1123 = tpu.memref_squeeze %dma_wait3A_1122 : memref<1x1x8xf32, #tpu.memory_space<hbm>> -> memref<8xf32, #tpu.memory_space<hbm>>
      %dma_wait3A_1124 = arith.constant 208 : i32
      %dma_wait3A_1125 = tpu.memref_slice %arg5[%dma_wait3A_1124] : memref<512xf32, #tpu.memory_space<vmem>> -> memref<8xf32, #tpu.memory_space<vmem>>
      %dma_wait3A_1126 = arith.constant 1024 : i32
      %dma_wait3A_1127 = tpu.memref_slice %arg2[%add3A_340, %dma_wait3A_1118, %dma_wait3A_1126] : memref<32x8x100000xf32, #tpu.memory_space<hbm>> -> memref<1x1x8xf32, #tpu.memory_space<hbm>>
      %dma_wait3A_1128 = tpu.memref_squeeze %dma_wait3A_1127 : memref<1x1x8xf32, #tpu.memory_space<hbm>> -> memref<8xf32, #tpu.memory_space<hbm>>
      tpu.wait_dma2 semaphore(%arg8 : memref<!tpu.dma_semaphore, #tpu.memory_space<semaphore_mem>>) src(%dma_wait3A_1128 : memref<8xf32, #tpu.memory_space<hbm>>) dst(%dma_wait3A_1125 : memref<8xf32, #tpu.memory_space<vmem>>)
      %dma_wait3A_1129 = arith.constant 7 : i32
      %dma_wait3A_1130 = arith.constant 216 : i32
      %dma_wait3A_1131 = tpu.memref_slice %arg5[%dma_wait3A_1130] : memref<512xf32, #tpu.memory_space<vmem>> -> memref<8xf32, #tpu.memory_space<vmem>>
      %dma_wait3A_1132 = arith.constant 4096 : i32
      %dma_wait3A_1133 = tpu.memref_slice %arg2[%add3A_353, %dma_wait3A_1129, %dma_wait3A_1132] : memref<32x8x100000xf32, #tpu.memory_space<hbm>> -> memref<1x1x8xf32, #tpu.memory_space<hbm>>
      %dma_wait3A_1134 = tpu.memref_squeeze %dma_wait3A_1133 : memref<1x1x8xf32, #tpu.memory_space<hbm>> -> memref<8xf32, #tpu.memory_space<hbm>>
      %dma_wait3A_1135 = arith.constant 216 : i32
      %dma_wait3A_1136 = tpu.memref_slice %arg5[%dma_wait3A_1135] : memref<512xf32, #tpu.memory_space<vmem>> -> memref<8xf32, #tpu.memory_space<vmem>>
      %dma_wait3A_1137 = arith.constant 4096 : i32
      %dma_wait3A_1138 = tpu.memref_slice %arg2[%add3A_353, %dma_wait3A_1129, %dma_wait3A_1137] : memref<32x8x100000xf32, #tpu.memory_space<hbm>> -> memref<1x1x8xf32, #tpu.memory_space<hbm>>
      %dma_wait3A_1139 = tpu.memref_squeeze %dma_wait3A_1138 : memref<1x1x8xf32, #tpu.memory_space<hbm>> -> memref<8xf32, #tpu.memory_space<hbm>>
      tpu.wait_dma2 semaphore(%arg8 : memref<!tpu.dma_semaphore, #tpu.memory_space<semaphore_mem>>) src(%dma_wait3A_1139 : memref<8xf32, #tpu.memory_space<hbm>>) dst(%dma_wait3A_1136 : memref<8xf32, #tpu.memory_space<vmem>>)
      %dma_wait3A_1140 = arith.constant 7 : i32
      %dma_wait3A_1141 = arith.constant 224 : i32
      %dma_wait3A_1142 = tpu.memref_slice %arg5[%dma_wait3A_1141] : memref<512xf32, #tpu.memory_space<vmem>> -> memref<8xf32, #tpu.memory_space<vmem>>
      %dma_wait3A_1143 = arith.constant 9992 : i32
      %dma_wait3A_1144 = tpu.memref_slice %arg2[%add3A_366, %dma_wait3A_1140, %dma_wait3A_1143] : memref<32x8x100000xf32, #tpu.memory_space<hbm>> -> memref<1x1x8xf32, #tpu.memory_space<hbm>>
      %dma_wait3A_1145 = tpu.memref_squeeze %dma_wait3A_1144 : memref<1x1x8xf32, #tpu.memory_space<hbm>> -> memref<8xf32, #tpu.memory_space<hbm>>
      %dma_wait3A_1146 = arith.constant 224 : i32
      %dma_wait3A_1147 = tpu.memref_slice %arg5[%dma_wait3A_1146] : memref<512xf32, #tpu.memory_space<vmem>> -> memref<8xf32, #tpu.memory_space<vmem>>
      %dma_wait3A_1148 = arith.constant 9992 : i32
      %dma_wait3A_1149 = tpu.memref_slice %arg2[%add3A_366, %dma_wait3A_1140, %dma_wait3A_1148] : memref<32x8x100000xf32, #tpu.memory_space<hbm>> -> memref<1x1x8xf32, #tpu.memory_space<hbm>>
      %dma_wait3A_1150 = tpu.memref_squeeze %dma_wait3A_1149 : memref<1x1x8xf32, #tpu.memory_space<hbm>> -> memref<8xf32, #tpu.memory_space<hbm>>
      tpu.wait_dma2 semaphore(%arg8 : memref<!tpu.dma_semaphore, #tpu.memory_space<semaphore_mem>>) src(%dma_wait3A_1150 : memref<8xf32, #tpu.memory_space<hbm>>) dst(%dma_wait3A_1147 : memref<8xf32, #tpu.memory_space<vmem>>)
      %dma_wait3A_1151 = arith.constant 7 : i32
      %dma_wait3A_1152 = arith.constant 232 : i32
      %dma_wait3A_1153 = tpu.memref_slice %arg5[%dma_wait3A_1152] : memref<512xf32, #tpu.memory_space<vmem>> -> memref<8xf32, #tpu.memory_space<vmem>>
      %dma_wait3A_1154 = arith.constant 20000 : i32
      %dma_wait3A_1155 = tpu.memref_slice %arg2[%add3A_379, %dma_wait3A_1151, %dma_wait3A_1154] : memref<32x8x100000xf32, #tpu.memory_space<hbm>> -> memref<1x1x8xf32, #tpu.memory_space<hbm>>
      %dma_wait3A_1156 = tpu.memref_squeeze %dma_wait3A_1155 : memref<1x1x8xf32, #tpu.memory_space<hbm>> -> memref<8xf32, #tpu.memory_space<hbm>>
      %dma_wait3A_1157 = arith.constant 232 : i32
      %dma_wait3A_1158 = tpu.memref_slice %arg5[%dma_wait3A_1157] : memref<512xf32, #tpu.memory_space<vmem>> -> memref<8xf32, #tpu.memory_space<vmem>>
      %dma_wait3A_1159 = arith.constant 20000 : i32
      %dma_wait3A_1160 = tpu.memref_slice %arg2[%add3A_379, %dma_wait3A_1151, %dma_wait3A_1159] : memref<32x8x100000xf32, #tpu.memory_space<hbm>> -> memref<1x1x8xf32, #tpu.memory_space<hbm>>
      %dma_wait3A_1161 = tpu.memref_squeeze %dma_wait3A_1160 : memref<1x1x8xf32, #tpu.memory_space<hbm>> -> memref<8xf32, #tpu.memory_space<hbm>>
      tpu.wait_dma2 semaphore(%arg8 : memref<!tpu.dma_semaphore, #tpu.memory_space<semaphore_mem>>) src(%dma_wait3A_1161 : memref<8xf32, #tpu.memory_space<hbm>>) dst(%dma_wait3A_1158 : memref<8xf32, #tpu.memory_space<vmem>>)
      %dma_wait3A_1162 = arith.constant 7 : i32
      %dma_wait3A_1163 = arith.constant 240 : i32
      %dma_wait3A_1164 = tpu.memref_slice %arg5[%dma_wait3A_1163] : memref<512xf32, #tpu.memory_space<vmem>> -> memref<8xf32, #tpu.memory_space<vmem>>
      %dma_wait3A_1165 = arith.constant 50000 : i32
      %dma_wait3A_1166 = tpu.memref_slice %arg2[%add3A_392, %dma_wait3A_1162, %dma_wait3A_1165] : memref<32x8x100000xf32, #tpu.memory_space<hbm>> -> memref<1x1x8xf32, #tpu.memory_space<hbm>>
      %dma_wait3A_1167 = tpu.memref_squeeze %dma_wait3A_1166 : memref<1x1x8xf32, #tpu.memory_space<hbm>> -> memref<8xf32, #tpu.memory_space<hbm>>
      %dma_wait3A_1168 = arith.constant 240 : i32
      %dma_wait3A_1169 = tpu.memref_slice %arg5[%dma_wait3A_1168] : memref<512xf32, #tpu.memory_space<vmem>> -> memref<8xf32, #tpu.memory_space<vmem>>
      %dma_wait3A_1170 = arith.constant 50000 : i32
      %dma_wait3A_1171 = tpu.memref_slice %arg2[%add3A_392, %dma_wait3A_1162, %dma_wait3A_1170] : memref<32x8x100000xf32, #tpu.memory_space<hbm>> -> memref<1x1x8xf32, #tpu.memory_space<hbm>>
      %dma_wait3A_1172 = tpu.memref_squeeze %dma_wait3A_1171 : memref<1x1x8xf32, #tpu.memory_space<hbm>> -> memref<8xf32, #tpu.memory_space<hbm>>
      tpu.wait_dma2 semaphore(%arg8 : memref<!tpu.dma_semaphore, #tpu.memory_space<semaphore_mem>>) src(%dma_wait3A_1172 : memref<8xf32, #tpu.memory_space<hbm>>) dst(%dma_wait3A_1169 : memref<8xf32, #tpu.memory_space<vmem>>)
      %dma_wait3A_1173 = arith.constant 7 : i32
      %dma_wait3A_1174 = arith.constant 248 : i32
      %dma_wait3A_1175 = tpu.memref_slice %arg5[%dma_wait3A_1174] : memref<512xf32, #tpu.memory_space<vmem>> -> memref<8xf32, #tpu.memory_space<vmem>>
      %dma_wait3A_1176 = arith.constant 99992 : i32
      %dma_wait3A_1177 = tpu.memref_slice %arg2[%add3A_405, %dma_wait3A_1173, %dma_wait3A_1176] : memref<32x8x100000xf32, #tpu.memory_space<hbm>> -> memref<1x1x8xf32, #tpu.memory_space<hbm>>
      %dma_wait3A_1178 = tpu.memref_squeeze %dma_wait3A_1177 : memref<1x1x8xf32, #tpu.memory_space<hbm>> -> memref<8xf32, #tpu.memory_space<hbm>>
      %dma_wait3A_1179 = arith.constant 248 : i32
      %dma_wait3A_1180 = tpu.memref_slice %arg5[%dma_wait3A_1179] : memref<512xf32, #tpu.memory_space<vmem>> -> memref<8xf32, #tpu.memory_space<vmem>>
      %dma_wait3A_1181 = arith.constant 99992 : i32
      %dma_wait3A_1182 = tpu.memref_slice %arg2[%add3A_405, %dma_wait3A_1173, %dma_wait3A_1181] : memref<32x8x100000xf32, #tpu.memory_space<hbm>> -> memref<1x1x8xf32, #tpu.memory_space<hbm>>
      %dma_wait3A_1183 = tpu.memref_squeeze %dma_wait3A_1182 : memref<1x1x8xf32, #tpu.memory_space<hbm>> -> memref<8xf32, #tpu.memory_space<hbm>>
      tpu.wait_dma2 semaphore(%arg8 : memref<!tpu.dma_semaphore, #tpu.memory_space<semaphore_mem>>) src(%dma_wait3A_1183 : memref<8xf32, #tpu.memory_space<hbm>>) dst(%dma_wait3A_1180 : memref<8xf32, #tpu.memory_space<vmem>>)
      %dma_wait3A_1184 = arith.constant 7 : i32
      %dma_wait3A_1185 = arith.constant 256 : i32
      %dma_wait3A_1186 = tpu.memref_slice %arg5[%dma_wait3A_1185] : memref<512xf32, #tpu.memory_space<vmem>> -> memref<8xf32, #tpu.memory_space<vmem>>
      %dma_wait3A_1187 = arith.constant 8 : i32
      %dma_wait3A_1188 = tpu.memref_slice %arg2[%add3A_418, %dma_wait3A_1184, %dma_wait3A_1187] : memref<32x8x100000xf32, #tpu.memory_space<hbm>> -> memref<1x1x8xf32, #tpu.memory_space<hbm>>
      %dma_wait3A_1189 = tpu.memref_squeeze %dma_wait3A_1188 : memref<1x1x8xf32, #tpu.memory_space<hbm>> -> memref<8xf32, #tpu.memory_space<hbm>>
      %dma_wait3A_1190 = arith.constant 256 : i32
      %dma_wait3A_1191 = tpu.memref_slice %arg5[%dma_wait3A_1190] : memref<512xf32, #tpu.memory_space<vmem>> -> memref<8xf32, #tpu.memory_space<vmem>>
      %dma_wait3A_1192 = arith.constant 8 : i32
      %dma_wait3A_1193 = tpu.memref_slice %arg2[%add3A_418, %dma_wait3A_1184, %dma_wait3A_1192] : memref<32x8x100000xf32, #tpu.memory_space<hbm>> -> memref<1x1x8xf32, #tpu.memory_space<hbm>>
      %dma_wait3A_1194 = tpu.memref_squeeze %dma_wait3A_1193 : memref<1x1x8xf32, #tpu.memory_space<hbm>> -> memref<8xf32, #tpu.memory_space<hbm>>
      tpu.wait_dma2 semaphore(%arg8 : memref<!tpu.dma_semaphore, #tpu.memory_space<semaphore_mem>>) src(%dma_wait3A_1194 : memref<8xf32, #tpu.memory_space<hbm>>) dst(%dma_wait3A_1191 : memref<8xf32, #tpu.memory_space<vmem>>)
      %dma_wait3A_1195 = arith.constant 7 : i32
      %dma_wait3A_1196 = arith.constant 264 : i32
      %dma_wait3A_1197 = tpu.memref_slice %arg5[%dma_wait3A_1196] : memref<512xf32, #tpu.memory_space<vmem>> -> memref<8xf32, #tpu.memory_space<vmem>>
      %dma_wait3A_1198 = arith.constant 256 : i32
      %dma_wait3A_1199 = tpu.memref_slice %arg2[%add3A_431, %dma_wait3A_1195, %dma_wait3A_1198] : memref<32x8x100000xf32, #tpu.memory_space<hbm>> -> memref<1x1x8xf32, #tpu.memory_space<hbm>>
      %dma_wait3A_1200 = tpu.memref_squeeze %dma_wait3A_1199 : memref<1x1x8xf32, #tpu.memory_space<hbm>> -> memref<8xf32, #tpu.memory_space<hbm>>
      %dma_wait3A_1201 = arith.constant 264 : i32
      %dma_wait3A_1202 = tpu.memref_slice %arg5[%dma_wait3A_1201] : memref<512xf32, #tpu.memory_space<vmem>> -> memref<8xf32, #tpu.memory_space<vmem>>
      %dma_wait3A_1203 = arith.constant 256 : i32
      %dma_wait3A_1204 = tpu.memref_slice %arg2[%add3A_431, %dma_wait3A_1195, %dma_wait3A_1203] : memref<32x8x100000xf32, #tpu.memory_space<hbm>> -> memref<1x1x8xf32, #tpu.memory_space<hbm>>
      %dma_wait3A_1205 = tpu.memref_squeeze %dma_wait3A_1204 : memref<1x1x8xf32, #tpu.memory_space<hbm>> -> memref<8xf32, #tpu.memory_space<hbm>>
      tpu.wait_dma2 semaphore(%arg8 : memref<!tpu.dma_semaphore, #tpu.memory_space<semaphore_mem>>) src(%dma_wait3A_1205 : memref<8xf32, #tpu.memory_space<hbm>>) dst(%dma_wait3A_1202 : memref<8xf32, #tpu.memory_space<vmem>>)
      %dma_wait3A_1206 = arith.constant 7 : i32
      %dma_wait3A_1207 = arith.constant 272 : i32
      %dma_wait3A_1208 = tpu.memref_slice %arg5[%dma_wait3A_1207] : memref<512xf32, #tpu.memory_space<vmem>> -> memref<8xf32, #tpu.memory_space<vmem>>
      %dma_wait3A_1209 = arith.constant 1024 : i32
      %dma_wait3A_1210 = tpu.memref_slice %arg2[%add3A_444, %dma_wait3A_1206, %dma_wait3A_1209] : memref<32x8x100000xf32, #tpu.memory_space<hbm>> -> memref<1x1x8xf32, #tpu.memory_space<hbm>>
      %dma_wait3A_1211 = tpu.memref_squeeze %dma_wait3A_1210 : memref<1x1x8xf32, #tpu.memory_space<hbm>> -> memref<8xf32, #tpu.memory_space<hbm>>
      %dma_wait3A_1212 = arith.constant 272 : i32
      %dma_wait3A_1213 = tpu.memref_slice %arg5[%dma_wait3A_1212] : memref<512xf32, #tpu.memory_space<vmem>> -> memref<8xf32, #tpu.memory_space<vmem>>
      %dma_wait3A_1214 = arith.constant 1024 : i32
      %dma_wait3A_1215 = tpu.memref_slice %arg2[%add3A_444, %dma_wait3A_1206, %dma_wait3A_1214] : memref<32x8x100000xf32, #tpu.memory_space<hbm>> -> memref<1x1x8xf32, #tpu.memory_space<hbm>>
      %dma_wait3A_1216 = tpu.memref_squeeze %dma_wait3A_1215 : memref<1x1x8xf32, #tpu.memory_space<hbm>> -> memref<8xf32, #tpu.memory_space<hbm>>
      tpu.wait_dma2 semaphore(%arg8 : memref<!tpu.dma_semaphore, #tpu.memory_space<semaphore_mem>>) src(%dma_wait3A_1216 : memref<8xf32, #tpu.memory_space<hbm>>) dst(%dma_wait3A_1213 : memref<8xf32, #tpu.memory_space<vmem>>)
      %dma_wait3A_1217 = arith.constant 7 : i32
      %dma_wait3A_1218 = arith.constant 280 : i32
      %dma_wait3A_1219 = tpu.memref_slice %arg5[%dma_wait3A_1218] : memref<512xf32, #tpu.memory_space<vmem>> -> memref<8xf32, #tpu.memory_space<vmem>>
      %dma_wait3A_1220 = arith.constant 4096 : i32
      %dma_wait3A_1221 = tpu.memref_slice %arg2[%add3A_457, %dma_wait3A_1217, %dma_wait3A_1220] : memref<32x8x100000xf32, #tpu.memory_space<hbm>> -> memref<1x1x8xf32, #tpu.memory_space<hbm>>
      %dma_wait3A_1222 = tpu.memref_squeeze %dma_wait3A_1221 : memref<1x1x8xf32, #tpu.memory_space<hbm>> -> memref<8xf32, #tpu.memory_space<hbm>>
      %dma_wait3A_1223 = arith.constant 280 : i32
      %dma_wait3A_1224 = tpu.memref_slice %arg5[%dma_wait3A_1223] : memref<512xf32, #tpu.memory_space<vmem>> -> memref<8xf32, #tpu.memory_space<vmem>>
      %dma_wait3A_1225 = arith.constant 4096 : i32
      %dma_wait3A_1226 = tpu.memref_slice %arg2[%add3A_457, %dma_wait3A_1217, %dma_wait3A_1225] : memref<32x8x100000xf32, #tpu.memory_space<hbm>> -> memref<1x1x8xf32, #tpu.memory_space<hbm>>
      %dma_wait3A_1227 = tpu.memref_squeeze %dma_wait3A_1226 : memref<1x1x8xf32, #tpu.memory_space<hbm>> -> memref<8xf32, #tpu.memory_space<hbm>>
      tpu.wait_dma2 semaphore(%arg8 : memref<!tpu.dma_semaphore, #tpu.memory_space<semaphore_mem>>) src(%dma_wait3A_1227 : memref<8xf32, #tpu.memory_space<hbm>>) dst(%dma_wait3A_1224 : memref<8xf32, #tpu.memory_space<vmem>>)
      %dma_wait3A_1228 = arith.constant 7 : i32
      %dma_wait3A_1229 = arith.constant 288 : i32
      %dma_wait3A_1230 = tpu.memref_slice %arg5[%dma_wait3A_1229] : memref<512xf32, #tpu.memory_space<vmem>> -> memref<8xf32, #tpu.memory_space<vmem>>
      %dma_wait3A_1231 = arith.constant 9992 : i32
      %dma_wait3A_1232 = tpu.memref_slice %arg2[%add3A_470, %dma_wait3A_1228, %dma_wait3A_1231] : memref<32x8x100000xf32, #tpu.memory_space<hbm>> -> memref<1x1x8xf32, #tpu.memory_space<hbm>>
      %dma_wait3A_1233 = tpu.memref_squeeze %dma_wait3A_1232 : memref<1x1x8xf32, #tpu.memory_space<hbm>> -> memref<8xf32, #tpu.memory_space<hbm>>
      %dma_wait3A_1234 = arith.constant 288 : i32
      %dma_wait3A_1235 = tpu.memref_slice %arg5[%dma_wait3A_1234] : memref<512xf32, #tpu.memory_space<vmem>> -> memref<8xf32, #tpu.memory_space<vmem>>
      %dma_wait3A_1236 = arith.constant 9992 : i32
      %dma_wait3A_1237 = tpu.memref_slice %arg2[%add3A_470, %dma_wait3A_1228, %dma_wait3A_1236] : memref<32x8x100000xf32, #tpu.memory_space<hbm>> -> memref<1x1x8xf32, #tpu.memory_space<hbm>>
      %dma_wait3A_1238 = tpu.memref_squeeze %dma_wait3A_1237 : memref<1x1x8xf32, #tpu.memory_space<hbm>> -> memref<8xf32, #tpu.memory_space<hbm>>
      tpu.wait_dma2 semaphore(%arg8 : memref<!tpu.dma_semaphore, #tpu.memory_space<semaphore_mem>>) src(%dma_wait3A_1238 : memref<8xf32, #tpu.memory_space<hbm>>) dst(%dma_wait3A_1235 : memref<8xf32, #tpu.memory_space<vmem>>)
      %dma_wait3A_1239 = arith.constant 7 : i32
      %dma_wait3A_1240 = arith.constant 296 : i32
      %dma_wait3A_1241 = tpu.memref_slice %arg5[%dma_wait3A_1240] : memref<512xf32, #tpu.memory_space<vmem>> -> memref<8xf32, #tpu.memory_space<vmem>>
      %dma_wait3A_1242 = arith.constant 20000 : i32
      %dma_wait3A_1243 = tpu.memref_slice %arg2[%add3A_483, %dma_wait3A_1239, %dma_wait3A_1242] : memref<32x8x100000xf32, #tpu.memory_space<hbm>> -> memref<1x1x8xf32, #tpu.memory_space<hbm>>
      %dma_wait3A_1244 = tpu.memref_squeeze %dma_wait3A_1243 : memref<1x1x8xf32, #tpu.memory_space<hbm>> -> memref<8xf32, #tpu.memory_space<hbm>>
      %dma_wait3A_1245 = arith.constant 296 : i32
      %dma_wait3A_1246 = tpu.memref_slice %arg5[%dma_wait3A_1245] : memref<512xf32, #tpu.memory_space<vmem>> -> memref<8xf32, #tpu.memory_space<vmem>>
      %dma_wait3A_1247 = arith.constant 20000 : i32
      %dma_wait3A_1248 = tpu.memref_slice %arg2[%add3A_483, %dma_wait3A_1239, %dma_wait3A_1247] : memref<32x8x100000xf32, #tpu.memory_space<hbm>> -> memref<1x1x8xf32, #tpu.memory_space<hbm>>
      %dma_wait3A_1249 = tpu.memref_squeeze %dma_wait3A_1248 : memref<1x1x8xf32, #tpu.memory_space<hbm>> -> memref<8xf32, #tpu.memory_space<hbm>>
      tpu.wait_dma2 semaphore(%arg8 : memref<!tpu.dma_semaphore, #tpu.memory_space<semaphore_mem>>) src(%dma_wait3A_1249 : memref<8xf32, #tpu.memory_space<hbm>>) dst(%dma_wait3A_1246 : memref<8xf32, #tpu.memory_space<vmem>>)
      %dma_wait3A_1250 = arith.constant 7 : i32
      %dma_wait3A_1251 = arith.constant 304 : i32
      %dma_wait3A_1252 = tpu.memref_slice %arg5[%dma_wait3A_1251] : memref<512xf32, #tpu.memory_space<vmem>> -> memref<8xf32, #tpu.memory_space<vmem>>
      %dma_wait3A_1253 = arith.constant 50000 : i32
      %dma_wait3A_1254 = tpu.memref_slice %arg2[%add3A_496, %dma_wait3A_1250, %dma_wait3A_1253] : memref<32x8x100000xf32, #tpu.memory_space<hbm>> -> memref<1x1x8xf32, #tpu.memory_space<hbm>>
      %dma_wait3A_1255 = tpu.memref_squeeze %dma_wait3A_1254 : memref<1x1x8xf32, #tpu.memory_space<hbm>> -> memref<8xf32, #tpu.memory_space<hbm>>
      %dma_wait3A_1256 = arith.constant 304 : i32
      %dma_wait3A_1257 = tpu.memref_slice %arg5[%dma_wait3A_1256] : memref<512xf32, #tpu.memory_space<vmem>> -> memref<8xf32, #tpu.memory_space<vmem>>
      %dma_wait3A_1258 = arith.constant 50000 : i32
      %dma_wait3A_1259 = tpu.memref_slice %arg2[%add3A_496, %dma_wait3A_1250, %dma_wait3A_1258] : memref<32x8x100000xf32, #tpu.memory_space<hbm>> -> memref<1x1x8xf32, #tpu.memory_space<hbm>>
      %dma_wait3A_1260 = tpu.memref_squeeze %dma_wait3A_1259 : memref<1x1x8xf32, #tpu.memory_space<hbm>> -> memref<8xf32, #tpu.memory_space<hbm>>
      tpu.wait_dma2 semaphore(%arg8 : memref<!tpu.dma_semaphore, #tpu.memory_space<semaphore_mem>>) src(%dma_wait3A_1260 : memref<8xf32, #tpu.memory_space<hbm>>) dst(%dma_wait3A_1257 : memref<8xf32, #tpu.memory_space<vmem>>)
      %dma_wait3A_1261 = arith.constant 7 : i32
      %dma_wait3A_1262 = arith.constant 312 : i32
      %dma_wait3A_1263 = tpu.memref_slice %arg5[%dma_wait3A_1262] : memref<512xf32, #tpu.memory_space<vmem>> -> memref<8xf32, #tpu.memory_space<vmem>>
      %dma_wait3A_1264 = arith.constant 99992 : i32
      %dma_wait3A_1265 = tpu.memref_slice %arg2[%add3A_509, %dma_wait3A_1261, %dma_wait3A_1264] : memref<32x8x100000xf32, #tpu.memory_space<hbm>> -> memref<1x1x8xf32, #tpu.memory_space<hbm>>
      %dma_wait3A_1266 = tpu.memref_squeeze %dma_wait3A_1265 : memref<1x1x8xf32, #tpu.memory_space<hbm>> -> memref<8xf32, #tpu.memory_space<hbm>>
      %dma_wait3A_1267 = arith.constant 312 : i32
      %dma_wait3A_1268 = tpu.memref_slice %arg5[%dma_wait3A_1267] : memref<512xf32, #tpu.memory_space<vmem>> -> memref<8xf32, #tpu.memory_space<vmem>>
      %dma_wait3A_1269 = arith.constant 99992 : i32
      %dma_wait3A_1270 = tpu.memref_slice %arg2[%add3A_509, %dma_wait3A_1261, %dma_wait3A_1269] : memref<32x8x100000xf32, #tpu.memory_space<hbm>> -> memref<1x1x8xf32, #tpu.memory_space<hbm>>
      %dma_wait3A_1271 = tpu.memref_squeeze %dma_wait3A_1270 : memref<1x1x8xf32, #tpu.memory_space<hbm>> -> memref<8xf32, #tpu.memory_space<hbm>>
      tpu.wait_dma2 semaphore(%arg8 : memref<!tpu.dma_semaphore, #tpu.memory_space<semaphore_mem>>) src(%dma_wait3A_1271 : memref<8xf32, #tpu.memory_space<hbm>>) dst(%dma_wait3A_1268 : memref<8xf32, #tpu.memory_space<vmem>>)
      %dma_wait3A_1272 = arith.constant 7 : i32
      %dma_wait3A_1273 = arith.constant 320 : i32
      %dma_wait3A_1274 = tpu.memref_slice %arg5[%dma_wait3A_1273] : memref<512xf32, #tpu.memory_space<vmem>> -> memref<8xf32, #tpu.memory_space<vmem>>
      %dma_wait3A_1275 = arith.constant 8 : i32
      %dma_wait3A_1276 = tpu.memref_slice %arg2[%add3A_522, %dma_wait3A_1272, %dma_wait3A_1275] : memref<32x8x100000xf32, #tpu.memory_space<hbm>> -> memref<1x1x8xf32, #tpu.memory_space<hbm>>
      %dma_wait3A_1277 = tpu.memref_squeeze %dma_wait3A_1276 : memref<1x1x8xf32, #tpu.memory_space<hbm>> -> memref<8xf32, #tpu.memory_space<hbm>>
      %dma_wait3A_1278 = arith.constant 320 : i32
      %dma_wait3A_1279 = tpu.memref_slice %arg5[%dma_wait3A_1278] : memref<512xf32, #tpu.memory_space<vmem>> -> memref<8xf32, #tpu.memory_space<vmem>>
      %dma_wait3A_1280 = arith.constant 8 : i32
      %dma_wait3A_1281 = tpu.memref_slice %arg2[%add3A_522, %dma_wait3A_1272, %dma_wait3A_1280] : memref<32x8x100000xf32, #tpu.memory_space<hbm>> -> memref<1x1x8xf32, #tpu.memory_space<hbm>>
      %dma_wait3A_1282 = tpu.memref_squeeze %dma_wait3A_1281 : memref<1x1x8xf32, #tpu.memory_space<hbm>> -> memref<8xf32, #tpu.memory_space<hbm>>
      tpu.wait_dma2 semaphore(%arg8 : memref<!tpu.dma_semaphore, #tpu.memory_space<semaphore_mem>>) src(%dma_wait3A_1282 : memref<8xf32, #tpu.memory_space<hbm>>) dst(%dma_wait3A_1279 : memref<8xf32, #tpu.memory_space<vmem>>)
      %dma_wait3A_1283 = arith.constant 7 : i32
      %dma_wait3A_1284 = arith.constant 328 : i32
      %dma_wait3A_1285 = tpu.memref_slice %arg5[%dma_wait3A_1284] : memref<512xf32, #tpu.memory_space<vmem>> -> memref<8xf32, #tpu.memory_space<vmem>>
      %dma_wait3A_1286 = arith.constant 256 : i32
      %dma_wait3A_1287 = tpu.memref_slice %arg2[%add3A_535, %dma_wait3A_1283, %dma_wait3A_1286] : memref<32x8x100000xf32, #tpu.memory_space<hbm>> -> memref<1x1x8xf32, #tpu.memory_space<hbm>>
      %dma_wait3A_1288 = tpu.memref_squeeze %dma_wait3A_1287 : memref<1x1x8xf32, #tpu.memory_space<hbm>> -> memref<8xf32, #tpu.memory_space<hbm>>
      %dma_wait3A_1289 = arith.constant 328 : i32
      %dma_wait3A_1290 = tpu.memref_slice %arg5[%dma_wait3A_1289] : memref<512xf32, #tpu.memory_space<vmem>> -> memref<8xf32, #tpu.memory_space<vmem>>
      %dma_wait3A_1291 = arith.constant 256 : i32
      %dma_wait3A_1292 = tpu.memref_slice %arg2[%add3A_535, %dma_wait3A_1283, %dma_wait3A_1291] : memref<32x8x100000xf32, #tpu.memory_space<hbm>> -> memref<1x1x8xf32, #tpu.memory_space<hbm>>
      %dma_wait3A_1293 = tpu.memref_squeeze %dma_wait3A_1292 : memref<1x1x8xf32, #tpu.memory_space<hbm>> -> memref<8xf32, #tpu.memory_space<hbm>>
      tpu.wait_dma2 semaphore(%arg8 : memref<!tpu.dma_semaphore, #tpu.memory_space<semaphore_mem>>) src(%dma_wait3A_1293 : memref<8xf32, #tpu.memory_space<hbm>>) dst(%dma_wait3A_1290 : memref<8xf32, #tpu.memory_space<vmem>>)
      %dma_wait3A_1294 = arith.constant 7 : i32
      %dma_wait3A_1295 = arith.constant 336 : i32
      %dma_wait3A_1296 = tpu.memref_slice %arg5[%dma_wait3A_1295] : memref<512xf32, #tpu.memory_space<vmem>> -> memref<8xf32, #tpu.memory_space<vmem>>
      %dma_wait3A_1297 = arith.constant 1024 : i32
      %dma_wait3A_1298 = tpu.memref_slice %arg2[%add3A_548, %dma_wait3A_1294, %dma_wait3A_1297] : memref<32x8x100000xf32, #tpu.memory_space<hbm>> -> memref<1x1x8xf32, #tpu.memory_space<hbm>>
      %dma_wait3A_1299 = tpu.memref_squeeze %dma_wait3A_1298 : memref<1x1x8xf32, #tpu.memory_space<hbm>> -> memref<8xf32, #tpu.memory_space<hbm>>
      %dma_wait3A_1300 = arith.constant 336 : i32
      %dma_wait3A_1301 = tpu.memref_slice %arg5[%dma_wait3A_1300] : memref<512xf32, #tpu.memory_space<vmem>> -> memref<8xf32, #tpu.memory_space<vmem>>
      %dma_wait3A_1302 = arith.constant 1024 : i32
      %dma_wait3A_1303 = tpu.memref_slice %arg2[%add3A_548, %dma_wait3A_1294, %dma_wait3A_1302] : memref<32x8x100000xf32, #tpu.memory_space<hbm>> -> memref<1x1x8xf32, #tpu.memory_space<hbm>>
      %dma_wait3A_1304 = tpu.memref_squeeze %dma_wait3A_1303 : memref<1x1x8xf32, #tpu.memory_space<hbm>> -> memref<8xf32, #tpu.memory_space<hbm>>
      tpu.wait_dma2 semaphore(%arg8 : memref<!tpu.dma_semaphore, #tpu.memory_space<semaphore_mem>>) src(%dma_wait3A_1304 : memref<8xf32, #tpu.memory_space<hbm>>) dst(%dma_wait3A_1301 : memref<8xf32, #tpu.memory_space<vmem>>)
      %dma_wait3A_1305 = arith.constant 7 : i32
      %dma_wait3A_1306 = arith.constant 344 : i32
      %dma_wait3A_1307 = tpu.memref_slice %arg5[%dma_wait3A_1306] : memref<512xf32, #tpu.memory_space<vmem>> -> memref<8xf32, #tpu.memory_space<vmem>>
      %dma_wait3A_1308 = arith.constant 4096 : i32
      %dma_wait3A_1309 = tpu.memref_slice %arg2[%add3A_561, %dma_wait3A_1305, %dma_wait3A_1308] : memref<32x8x100000xf32, #tpu.memory_space<hbm>> -> memref<1x1x8xf32, #tpu.memory_space<hbm>>
      %dma_wait3A_1310 = tpu.memref_squeeze %dma_wait3A_1309 : memref<1x1x8xf32, #tpu.memory_space<hbm>> -> memref<8xf32, #tpu.memory_space<hbm>>
      %dma_wait3A_1311 = arith.constant 344 : i32
      %dma_wait3A_1312 = tpu.memref_slice %arg5[%dma_wait3A_1311] : memref<512xf32, #tpu.memory_space<vmem>> -> memref<8xf32, #tpu.memory_space<vmem>>
      %dma_wait3A_1313 = arith.constant 4096 : i32
      %dma_wait3A_1314 = tpu.memref_slice %arg2[%add3A_561, %dma_wait3A_1305, %dma_wait3A_1313] : memref<32x8x100000xf32, #tpu.memory_space<hbm>> -> memref<1x1x8xf32, #tpu.memory_space<hbm>>
      %dma_wait3A_1315 = tpu.memref_squeeze %dma_wait3A_1314 : memref<1x1x8xf32, #tpu.memory_space<hbm>> -> memref<8xf32, #tpu.memory_space<hbm>>
      tpu.wait_dma2 semaphore(%arg8 : memref<!tpu.dma_semaphore, #tpu.memory_space<semaphore_mem>>) src(%dma_wait3A_1315 : memref<8xf32, #tpu.memory_space<hbm>>) dst(%dma_wait3A_1312 : memref<8xf32, #tpu.memory_space<vmem>>)
      %dma_wait3A_1316 = arith.constant 7 : i32
      %dma_wait3A_1317 = arith.constant 352 : i32
      %dma_wait3A_1318 = tpu.memref_slice %arg5[%dma_wait3A_1317] : memref<512xf32, #tpu.memory_space<vmem>> -> memref<8xf32, #tpu.memory_space<vmem>>
      %dma_wait3A_1319 = arith.constant 9992 : i32
      %dma_wait3A_1320 = tpu.memref_slice %arg2[%add3A_574, %dma_wait3A_1316, %dma_wait3A_1319] : memref<32x8x100000xf32, #tpu.memory_space<hbm>> -> memref<1x1x8xf32, #tpu.memory_space<hbm>>
      %dma_wait3A_1321 = tpu.memref_squeeze %dma_wait3A_1320 : memref<1x1x8xf32, #tpu.memory_space<hbm>> -> memref<8xf32, #tpu.memory_space<hbm>>
      %dma_wait3A_1322 = arith.constant 352 : i32
      %dma_wait3A_1323 = tpu.memref_slice %arg5[%dma_wait3A_1322] : memref<512xf32, #tpu.memory_space<vmem>> -> memref<8xf32, #tpu.memory_space<vmem>>
      %dma_wait3A_1324 = arith.constant 9992 : i32
      %dma_wait3A_1325 = tpu.memref_slice %arg2[%add3A_574, %dma_wait3A_1316, %dma_wait3A_1324] : memref<32x8x100000xf32, #tpu.memory_space<hbm>> -> memref<1x1x8xf32, #tpu.memory_space<hbm>>
      %dma_wait3A_1326 = tpu.memref_squeeze %dma_wait3A_1325 : memref<1x1x8xf32, #tpu.memory_space<hbm>> -> memref<8xf32, #tpu.memory_space<hbm>>
      tpu.wait_dma2 semaphore(%arg8 : memref<!tpu.dma_semaphore, #tpu.memory_space<semaphore_mem>>) src(%dma_wait3A_1326 : memref<8xf32, #tpu.memory_space<hbm>>) dst(%dma_wait3A_1323 : memref<8xf32, #tpu.memory_space<vmem>>)
      %dma_wait3A_1327 = arith.constant 7 : i32
      %dma_wait3A_1328 = arith.constant 360 : i32
      %dma_wait3A_1329 = tpu.memref_slice %arg5[%dma_wait3A_1328] : memref<512xf32, #tpu.memory_space<vmem>> -> memref<8xf32, #tpu.memory_space<vmem>>
      %dma_wait3A_1330 = arith.constant 20000 : i32
      %dma_wait3A_1331 = tpu.memref_slice %arg2[%add3A_587, %dma_wait3A_1327, %dma_wait3A_1330] : memref<32x8x100000xf32, #tpu.memory_space<hbm>> -> memref<1x1x8xf32, #tpu.memory_space<hbm>>
      %dma_wait3A_1332 = tpu.memref_squeeze %dma_wait3A_1331 : memref<1x1x8xf32, #tpu.memory_space<hbm>> -> memref<8xf32, #tpu.memory_space<hbm>>
      %dma_wait3A_1333 = arith.constant 360 : i32
      %dma_wait3A_1334 = tpu.memref_slice %arg5[%dma_wait3A_1333] : memref<512xf32, #tpu.memory_space<vmem>> -> memref<8xf32, #tpu.memory_space<vmem>>
      %dma_wait3A_1335 = arith.constant 20000 : i32
      %dma_wait3A_1336 = tpu.memref_slice %arg2[%add3A_587, %dma_wait3A_1327, %dma_wait3A_1335] : memref<32x8x100000xf32, #tpu.memory_space<hbm>> -> memref<1x1x8xf32, #tpu.memory_space<hbm>>
      %dma_wait3A_1337 = tpu.memref_squeeze %dma_wait3A_1336 : memref<1x1x8xf32, #tpu.memory_space<hbm>> -> memref<8xf32, #tpu.memory_space<hbm>>
      tpu.wait_dma2 semaphore(%arg8 : memref<!tpu.dma_semaphore, #tpu.memory_space<semaphore_mem>>) src(%dma_wait3A_1337 : memref<8xf32, #tpu.memory_space<hbm>>) dst(%dma_wait3A_1334 : memref<8xf32, #tpu.memory_space<vmem>>)
      %dma_wait3A_1338 = arith.constant 7 : i32
      %dma_wait3A_1339 = arith.constant 368 : i32
      %dma_wait3A_1340 = tpu.memref_slice %arg5[%dma_wait3A_1339] : memref<512xf32, #tpu.memory_space<vmem>> -> memref<8xf32, #tpu.memory_space<vmem>>
      %dma_wait3A_1341 = arith.constant 50000 : i32
      %dma_wait3A_1342 = tpu.memref_slice %arg2[%add3A_600, %dma_wait3A_1338, %dma_wait3A_1341] : memref<32x8x100000xf32, #tpu.memory_space<hbm>> -> memref<1x1x8xf32, #tpu.memory_space<hbm>>
      %dma_wait3A_1343 = tpu.memref_squeeze %dma_wait3A_1342 : memref<1x1x8xf32, #tpu.memory_space<hbm>> -> memref<8xf32, #tpu.memory_space<hbm>>
      %dma_wait3A_1344 = arith.constant 368 : i32
      %dma_wait3A_1345 = tpu.memref_slice %arg5[%dma_wait3A_1344] : memref<512xf32, #tpu.memory_space<vmem>> -> memref<8xf32, #tpu.memory_space<vmem>>
      %dma_wait3A_1346 = arith.constant 50000 : i32
      %dma_wait3A_1347 = tpu.memref_slice %arg2[%add3A_600, %dma_wait3A_1338, %dma_wait3A_1346] : memref<32x8x100000xf32, #tpu.memory_space<hbm>> -> memref<1x1x8xf32, #tpu.memory_space<hbm>>
      %dma_wait3A_1348 = tpu.memref_squeeze %dma_wait3A_1347 : memref<1x1x8xf32, #tpu.memory_space<hbm>> -> memref<8xf32, #tpu.memory_space<hbm>>
      tpu.wait_dma2 semaphore(%arg8 : memref<!tpu.dma_semaphore, #tpu.memory_space<semaphore_mem>>) src(%dma_wait3A_1348 : memref<8xf32, #tpu.memory_space<hbm>>) dst(%dma_wait3A_1345 : memref<8xf32, #tpu.memory_space<vmem>>)
      %dma_wait3A_1349 = arith.constant 7 : i32
      %dma_wait3A_1350 = arith.constant 376 : i32
      %dma_wait3A_1351 = tpu.memref_slice %arg5[%dma_wait3A_1350] : memref<512xf32, #tpu.memory_space<vmem>> -> memref<8xf32, #tpu.memory_space<vmem>>
      %dma_wait3A_1352 = arith.constant 99992 : i32
      %dma_wait3A_1353 = tpu.memref_slice %arg2[%add3A_613, %dma_wait3A_1349, %dma_wait3A_1352] : memref<32x8x100000xf32, #tpu.memory_space<hbm>> -> memref<1x1x8xf32, #tpu.memory_space<hbm>>
      %dma_wait3A_1354 = tpu.memref_squeeze %dma_wait3A_1353 : memref<1x1x8xf32, #tpu.memory_space<hbm>> -> memref<8xf32, #tpu.memory_space<hbm>>
      %dma_wait3A_1355 = arith.constant 376 : i32
      %dma_wait3A_1356 = tpu.memref_slice %arg5[%dma_wait3A_1355] : memref<512xf32, #tpu.memory_space<vmem>> -> memref<8xf32, #tpu.memory_space<vmem>>
      %dma_wait3A_1357 = arith.constant 99992 : i32
      %dma_wait3A_1358 = tpu.memref_slice %arg2[%add3A_613, %dma_wait3A_1349, %dma_wait3A_1357] : memref<32x8x100000xf32, #tpu.memory_space<hbm>> -> memref<1x1x8xf32, #tpu.memory_space<hbm>>
      %dma_wait3A_1359 = tpu.memref_squeeze %dma_wait3A_1358 : memref<1x1x8xf32, #tpu.memory_space<hbm>> -> memref<8xf32, #tpu.memory_space<hbm>>
      tpu.wait_dma2 semaphore(%arg8 : memref<!tpu.dma_semaphore, #tpu.memory_space<semaphore_mem>>) src(%dma_wait3A_1359 : memref<8xf32, #tpu.memory_space<hbm>>) dst(%dma_wait3A_1356 : memref<8xf32, #tpu.memory_space<vmem>>)
      %dma_wait3A_1360 = arith.constant 7 : i32
      %dma_wait3A_1361 = arith.constant 384 : i32
      %dma_wait3A_1362 = tpu.memref_slice %arg5[%dma_wait3A_1361] : memref<512xf32, #tpu.memory_space<vmem>> -> memref<8xf32, #tpu.memory_space<vmem>>
      %dma_wait3A_1363 = arith.constant 8 : i32
      %dma_wait3A_1364 = tpu.memref_slice %arg2[%add3A_626, %dma_wait3A_1360, %dma_wait3A_1363] : memref<32x8x100000xf32, #tpu.memory_space<hbm>> -> memref<1x1x8xf32, #tpu.memory_space<hbm>>
      %dma_wait3A_1365 = tpu.memref_squeeze %dma_wait3A_1364 : memref<1x1x8xf32, #tpu.memory_space<hbm>> -> memref<8xf32, #tpu.memory_space<hbm>>
      %dma_wait3A_1366 = arith.constant 384 : i32
      %dma_wait3A_1367 = tpu.memref_slice %arg5[%dma_wait3A_1366] : memref<512xf32, #tpu.memory_space<vmem>> -> memref<8xf32, #tpu.memory_space<vmem>>
      %dma_wait3A_1368 = arith.constant 8 : i32
      %dma_wait3A_1369 = tpu.memref_slice %arg2[%add3A_626, %dma_wait3A_1360, %dma_wait3A_1368] : memref<32x8x100000xf32, #tpu.memory_space<hbm>> -> memref<1x1x8xf32, #tpu.memory_space<hbm>>
      %dma_wait3A_1370 = tpu.memref_squeeze %dma_wait3A_1369 : memref<1x1x8xf32, #tpu.memory_space<hbm>> -> memref<8xf32, #tpu.memory_space<hbm>>
      tpu.wait_dma2 semaphore(%arg8 : memref<!tpu.dma_semaphore, #tpu.memory_space<semaphore_mem>>) src(%dma_wait3A_1370 : memref<8xf32, #tpu.memory_space<hbm>>) dst(%dma_wait3A_1367 : memref<8xf32, #tpu.memory_space<vmem>>)
      %dma_wait3A_1371 = arith.constant 7 : i32
      %dma_wait3A_1372 = arith.constant 392 : i32
      %dma_wait3A_1373 = tpu.memref_slice %arg5[%dma_wait3A_1372] : memref<512xf32, #tpu.memory_space<vmem>> -> memref<8xf32, #tpu.memory_space<vmem>>
      %dma_wait3A_1374 = arith.constant 256 : i32
      %dma_wait3A_1375 = tpu.memref_slice %arg2[%add3A_639, %dma_wait3A_1371, %dma_wait3A_1374] : memref<32x8x100000xf32, #tpu.memory_space<hbm>> -> memref<1x1x8xf32, #tpu.memory_space<hbm>>
      %dma_wait3A_1376 = tpu.memref_squeeze %dma_wait3A_1375 : memref<1x1x8xf32, #tpu.memory_space<hbm>> -> memref<8xf32, #tpu.memory_space<hbm>>
      %dma_wait3A_1377 = arith.constant 392 : i32
      %dma_wait3A_1378 = tpu.memref_slice %arg5[%dma_wait3A_1377] : memref<512xf32, #tpu.memory_space<vmem>> -> memref<8xf32, #tpu.memory_space<vmem>>
      %dma_wait3A_1379 = arith.constant 256 : i32
      %dma_wait3A_1380 = tpu.memref_slice %arg2[%add3A_639, %dma_wait3A_1371, %dma_wait3A_1379] : memref<32x8x100000xf32, #tpu.memory_space<hbm>> -> memref<1x1x8xf32, #tpu.memory_space<hbm>>
      %dma_wait3A_1381 = tpu.memref_squeeze %dma_wait3A_1380 : memref<1x1x8xf32, #tpu.memory_space<hbm>> -> memref<8xf32, #tpu.memory_space<hbm>>
      tpu.wait_dma2 semaphore(%arg8 : memref<!tpu.dma_semaphore, #tpu.memory_space<semaphore_mem>>) src(%dma_wait3A_1381 : memref<8xf32, #tpu.memory_space<hbm>>) dst(%dma_wait3A_1378 : memref<8xf32, #tpu.memory_space<vmem>>)
      %dma_wait3A_1382 = arith.constant 7 : i32
      %dma_wait3A_1383 = arith.constant 400 : i32
      %dma_wait3A_1384 = tpu.memref_slice %arg5[%dma_wait3A_1383] : memref<512xf32, #tpu.memory_space<vmem>> -> memref<8xf32, #tpu.memory_space<vmem>>
      %dma_wait3A_1385 = arith.constant 1024 : i32
      %dma_wait3A_1386 = tpu.memref_slice %arg2[%add3A_652, %dma_wait3A_1382, %dma_wait3A_1385] : memref<32x8x100000xf32, #tpu.memory_space<hbm>> -> memref<1x1x8xf32, #tpu.memory_space<hbm>>
      %dma_wait3A_1387 = tpu.memref_squeeze %dma_wait3A_1386 : memref<1x1x8xf32, #tpu.memory_space<hbm>> -> memref<8xf32, #tpu.memory_space<hbm>>
      %dma_wait3A_1388 = arith.constant 400 : i32
      %dma_wait3A_1389 = tpu.memref_slice %arg5[%dma_wait3A_1388] : memref<512xf32, #tpu.memory_space<vmem>> -> memref<8xf32, #tpu.memory_space<vmem>>
      %dma_wait3A_1390 = arith.constant 1024 : i32
      %dma_wait3A_1391 = tpu.memref_slice %arg2[%add3A_652, %dma_wait3A_1382, %dma_wait3A_1390] : memref<32x8x100000xf32, #tpu.memory_space<hbm>> -> memref<1x1x8xf32, #tpu.memory_space<hbm>>
      %dma_wait3A_1392 = tpu.memref_squeeze %dma_wait3A_1391 : memref<1x1x8xf32, #tpu.memory_space<hbm>> -> memref<8xf32, #tpu.memory_space<hbm>>
      tpu.wait_dma2 semaphore(%arg8 : memref<!tpu.dma_semaphore, #tpu.memory_space<semaphore_mem>>) src(%dma_wait3A_1392 : memref<8xf32, #tpu.memory_space<hbm>>) dst(%dma_wait3A_1389 : memref<8xf32, #tpu.memory_space<vmem>>)
      %dma_wait3A_1393 = arith.constant 7 : i32
      %dma_wait3A_1394 = arith.constant 408 : i32
      %dma_wait3A_1395 = tpu.memref_slice %arg5[%dma_wait3A_1394] : memref<512xf32, #tpu.memory_space<vmem>> -> memref<8xf32, #tpu.memory_space<vmem>>
      %dma_wait3A_1396 = arith.constant 4096 : i32
      %dma_wait3A_1397 = tpu.memref_slice %arg2[%add3A_665, %dma_wait3A_1393, %dma_wait3A_1396] : memref<32x8x100000xf32, #tpu.memory_space<hbm>> -> memref<1x1x8xf32, #tpu.memory_space<hbm>>
      %dma_wait3A_1398 = tpu.memref_squeeze %dma_wait3A_1397 : memref<1x1x8xf32, #tpu.memory_space<hbm>> -> memref<8xf32, #tpu.memory_space<hbm>>
      %dma_wait3A_1399 = arith.constant 408 : i32
      %dma_wait3A_1400 = tpu.memref_slice %arg5[%dma_wait3A_1399] : memref<512xf32, #tpu.memory_space<vmem>> -> memref<8xf32, #tpu.memory_space<vmem>>
      %dma_wait3A_1401 = arith.constant 4096 : i32
      %dma_wait3A_1402 = tpu.memref_slice %arg2[%add3A_665, %dma_wait3A_1393, %dma_wait3A_1401] : memref<32x8x100000xf32, #tpu.memory_space<hbm>> -> memref<1x1x8xf32, #tpu.memory_space<hbm>>
      %dma_wait3A_1403 = tpu.memref_squeeze %dma_wait3A_1402 : memref<1x1x8xf32, #tpu.memory_space<hbm>> -> memref<8xf32, #tpu.memory_space<hbm>>
      tpu.wait_dma2 semaphore(%arg8 : memref<!tpu.dma_semaphore, #tpu.memory_space<semaphore_mem>>) src(%dma_wait3A_1403 : memref<8xf32, #tpu.memory_space<hbm>>) dst(%dma_wait3A_1400 : memref<8xf32, #tpu.memory_space<vmem>>)
      %dma_wait3A_1404 = arith.constant 7 : i32
      %dma_wait3A_1405 = arith.constant 416 : i32
      %dma_wait3A_1406 = tpu.memref_slice %arg5[%dma_wait3A_1405] : memref<512xf32, #tpu.memory_space<vmem>> -> memref<8xf32, #tpu.memory_space<vmem>>
      %dma_wait3A_1407 = arith.constant 9992 : i32
      %dma_wait3A_1408 = tpu.memref_slice %arg2[%add3A_678, %dma_wait3A_1404, %dma_wait3A_1407] : memref<32x8x100000xf32, #tpu.memory_space<hbm>> -> memref<1x1x8xf32, #tpu.memory_space<hbm>>
      %dma_wait3A_1409 = tpu.memref_squeeze %dma_wait3A_1408 : memref<1x1x8xf32, #tpu.memory_space<hbm>> -> memref<8xf32, #tpu.memory_space<hbm>>
      %dma_wait3A_1410 = arith.constant 416 : i32
      %dma_wait3A_1411 = tpu.memref_slice %arg5[%dma_wait3A_1410] : memref<512xf32, #tpu.memory_space<vmem>> -> memref<8xf32, #tpu.memory_space<vmem>>
      %dma_wait3A_1412 = arith.constant 9992 : i32
      %dma_wait3A_1413 = tpu.memref_slice %arg2[%add3A_678, %dma_wait3A_1404, %dma_wait3A_1412] : memref<32x8x100000xf32, #tpu.memory_space<hbm>> -> memref<1x1x8xf32, #tpu.memory_space<hbm>>
      %dma_wait3A_1414 = tpu.memref_squeeze %dma_wait3A_1413 : memref<1x1x8xf32, #tpu.memory_space<hbm>> -> memref<8xf32, #tpu.memory_space<hbm>>
      tpu.wait_dma2 semaphore(%arg8 : memref<!tpu.dma_semaphore, #tpu.memory_space<semaphore_mem>>) src(%dma_wait3A_1414 : memref<8xf32, #tpu.memory_space<hbm>>) dst(%dma_wait3A_1411 : memref<8xf32, #tpu.memory_space<vmem>>)
      %dma_wait3A_1415 = arith.constant 7 : i32
      %dma_wait3A_1416 = arith.constant 424 : i32
      %dma_wait3A_1417 = tpu.memref_slice %arg5[%dma_wait3A_1416] : memref<512xf32, #tpu.memory_space<vmem>> -> memref<8xf32, #tpu.memory_space<vmem>>
      %dma_wait3A_1418 = arith.constant 20000 : i32
      %dma_wait3A_1419 = tpu.memref_slice %arg2[%add3A_691, %dma_wait3A_1415, %dma_wait3A_1418] : memref<32x8x100000xf32, #tpu.memory_space<hbm>> -> memref<1x1x8xf32, #tpu.memory_space<hbm>>
      %dma_wait3A_1420 = tpu.memref_squeeze %dma_wait3A_1419 : memref<1x1x8xf32, #tpu.memory_space<hbm>> -> memref<8xf32, #tpu.memory_space<hbm>>
      %dma_wait3A_1421 = arith.constant 424 : i32
      %dma_wait3A_1422 = tpu.memref_slice %arg5[%dma_wait3A_1421] : memref<512xf32, #tpu.memory_space<vmem>> -> memref<8xf32, #tpu.memory_space<vmem>>
      %dma_wait3A_1423 = arith.constant 20000 : i32
      %dma_wait3A_1424 = tpu.memref_slice %arg2[%add3A_691, %dma_wait3A_1415, %dma_wait3A_1423] : memref<32x8x100000xf32, #tpu.memory_space<hbm>> -> memref<1x1x8xf32, #tpu.memory_space<hbm>>
      %dma_wait3A_1425 = tpu.memref_squeeze %dma_wait3A_1424 : memref<1x1x8xf32, #tpu.memory_space<hbm>> -> memref<8xf32, #tpu.memory_space<hbm>>
      tpu.wait_dma2 semaphore(%arg8 : memref<!tpu.dma_semaphore, #tpu.memory_space<semaphore_mem>>) src(%dma_wait3A_1425 : memref<8xf32, #tpu.memory_space<hbm>>) dst(%dma_wait3A_1422 : memref<8xf32, #tpu.memory_space<vmem>>)
      %dma_wait3A_1426 = arith.constant 7 : i32
      %dma_wait3A_1427 = arith.constant 432 : i32
      %dma_wait3A_1428 = tpu.memref_slice %arg5[%dma_wait3A_1427] : memref<512xf32, #tpu.memory_space<vmem>> -> memref<8xf32, #tpu.memory_space<vmem>>
      %dma_wait3A_1429 = arith.constant 50000 : i32
      %dma_wait3A_1430 = tpu.memref_slice %arg2[%add3A_704, %dma_wait3A_1426, %dma_wait3A_1429] : memref<32x8x100000xf32, #tpu.memory_space<hbm>> -> memref<1x1x8xf32, #tpu.memory_space<hbm>>
      %dma_wait3A_1431 = tpu.memref_squeeze %dma_wait3A_1430 : memref<1x1x8xf32, #tpu.memory_space<hbm>> -> memref<8xf32, #tpu.memory_space<hbm>>
      %dma_wait3A_1432 = arith.constant 432 : i32
      %dma_wait3A_1433 = tpu.memref_slice %arg5[%dma_wait3A_1432] : memref<512xf32, #tpu.memory_space<vmem>> -> memref<8xf32, #tpu.memory_space<vmem>>
      %dma_wait3A_1434 = arith.constant 50000 : i32
      %dma_wait3A_1435 = tpu.memref_slice %arg2[%add3A_704, %dma_wait3A_1426, %dma_wait3A_1434] : memref<32x8x100000xf32, #tpu.memory_space<hbm>> -> memref<1x1x8xf32, #tpu.memory_space<hbm>>
      %dma_wait3A_1436 = tpu.memref_squeeze %dma_wait3A_1435 : memref<1x1x8xf32, #tpu.memory_space<hbm>> -> memref<8xf32, #tpu.memory_space<hbm>>
      tpu.wait_dma2 semaphore(%arg8 : memref<!tpu.dma_semaphore, #tpu.memory_space<semaphore_mem>>) src(%dma_wait3A_1436 : memref<8xf32, #tpu.memory_space<hbm>>) dst(%dma_wait3A_1433 : memref<8xf32, #tpu.memory_space<vmem>>)
      %dma_wait3A_1437 = arith.constant 7 : i32
      %dma_wait3A_1438 = arith.constant 440 : i32
      %dma_wait3A_1439 = tpu.memref_slice %arg5[%dma_wait3A_1438] : memref<512xf32, #tpu.memory_space<vmem>> -> memref<8xf32, #tpu.memory_space<vmem>>
      %dma_wait3A_1440 = arith.constant 99992 : i32
      %dma_wait3A_1441 = tpu.memref_slice %arg2[%add3A_717, %dma_wait3A_1437, %dma_wait3A_1440] : memref<32x8x100000xf32, #tpu.memory_space<hbm>> -> memref<1x1x8xf32, #tpu.memory_space<hbm>>
      %dma_wait3A_1442 = tpu.memref_squeeze %dma_wait3A_1441 : memref<1x1x8xf32, #tpu.memory_space<hbm>> -> memref<8xf32, #tpu.memory_space<hbm>>
      %dma_wait3A_1443 = arith.constant 440 : i32
      %dma_wait3A_1444 = tpu.memref_slice %arg5[%dma_wait3A_1443] : memref<512xf32, #tpu.memory_space<vmem>> -> memref<8xf32, #tpu.memory_space<vmem>>
      %dma_wait3A_1445 = arith.constant 99992 : i32
      %dma_wait3A_1446 = tpu.memref_slice %arg2[%add3A_717, %dma_wait3A_1437, %dma_wait3A_1445] : memref<32x8x100000xf32, #tpu.memory_space<hbm>> -> memref<1x1x8xf32, #tpu.memory_space<hbm>>
      %dma_wait3A_1447 = tpu.memref_squeeze %dma_wait3A_1446 : memref<1x1x8xf32, #tpu.memory_space<hbm>> -> memref<8xf32, #tpu.memory_space<hbm>>
      tpu.wait_dma2 semaphore(%arg8 : memref<!tpu.dma_semaphore, #tpu.memory_space<semaphore_mem>>) src(%dma_wait3A_1447 : memref<8xf32, #tpu.memory_space<hbm>>) dst(%dma_wait3A_1444 : memref<8xf32, #tpu.memory_space<vmem>>)
      %dma_wait3A_1448 = arith.constant 7 : i32
      %dma_wait3A_1449 = arith.constant 448 : i32
      %dma_wait3A_1450 = tpu.memref_slice %arg5[%dma_wait3A_1449] : memref<512xf32, #tpu.memory_space<vmem>> -> memref<8xf32, #tpu.memory_space<vmem>>
      %dma_wait3A_1451 = arith.constant 8 : i32
      %dma_wait3A_1452 = tpu.memref_slice %arg2[%add3A_730, %dma_wait3A_1448, %dma_wait3A_1451] : memref<32x8x100000xf32, #tpu.memory_space<hbm>> -> memref<1x1x8xf32, #tpu.memory_space<hbm>>
      %dma_wait3A_1453 = tpu.memref_squeeze %dma_wait3A_1452 : memref<1x1x8xf32, #tpu.memory_space<hbm>> -> memref<8xf32, #tpu.memory_space<hbm>>
      %dma_wait3A_1454 = arith.constant 448 : i32
      %dma_wait3A_1455 = tpu.memref_slice %arg5[%dma_wait3A_1454] : memref<512xf32, #tpu.memory_space<vmem>> -> memref<8xf32, #tpu.memory_space<vmem>>
      %dma_wait3A_1456 = arith.constant 8 : i32
      %dma_wait3A_1457 = tpu.memref_slice %arg2[%add3A_730, %dma_wait3A_1448, %dma_wait3A_1456] : memref<32x8x100000xf32, #tpu.memory_space<hbm>> -> memref<1x1x8xf32, #tpu.memory_space<hbm>>
      %dma_wait3A_1458 = tpu.memref_squeeze %dma_wait3A_1457 : memref<1x1x8xf32, #tpu.memory_space<hbm>> -> memref<8xf32, #tpu.memory_space<hbm>>
      tpu.wait_dma2 semaphore(%arg8 : memref<!tpu.dma_semaphore, #tpu.memory_space<semaphore_mem>>) src(%dma_wait3A_1458 : memref<8xf32, #tpu.memory_space<hbm>>) dst(%dma_wait3A_1455 : memref<8xf32, #tpu.memory_space<vmem>>)
      %dma_wait3A_1459 = arith.constant 7 : i32
      %dma_wait3A_1460 = arith.constant 456 : i32
      %dma_wait3A_1461 = tpu.memref_slice %arg5[%dma_wait3A_1460] : memref<512xf32, #tpu.memory_space<vmem>> -> memref<8xf32, #tpu.memory_space<vmem>>
      %dma_wait3A_1462 = arith.constant 256 : i32
      %dma_wait3A_1463 = tpu.memref_slice %arg2[%add3A_743, %dma_wait3A_1459, %dma_wait3A_1462] : memref<32x8x100000xf32, #tpu.memory_space<hbm>> -> memref<1x1x8xf32, #tpu.memory_space<hbm>>
      %dma_wait3A_1464 = tpu.memref_squeeze %dma_wait3A_1463 : memref<1x1x8xf32, #tpu.memory_space<hbm>> -> memref<8xf32, #tpu.memory_space<hbm>>
      %dma_wait3A_1465 = arith.constant 456 : i32
      %dma_wait3A_1466 = tpu.memref_slice %arg5[%dma_wait3A_1465] : memref<512xf32, #tpu.memory_space<vmem>> -> memref<8xf32, #tpu.memory_space<vmem>>
      %dma_wait3A_1467 = arith.constant 256 : i32
      %dma_wait3A_1468 = tpu.memref_slice %arg2[%add3A_743, %dma_wait3A_1459, %dma_wait3A_1467] : memref<32x8x100000xf32, #tpu.memory_space<hbm>> -> memref<1x1x8xf32, #tpu.memory_space<hbm>>
      %dma_wait3A_1469 = tpu.memref_squeeze %dma_wait3A_1468 : memref<1x1x8xf32, #tpu.memory_space<hbm>> -> memref<8xf32, #tpu.memory_space<hbm>>
      tpu.wait_dma2 semaphore(%arg8 : memref<!tpu.dma_semaphore, #tpu.memory_space<semaphore_mem>>) src(%dma_wait3A_1469 : memref<8xf32, #tpu.memory_space<hbm>>) dst(%dma_wait3A_1466 : memref<8xf32, #tpu.memory_space<vmem>>)
      %dma_wait3A_1470 = arith.constant 7 : i32
      %dma_wait3A_1471 = arith.constant 464 : i32
      %dma_wait3A_1472 = tpu.memref_slice %arg5[%dma_wait3A_1471] : memref<512xf32, #tpu.memory_space<vmem>> -> memref<8xf32, #tpu.memory_space<vmem>>
      %dma_wait3A_1473 = arith.constant 1024 : i32
      %dma_wait3A_1474 = tpu.memref_slice %arg2[%add3A_756, %dma_wait3A_1470, %dma_wait3A_1473] : memref<32x8x100000xf32, #tpu.memory_space<hbm>> -> memref<1x1x8xf32, #tpu.memory_space<hbm>>
      %dma_wait3A_1475 = tpu.memref_squeeze %dma_wait3A_1474 : memref<1x1x8xf32, #tpu.memory_space<hbm>> -> memref<8xf32, #tpu.memory_space<hbm>>
      %dma_wait3A_1476 = arith.constant 464 : i32
      %dma_wait3A_1477 = tpu.memref_slice %arg5[%dma_wait3A_1476] : memref<512xf32, #tpu.memory_space<vmem>> -> memref<8xf32, #tpu.memory_space<vmem>>
      %dma_wait3A_1478 = arith.constant 1024 : i32
      %dma_wait3A_1479 = tpu.memref_slice %arg2[%add3A_756, %dma_wait3A_1470, %dma_wait3A_1478] : memref<32x8x100000xf32, #tpu.memory_space<hbm>> -> memref<1x1x8xf32, #tpu.memory_space<hbm>>
      %dma_wait3A_1480 = tpu.memref_squeeze %dma_wait3A_1479 : memref<1x1x8xf32, #tpu.memory_space<hbm>> -> memref<8xf32, #tpu.memory_space<hbm>>
      tpu.wait_dma2 semaphore(%arg8 : memref<!tpu.dma_semaphore, #tpu.memory_space<semaphore_mem>>) src(%dma_wait3A_1480 : memref<8xf32, #tpu.memory_space<hbm>>) dst(%dma_wait3A_1477 : memref<8xf32, #tpu.memory_space<vmem>>)
      %dma_wait3A_1481 = arith.constant 7 : i32
      %dma_wait3A_1482 = arith.constant 472 : i32
      %dma_wait3A_1483 = tpu.memref_slice %arg5[%dma_wait3A_1482] : memref<512xf32, #tpu.memory_space<vmem>> -> memref<8xf32, #tpu.memory_space<vmem>>
      %dma_wait3A_1484 = arith.constant 4096 : i32
      %dma_wait3A_1485 = tpu.memref_slice %arg2[%add3A_769, %dma_wait3A_1481, %dma_wait3A_1484] : memref<32x8x100000xf32, #tpu.memory_space<hbm>> -> memref<1x1x8xf32, #tpu.memory_space<hbm>>
      %dma_wait3A_1486 = tpu.memref_squeeze %dma_wait3A_1485 : memref<1x1x8xf32, #tpu.memory_space<hbm>> -> memref<8xf32, #tpu.memory_space<hbm>>
      %dma_wait3A_1487 = arith.constant 472 : i32
      %dma_wait3A_1488 = tpu.memref_slice %arg5[%dma_wait3A_1487] : memref<512xf32, #tpu.memory_space<vmem>> -> memref<8xf32, #tpu.memory_space<vmem>>
      %dma_wait3A_1489 = arith.constant 4096 : i32
      %dma_wait3A_1490 = tpu.memref_slice %arg2[%add3A_769, %dma_wait3A_1481, %dma_wait3A_1489] : memref<32x8x100000xf32, #tpu.memory_space<hbm>> -> memref<1x1x8xf32, #tpu.memory_space<hbm>>
      %dma_wait3A_1491 = tpu.memref_squeeze %dma_wait3A_1490 : memref<1x1x8xf32, #tpu.memory_space<hbm>> -> memref<8xf32, #tpu.memory_space<hbm>>
      tpu.wait_dma2 semaphore(%arg8 : memref<!tpu.dma_semaphore, #tpu.memory_space<semaphore_mem>>) src(%dma_wait3A_1491 : memref<8xf32, #tpu.memory_space<hbm>>) dst(%dma_wait3A_1488 : memref<8xf32, #tpu.memory_space<vmem>>)
      %dma_wait3A_1492 = arith.constant 7 : i32
      %dma_wait3A_1493 = arith.constant 480 : i32
      %dma_wait3A_1494 = tpu.memref_slice %arg5[%dma_wait3A_1493] : memref<512xf32, #tpu.memory_space<vmem>> -> memref<8xf32, #tpu.memory_space<vmem>>
      %dma_wait3A_1495 = arith.constant 9992 : i32
      %dma_wait3A_1496 = tpu.memref_slice %arg2[%add3A_782, %dma_wait3A_1492, %dma_wait3A_1495] : memref<32x8x100000xf32, #tpu.memory_space<hbm>> -> memref<1x1x8xf32, #tpu.memory_space<hbm>>
      %dma_wait3A_1497 = tpu.memref_squeeze %dma_wait3A_1496 : memref<1x1x8xf32, #tpu.memory_space<hbm>> -> memref<8xf32, #tpu.memory_space<hbm>>
      %dma_wait3A_1498 = arith.constant 480 : i32
      %dma_wait3A_1499 = tpu.memref_slice %arg5[%dma_wait3A_1498] : memref<512xf32, #tpu.memory_space<vmem>> -> memref<8xf32, #tpu.memory_space<vmem>>
      %dma_wait3A_1500 = arith.constant 9992 : i32
      %dma_wait3A_1501 = tpu.memref_slice %arg2[%add3A_782, %dma_wait3A_1492, %dma_wait3A_1500] : memref<32x8x100000xf32, #tpu.memory_space<hbm>> -> memref<1x1x8xf32, #tpu.memory_space<hbm>>
      %dma_wait3A_1502 = tpu.memref_squeeze %dma_wait3A_1501 : memref<1x1x8xf32, #tpu.memory_space<hbm>> -> memref<8xf32, #tpu.memory_space<hbm>>
      tpu.wait_dma2 semaphore(%arg8 : memref<!tpu.dma_semaphore, #tpu.memory_space<semaphore_mem>>) src(%dma_wait3A_1502 : memref<8xf32, #tpu.memory_space<hbm>>) dst(%dma_wait3A_1499 : memref<8xf32, #tpu.memory_space<vmem>>)
      %dma_wait3A_1503 = arith.constant 7 : i32
      %dma_wait3A_1504 = arith.constant 488 : i32
      %dma_wait3A_1505 = tpu.memref_slice %arg5[%dma_wait3A_1504] : memref<512xf32, #tpu.memory_space<vmem>> -> memref<8xf32, #tpu.memory_space<vmem>>
      %dma_wait3A_1506 = arith.constant 20000 : i32
      %dma_wait3A_1507 = tpu.memref_slice %arg2[%add3A_795, %dma_wait3A_1503, %dma_wait3A_1506] : memref<32x8x100000xf32, #tpu.memory_space<hbm>> -> memref<1x1x8xf32, #tpu.memory_space<hbm>>
      %dma_wait3A_1508 = tpu.memref_squeeze %dma_wait3A_1507 : memref<1x1x8xf32, #tpu.memory_space<hbm>> -> memref<8xf32, #tpu.memory_space<hbm>>
      %dma_wait3A_1509 = arith.constant 488 : i32
      %dma_wait3A_1510 = tpu.memref_slice %arg5[%dma_wait3A_1509] : memref<512xf32, #tpu.memory_space<vmem>> -> memref<8xf32, #tpu.memory_space<vmem>>
      %dma_wait3A_1511 = arith.constant 20000 : i32
      %dma_wait3A_1512 = tpu.memref_slice %arg2[%add3A_795, %dma_wait3A_1503, %dma_wait3A_1511] : memref<32x8x100000xf32, #tpu.memory_space<hbm>> -> memref<1x1x8xf32, #tpu.memory_space<hbm>>
      %dma_wait3A_1513 = tpu.memref_squeeze %dma_wait3A_1512 : memref<1x1x8xf32, #tpu.memory_space<hbm>> -> memref<8xf32, #tpu.memory_space<hbm>>
      tpu.wait_dma2 semaphore(%arg8 : memref<!tpu.dma_semaphore, #tpu.memory_space<semaphore_mem>>) src(%dma_wait3A_1513 : memref<8xf32, #tpu.memory_space<hbm>>) dst(%dma_wait3A_1510 : memref<8xf32, #tpu.memory_space<vmem>>)
      %dma_wait3A_1514 = arith.constant 7 : i32
      %dma_wait3A_1515 = arith.constant 496 : i32
      %dma_wait3A_1516 = tpu.memref_slice %arg5[%dma_wait3A_1515] : memref<512xf32, #tpu.memory_space<vmem>> -> memref<8xf32, #tpu.memory_space<vmem>>
      %dma_wait3A_1517 = arith.constant 50000 : i32
      %dma_wait3A_1518 = tpu.memref_slice %arg2[%add3A_808, %dma_wait3A_1514, %dma_wait3A_1517] : memref<32x8x100000xf32, #tpu.memory_space<hbm>> -> memref<1x1x8xf32, #tpu.memory_space<hbm>>
      %dma_wait3A_1519 = tpu.memref_squeeze %dma_wait3A_1518 : memref<1x1x8xf32, #tpu.memory_space<hbm>> -> memref<8xf32, #tpu.memory_space<hbm>>
      %dma_wait3A_1520 = arith.constant 496 : i32
      %dma_wait3A_1521 = tpu.memref_slice %arg5[%dma_wait3A_1520] : memref<512xf32, #tpu.memory_space<vmem>> -> memref<8xf32, #tpu.memory_space<vmem>>
      %dma_wait3A_1522 = arith.constant 50000 : i32
      %dma_wait3A_1523 = tpu.memref_slice %arg2[%add3A_808, %dma_wait3A_1514, %dma_wait3A_1522] : memref<32x8x100000xf32, #tpu.memory_space<hbm>> -> memref<1x1x8xf32, #tpu.memory_space<hbm>>
      %dma_wait3A_1524 = tpu.memref_squeeze %dma_wait3A_1523 : memref<1x1x8xf32, #tpu.memory_space<hbm>> -> memref<8xf32, #tpu.memory_space<hbm>>
      tpu.wait_dma2 semaphore(%arg8 : memref<!tpu.dma_semaphore, #tpu.memory_space<semaphore_mem>>) src(%dma_wait3A_1524 : memref<8xf32, #tpu.memory_space<hbm>>) dst(%dma_wait3A_1521 : memref<8xf32, #tpu.memory_space<vmem>>)
      %dma_wait3A_1525 = arith.constant 7 : i32
      %dma_wait3A_1526 = arith.constant 504 : i32
      %dma_wait3A_1527 = tpu.memref_slice %arg5[%dma_wait3A_1526] : memref<512xf32, #tpu.memory_space<vmem>> -> memref<8xf32, #tpu.memory_space<vmem>>
      %dma_wait3A_1528 = arith.constant 99992 : i32
      %dma_wait3A_1529 = tpu.memref_slice %arg2[%add3A_821, %dma_wait3A_1525, %dma_wait3A_1528] : memref<32x8x100000xf32, #tpu.memory_space<hbm>> -> memref<1x1x8xf32, #tpu.memory_space<hbm>>
      %dma_wait3A_1530 = tpu.memref_squeeze %dma_wait3A_1529 : memref<1x1x8xf32, #tpu.memory_space<hbm>> -> memref<8xf32, #tpu.memory_space<hbm>>
      %dma_wait3A_1531 = arith.constant 504 : i32
      %dma_wait3A_1532 = tpu.memref_slice %arg5[%dma_wait3A_1531] : memref<512xf32, #tpu.memory_space<vmem>> -> memref<8xf32, #tpu.memory_space<vmem>>
      %dma_wait3A_1533 = arith.constant 99992 : i32
      %dma_wait3A_1534 = tpu.memref_slice %arg2[%add3A_821, %dma_wait3A_1525, %dma_wait3A_1533] : memref<32x8x100000xf32, #tpu.memory_space<hbm>> -> memref<1x1x8xf32, #tpu.memory_space<hbm>>
      %dma_wait3A_1535 = tpu.memref_squeeze %dma_wait3A_1534 : memref<1x1x8xf32, #tpu.memory_space<hbm>> -> memref<8xf32, #tpu.memory_space<hbm>>
      tpu.wait_dma2 semaphore(%arg8 : memref<!tpu.dma_semaphore, #tpu.memory_space<semaphore_mem>>) src(%dma_wait3A_1535 : memref<8xf32, #tpu.memory_space<hbm>>) dst(%dma_wait3A_1532 : memref<8xf32, #tpu.memory_space<vmem>>)
      %iota3A = tpu.iota {dimensions = array<i32: 0>} : vector<16xi32>
      %jit3A = arith.constant 8 : i32
      %eq3A = arith.constant 0 : i32
      %eq3A_1536 = arith.cmpi eq, %jit3A, %eq3A : i32
      %jit3A_1537 = arith.constant 1 : i32
      %select_n3A = arith.select %eq3A_1536, %jit3A_1537, %jit3A : i32
      %rem3A = vector.broadcast %select_n3A : i32 to vector<16xi32>
      %rem3A_1538 = arith.remsi %iota3A, %rem3A : vector<16xi32>
      %ne3A = arith.constant 0 : i32
      %ne3A_1539 = vector.broadcast %ne3A : i32 to vector<16xi32>
      %ne3A_1540 = arith.cmpi ne, %rem3A_1538, %ne3A_1539 : vector<16xi32>
      %lt3A_1541 = arith.constant 0 : i32
      %lt3A_1542 = vector.broadcast %lt3A_1541 : i32 to vector<16xi32>
      %lt3A_1543 = arith.cmpi slt, %rem3A_1538, %lt3A_1542 : vector<16xi32>
      %lt3A_1544 = arith.constant 0 : i32
      %lt3A_1545 = arith.cmpi slt, %select_n3A, %lt3A_1544 : i32
      %ne3A_1546 = vector.broadcast %lt3A_1545 : i1 to vector<16xi1>
      %ne3A_1547 = vector.broadcast %ne3A_1546 : vector<16xi1> to vector<16xi1>
      %ne3A_1548 = arith.xori %lt3A_1543, %ne3A_1547 : vector<16xi1>
      %and3A = arith.andi %ne3A_1548, %ne3A_1540 : vector<16xi1>
      %add3A_1549 = vector.broadcast %select_n3A : i32 to vector<16xi32>
      %add3A_1550 = arith.addi %rem3A_1538, %add3A_1549 : vector<16xi32>
      %select_n3A_1551 = arith.select %and3A, %add3A_1550, %rem3A_1538 : vector<16xi1>, vector<16xi32>
      %mul3A_1552 = arith.constant 64 : i32
      %mul3A_1553 = vector.broadcast %mul3A_1552 : i32 to vector<16xi32>
      %mul3A_1554 = arith.muli %select_n3A_1551, %mul3A_1553 : vector<16xi32>
      %add3A_1555 = arith.constant 3 : i32
      %add3A_1556 = vector.broadcast %add3A_1555 : i32 to vector<16xi32>
      %add3A_1557 = arith.addi %mul3A_1554, %add3A_1556 : vector<16xi32>
      %gather3A = tpu.vector_load_idx %arg5[%add3A_1557] : memref<512xf32, #tpu.memory_space<vmem>>[vector<16xi32>], vector<16xf32>,
      %mul3A_1558 = arith.constant 64 : i32
      %mul3A_1559 = vector.broadcast %mul3A_1558 : i32 to vector<16xi32>
      %mul3A_1560 = arith.muli %select_n3A_1551, %mul3A_1559 : vector<16xi32>
      %add3A_1561 = arith.constant 9 : i32
      %add3A_1562 = vector.broadcast %add3A_1561 : i32 to vector<16xi32>
      %add3A_1563 = arith.addi %mul3A_1560, %add3A_1562 : vector<16xi32>
      %gather3A_1564 = tpu.vector_load_idx %arg5[%add3A_1563] : memref<512xf32, #tpu.memory_space<vmem>>[vector<16xi32>], vector<16xf32>,
      %mul3A_1565 = arith.constant 64 : i32
      %mul3A_1566 = vector.broadcast %mul3A_1565 : i32 to vector<16xi32>
      %mul3A_1567 = arith.muli %select_n3A_1551, %mul3A_1566 : vector<16xi32>
      %add3A_1568 = arith.constant 16 : i32
      %add3A_1569 = vector.broadcast %add3A_1568 : i32 to vector<16xi32>
      %add3A_1570 = arith.addi %mul3A_1567, %add3A_1569 : vector<16xi32>
      %gather3A_1571 = tpu.vector_load_idx %arg5[%add3A_1570] : memref<512xf32, #tpu.memory_space<vmem>>[vector<16xi32>], vector<16xf32>,
      %mul3A_1572 = arith.constant 64 : i32
      %mul3A_1573 = vector.broadcast %mul3A_1572 : i32 to vector<16xi32>
      %mul3A_1574 = arith.muli %select_n3A_1551, %mul3A_1573 : vector<16xi32>
      %add3A_1575 = arith.constant 24 : i32
      %add3A_1576 = vector.broadcast %add3A_1575 : i32 to vector<16xi32>
      %add3A_1577 = arith.addi %mul3A_1574, %add3A_1576 : vector<16xi32>
      %gather3A_1578 = tpu.vector_load_idx %arg5[%add3A_1577] : memref<512xf32, #tpu.memory_space<vmem>>[vector<16xi32>], vector<16xf32>,
      %mul3A_1579 = arith.constant 64 : i32
      %mul3A_1580 = vector.broadcast %mul3A_1579 : i32 to vector<16xi32>
      %mul3A_1581 = arith.muli %select_n3A_1551, %mul3A_1580 : vector<16xi32>
      %add3A_1582 = arith.constant 39 : i32
      %add3A_1583 = vector.broadcast %add3A_1582 : i32 to vector<16xi32>
      %add3A_1584 = arith.addi %mul3A_1581, %add3A_1583 : vector<16xi32>
      %gather3A_1585 = tpu.vector_load_idx %arg5[%add3A_1584] : memref<512xf32, #tpu.memory_space<vmem>>[vector<16xi32>], vector<16xf32>,
      %mul3A_1586 = arith.constant 64 : i32
      %mul3A_1587 = vector.broadcast %mul3A_1586 : i32 to vector<16xi32>
      %mul3A_1588 = arith.muli %select_n3A_1551, %mul3A_1587 : vector<16xi32>
      %add3A_1589 = arith.constant 40 : i32
      %add3A_1590 = vector.broadcast %add3A_1589 : i32 to vector<16xi32>
      %add3A_1591 = arith.addi %mul3A_1588, %add3A_1590 : vector<16xi32>
      %gather3A_1592 = tpu.vector_load_idx %arg5[%add3A_1591] : memref<512xf32, #tpu.memory_space<vmem>>[vector<16xi32>], vector<16xf32>,
      %mul3A_1593 = arith.constant 64 : i32
      %mul3A_1594 = vector.broadcast %mul3A_1593 : i32 to vector<16xi32>
      %mul3A_1595 = arith.muli %select_n3A_1551, %mul3A_1594 : vector<16xi32>
      %add3A_1596 = arith.constant 48 : i32
      %add3A_1597 = vector.broadcast %add3A_1596 : i32 to vector<16xi32>
      %add3A_1598 = arith.addi %mul3A_1595, %add3A_1597 : vector<16xi32>
      %gather3A_1599 = tpu.vector_load_idx %arg5[%add3A_1598] : memref<512xf32, #tpu.memory_space<vmem>>[vector<16xi32>], vector<16xf32>,
      %mul3A_1600 = arith.constant 64 : i32
      %mul3A_1601 = vector.broadcast %mul3A_1600 : i32 to vector<16xi32>
      %mul3A_1602 = arith.muli %select_n3A_1551, %mul3A_1601 : vector<16xi32>
      %add3A_1603 = arith.constant 63 : i32
      %add3A_1604 = vector.broadcast %add3A_1603 : i32 to vector<16xi32>
      %add3A_1605 = arith.addi %mul3A_1602, %add3A_1604 : vector<16xi32>
      %gather3A_1606 = tpu.vector_load_idx %arg5[%add3A_1605] : memref<512xf32, #tpu.memory_space<vmem>>[vector<16xi32>], vector<16xf32>,
      %max3A = arith.maximumf %gather3A, %gather3A_1564 : vector<16xf32>
      %max3A_1607 = arith.maximumf %max3A, %gather3A_1571 : vector<16xf32>
      %max3A_1608 = arith.maximumf %max3A_1607, %gather3A_1578 : vector<16xf32>
      %max3A_1609 = arith.maximumf %max3A_1608, %gather3A_1585 : vector<16xf32>
      %max3A_1610 = arith.maximumf %max3A_1609, %gather3A_1592 : vector<16xf32>
      %max3A_1611 = arith.maximumf %max3A_1610, %gather3A_1599 : vector<16xf32>
      %max3A_1612 = arith.maximumf %max3A_1611, %gather3A_1606 : vector<16xf32>
      %sub3A = arith.subf %gather3A, %max3A_1612 : vector<16xf32>
      %exp3A = math.exp %sub3A : vector<16xf32>
      %sub3A_1613 = arith.subf %gather3A_1564, %max3A_1612 : vector<16xf32>
      %exp3A_1614 = math.exp %sub3A_1613 : vector<16xf32>
      %add3A_1615 = arith.addf %exp3A, %exp3A_1614 : vector<16xf32>
      %sub3A_1616 = arith.subf %gather3A_1571, %max3A_1612 : vector<16xf32>
      %exp3A_1617 = math.exp %sub3A_1616 : vector<16xf32>
      %add3A_1618 = arith.addf %add3A_1615, %exp3A_1617 : vector<16xf32>
      %sub3A_1619 = arith.subf %gather3A_1578, %max3A_1612 : vector<16xf32>
      %exp3A_1620 = math.exp %sub3A_1619 : vector<16xf32>
      %add3A_1621 = arith.addf %add3A_1618, %exp3A_1620 : vector<16xf32>
      %sub3A_1622 = arith.subf %gather3A_1585, %max3A_1612 : vector<16xf32>
      %exp3A_1623 = math.exp %sub3A_1622 : vector<16xf32>
      %add3A_1624 = arith.addf %add3A_1621, %exp3A_1623 : vector<16xf32>
      %sub3A_1625 = arith.subf %gather3A_1592, %max3A_1612 : vector<16xf32>
      %exp3A_1626 = math.exp %sub3A_1625 : vector<16xf32>
      %add3A_1627 = arith.addf %add3A_1624, %exp3A_1626 : vector<16xf32>
      %sub3A_1628 = arith.subf %gather3A_1599, %max3A_1612 : vector<16xf32>
      %exp3A_1629 = math.exp %sub3A_1628 : vector<16xf32>
      %add3A_1630 = arith.addf %add3A_1627, %exp3A_1629 : vector<16xf32>
      %sub3A_1631 = arith.subf %gather3A_1606, %max3A_1612 : vector<16xf32>
      %exp3A_1632 = math.exp %sub3A_1631 : vector<16xf32>
      %add3A_1633 = arith.addf %add3A_1630, %exp3A_1632 : vector<16xf32>
      %bitcast_convert_type3A = tpu.bitcast %add3A_1633 : vector<16xf32> -> vector<16xi32>
      %convert_element_type3A_1634 = arith.sitofp %bitcast_convert_type3A : vector<16xi32> to vector<16xf32>
      %mul3A_1635 = arith.constant 8.26295832E-8 : f32
      %mul3A_1636 = vector.broadcast %mul3A_1635 : f32 to vector<16xf32>
      %mul3A_1637 = arith.mulf %convert_element_type3A_1634, %mul3A_1636 : vector<16xf32>
      %sub3A_1638 = arith.constant 88.060913 : f32
      %sub3A_1639 = vector.broadcast %sub3A_1638 : f32 to vector<16xf32>
      %sub3A_1640 = arith.subf %mul3A_1637, %sub3A_1639 : vector<16xf32>
      %sub3A_1641 = arith.constant 1.000000e+00 : f32
      %sub3A_1642 = vector.broadcast %sub3A_1641 : f32 to vector<16xf32>
      %sub3A_1643 = arith.subf %sub3A_1640, %sub3A_1642 : vector<16xf32>
      %neg3A = arith.constant 0.000000e+00 : f32
      %neg3A_1644 = vector.broadcast %neg3A : f32 to vector<16xf32>
      %neg3A_1645 = arith.subf %neg3A_1644, %sub3A_1640 : vector<16xf32>
      %exp3A_1646 = math.exp %neg3A_1645 : vector<16xf32>
      %mul3A_1647 = arith.mulf %add3A_1633, %exp3A_1646 : vector<16xf32>
      %add3A_1648 = arith.addf %sub3A_1643, %mul3A_1647 : vector<16xf32>
      %sub3A_1649 = arith.constant 1.000000e+00 : f32
      %sub3A_1650 = vector.broadcast %sub3A_1649 : f32 to vector<16xf32>
      %sub3A_1651 = arith.subf %add3A_1648, %sub3A_1650 : vector<16xf32>
      %neg3A_1652 = arith.constant 0.000000e+00 : f32
      %neg3A_1653 = vector.broadcast %neg3A_1652 : f32 to vector<16xf32>
      %neg3A_1654 = arith.subf %neg3A_1653, %add3A_1648 : vector<16xf32>
      %exp3A_1655 = math.exp %neg3A_1654 : vector<16xf32>
      %mul3A_1656 = arith.mulf %add3A_1633, %exp3A_1655 : vector<16xf32>
      %add3A_1657 = arith.addf %sub3A_1651, %mul3A_1656 : vector<16xf32>
      %sub3A_1658 = arith.constant 1.000000e+00 : f32
      %sub3A_1659 = vector.broadcast %sub3A_1658 : f32 to vector<16xf32>
      %sub3A_1660 = arith.subf %add3A_1657, %sub3A_1659 : vector<16xf32>
      %neg3A_1661 = arith.constant 0.000000e+00 : f32
      %neg3A_1662 = vector.broadcast %neg3A_1661 : f32 to vector<16xf32>
      %neg3A_1663 = arith.subf %neg3A_1662, %add3A_1657 : vector<16xf32>
      %exp3A_1664 = math.exp %neg3A_1663 : vector<16xf32>
      %mul3A_1665 = arith.mulf %add3A_1633, %exp3A_1664 : vector<16xf32>
      %add3A_1666 = arith.addf %sub3A_1660, %mul3A_1665 : vector<16xf32>
      %gather3A_1667 = tpu.vector_load_idx %arg6[%select_n3A_1551] : memref<8xi32, #tpu.memory_space<vmem>>[vector<16xi32>], vector<16xi32>,
      %eq3A_1668 = arith.constant 1 : i32
      %eq3A_1669 = vector.broadcast %eq3A_1668 : i32 to vector<16xi32>
      %eq3A_1670 = arith.cmpi eq, %gather3A_1667, %eq3A_1669 : vector<16xi32>
      %select_n3A_1671 = arith.select %eq3A_1670, %gather3A_1564, %gather3A : vector<16xi1>, vector<16xf32>
      %eq3A_1672 = arith.constant 2 : i32
      %eq3A_1673 = vector.broadcast %eq3A_1672 : i32 to vector<16xi32>
      %eq3A_1674 = arith.cmpi eq, %gather3A_1667, %eq3A_1673 : vector<16xi32>
      %select_n3A_1675 = arith.select %eq3A_1674, %gather3A_1571, %select_n3A_1671 : vector<16xi1>, vector<16xf32>
      %eq3A_1676 = arith.constant 3 : i32
      %eq3A_1677 = vector.broadcast %eq3A_1676 : i32 to vector<16xi32>
      %eq3A_1678 = arith.cmpi eq, %gather3A_1667, %eq3A_1677 : vector<16xi32>
      %select_n3A_1679 = arith.select %eq3A_1678, %gather3A_1578, %select_n3A_1675 : vector<16xi1>, vector<16xf32>
      %eq3A_1680 = arith.constant 4 : i32
      %eq3A_1681 = vector.broadcast %eq3A_1680 : i32 to vector<16xi32>
      %eq3A_1682 = arith.cmpi eq, %gather3A_1667, %eq3A_1681 : vector<16xi32>
      %select_n3A_1683 = arith.select %eq3A_1682, %gather3A_1585, %select_n3A_1679 : vector<16xi1>, vector<16xf32>
      %eq3A_1684 = arith.constant 5 : i32
      %eq3A_1685 = vector.broadcast %eq3A_1684 : i32 to vector<16xi32>
      %eq3A_1686 = arith.cmpi eq, %gather3A_1667, %eq3A_1685 : vector<16xi32>
      %select_n3A_1687 = arith.select %eq3A_1686, %gather3A_1592, %select_n3A_1683 : vector<16xi1>, vector<16xf32>
      %eq3A_1688 = arith.constant 6 : i32
      %eq3A_1689 = vector.broadcast %eq3A_1688 : i32 to vector<16xi32>
      %eq3A_1690 = arith.cmpi eq, %gather3A_1667, %eq3A_1689 : vector<16xi32>
      %select_n3A_1691 = arith.select %eq3A_1690, %gather3A_1599, %select_n3A_1687 : vector<16xi1>, vector<16xf32>
      %eq3A_1692 = arith.constant 7 : i32
      %eq3A_1693 = vector.broadcast %eq3A_1692 : i32 to vector<16xi32>
      %eq3A_1694 = arith.cmpi eq, %gather3A_1667, %eq3A_1693 : vector<16xi32>
      %select_n3A_1695 = arith.select %eq3A_1694, %gather3A_1606, %select_n3A_1691 : vector<16xi1>, vector<16xf32>
      %add3A_1696 = arith.addf %max3A_1612, %add3A_1666 : vector<16xf32>
      %sub3A_1697 = arith.subf %add3A_1696, %select_n3A_1695 : vector<16xf32>
      %swap3A = arith.constant 0 : index
      %swap3A_1698 = tpu.vector_load %arg7[%swap3A] {strides = array<i32>} : memref<16xf32, #tpu.memory_space<vmem>>, vector<16xf32>,
      tpu.vector_store %arg7[%swap3A], %sub3A_1697 {strides = array<i32>} : memref<16xf32, #tpu.memory_space<vmem>>, vector<16xf32>,
      "tpu.region"() ({
        %run_scoped3A = tpu.sem_alloc : memref<!tpu.dma_semaphore, #tpu.memory_space<semaphore_mem>>
        %dma_start3A_1699 = arith.constant 0 : i32
        %dma_start3A_1700 = tpu.memref_slice %arg7[%dma_start3A_1699] : memref<16xf32, #tpu.memory_space<vmem>> -> memref<8xf32, #tpu.memory_space<vmem>>
        %dma_start3A_1701 = tpu.memref_slice %arg4[%mul3A_2] : memref<32xf32, #tpu.memory_space<hbm>> -> memref<8xf32, #tpu.memory_space<hbm>>
        %dma_start3A_1702 = tpu.memref_slice %arg4[%mul3A_2] : memref<32xf32, #tpu.memory_space<hbm>> -> memref<8xf32, #tpu.memory_space<hbm>>
        %dma_start3A_1703 = arith.constant 0 : i32
        %dma_start3A_1704 = tpu.memref_slice %arg7[%dma_start3A_1703] : memref<16xf32, #tpu.memory_space<vmem>> -> memref<8xf32, #tpu.memory_space<vmem>>
        tpu.enqueue_dma source(%dma_start3A_1704 : memref<8xf32, #tpu.memory_space<vmem>>) target(%dma_start3A_1702 : memref<8xf32, #tpu.memory_space<hbm>>) target_semaphore(%run_scoped3A : memref<!tpu.dma_semaphore, #tpu.memory_space<semaphore_mem>>)
        %dma_wait3A_1705 = arith.constant 0 : i32
        %dma_wait3A_1706 = tpu.memref_slice %arg7[%dma_wait3A_1705] : memref<16xf32, #tpu.memory_space<vmem>> -> memref<8xf32, #tpu.memory_space<vmem>>
        %dma_wait3A_1707 = tpu.memref_slice %arg4[%mul3A_2] : memref<32xf32, #tpu.memory_space<hbm>> -> memref<8xf32, #tpu.memory_space<hbm>>
        %dma_wait3A_1708 = tpu.memref_slice %arg4[%mul3A_2] : memref<32xf32, #tpu.memory_space<hbm>> -> memref<8xf32, #tpu.memory_space<hbm>>
        %dma_wait3A_1709 = arith.constant 0 : i32
        %dma_wait3A_1710 = tpu.memref_slice %arg7[%dma_wait3A_1709] : memref<16xf32, #tpu.memory_space<vmem>> -> memref<8xf32, #tpu.memory_space<vmem>>
        tpu.wait_dma2 semaphore(%run_scoped3A : memref<!tpu.dma_semaphore, #tpu.memory_space<semaphore_mem>>) src(%dma_wait3A_1710 : memref<8xf32, #tpu.memory_space<vmem>>) dst(%dma_wait3A_1708 : memref<8xf32, #tpu.memory_space<hbm>>)
        tpu.yield
      }) : () -> ()
    } else {
    }
    return
  }
}

</mosaic_0001>

<sc_bundles>
// kernel: kernel.3.cloned.1.call-start
scs
__scs_entry_jumppad:
0x0: {  	(pc) =	sbr.rel $0x88, $3  }
0x1: {  	(tag) =	ssettag $0x0;
	lr =	simm.s32 $0x1  }
0x2: {  	[smem:$0x3F9F] =	sst lr;
	_ =	strace $0xD0000000  }
0x3: {  	_ = 	snop  }
0x4: {  	_ = 	snop  }
0x5: {  	_ = 	snop  }
0x6: {  	_ = 	snop  }
0x7: {  	_ = 	snop  }
__scs_overlays_trampoline_lowered:
0x8: {  	[smem:$0x3FAE] =	sst s0  }
0x9: {  	[smem:$0x3FAF] =	sst s1  }
0xa: {  	[smem:$0x3FB0] =	sst s2  }
0xb: {  	[smem:$0x3FB1] =	sst s3  }
0xc: {  	[smem:$0x3FB2] =	sst s4  }
0xd: {  	[smem:$0x3FB3] =	sst s5  }
0xe: {  	[smem:$0x3FB4] =	sst s6  }
0xf: {  	[smem:$0x3FB5] =	sst s7  }
0x10: {  	[smem:$0x3FB6] =	sst s8  }
0x11: {  	[smem:$0x3FB7] =	sst s9;
	s0 =	simm.s32 @!p0 $0x0  }
0x12: {  	s1 =	sld [smem:$0x3F9D];
	s0 =	simm.s32 @p0 $0x1  }
0x13: {  	[smem:$0x3FB8] =	sst s0;
	s0 =	simm.s32 @!p1 $0x0  }
0x14: {  	s2 =	sld [smem:$0x3F9C];
	s0 =	simm.s32 @p1 $0x1  }
0x15: {  	[smem:$0x3FB9] =	sst s0;
	s0 =	simm.s32 @!p2 $0x0  }
0x16: {  	s3 =	sld [smem:$0x3FDB];
	s0 =	simm.s32 @p2 $0x1  }
0x17: {  	s4 =	simm.s32 $0x1BF5;
	[smem:$0x3FBB] =	sst s0  }
0x18: {  	s0 =	sld [smem:$0x3F9E];
	_ =	swait.ge [sflag:s4], $0x0  }
0x19: {  	s7 =	sld [smem:$0x3F9F]  }
0x1a: {  	s8 =	sadd.s32 $0xFFFFE003, lr  }
0x1b: {  	s9 =	sadd.s32 $0xFFFFFEF7, lr;
	s5 =	simm.s32 $0xFFFFFFFF;
	p2 =	slt.u32 s8, $0xFFFFF086  }
0x1c: {  	p1 =	slt.u32 s9, $0xF7A;
	s5 =	simm.s32 @!p2 $0x0  }
0x1d: {  	s5 =	simm.s32 @p1 $0x1;
	p0 =	seq.s32 s7, s2  }
0x1e: {  	s7 =	smul.u32 @!p0 $0xF7A, s2;
	p2 =	seq.s32 @!p0 s5, $0x0  }
0x1f: {  	s9 =	smul.u32 $0xF7A, s1;
	s8 =	simm.s32 @!p0 $0x1BF5;
	p2 =	por !p2, p0  }
0x20: {  	[sflag:s8] =	ssyncset.s32 @!p0 $0xFFFFF086;
	s6 =	sadd.s32 @!p0 s3, s7;
	s7 =	simm.s32 @!p0 $0x108  }
0x21: {  	s3 =	sadd.s32 s3, s9;
	s6 =	sadd.s32 @!p0 $0x88, s6;
	s7 =	simm.s32 @p2 $0x1082  }
0x22: {  	[simem:s7], [sflag:s8] =	dma.local @!p0 [hbm:s6], $0xF7A  }
0x23: {  	s9 =	sor.u32 $0xD0000000, s2;
	s6 =	simm.s32 $0x108;
	_ =	swait.ge @!p0 [sflag:s8], $0x0  }
0x24: {  	s3 =	sadd.s32 $0x88, s3;
	s6 =	simm.s32 @!p1 $0x1082;
	[sflag:s4] =	ssyncset.s32 $0xFFFFF086  }
0x25: {  	[simem:s6], [sflag:s4] =	dma.local [hbm:s3], $0xF7A  }
0x26: {  	[smem:$0x3F9F] =	sst s1;
	(tag) =	ssettag s2;
	_ =	strace s9  }
0x27: {  	s1 =	sld [smem:$0x3FAF]  }
0x28: {  	s2 =	sld [smem:$0x3FB0]  }
0x29: {  	s4 =	sld [smem:$0x3FB2]  }
0x2a: {  	p0 =	seq.s32 s5, $0x0;
	s5 =	sld [smem:$0x3FB3]  }
0x2b: {  	s6 =	sld [smem:$0x3FB4]  }
0x2c: {  	s7 =	sld [smem:$0x3FB5]  }
0x2d: {  	s3 =	simm.s32 $0x108;
	s8 =	sld [smem:$0x3FB6]  }
0x2e: {  	s3 =	simm.s32 @!p0 $0x1082;
	s9 =	sld [smem:$0x3FB7]  }
0x2f: {  	lr =	sadd.s32 s0, s3;
	s0 =	sld [smem:$0x3FAE]  }
0x30: {  	s3 =	sld [smem:$0x3FB1]  }
0x31: {  	[smem:$0x3FBA] =	sst s10  }
0x32: {  	s10 =	sld [smem:$0x3FB8];
	_ =	sdelay $0x3  }
0x33: {  	p0 =	seq.s32 s10, $0x1;
	s10 =	sld [smem:$0x3FBA];
	_ =	sdelay $0x3  }
0x34: {  	[smem:$0x3FBA] =	sst s10  }
0x35: {  	s10 =	sld [smem:$0x3FB9];
	_ =	sdelay $0x3  }
0x36: {  	p1 =	seq.s32 s10, $0x1;
	s10 =	sld [smem:$0x3FBA];
	_ =	sdelay $0x3  }
0x37: {  	[smem:$0x3FBA] =	sst s10  }
0x38: {  	s10 =	sld [smem:$0x3FBB]  }
0x39: {  	_ = 	snop;
	(pc) =	sbr.ind lr, $3  }
0x3a: {  	_ = 	snop  }
0x3b: {  	_ = 	snop  }
0x3c: {  	p2 =	seq.s32 s10, $0x1;
	s10 =	sld [smem:$0x3FBA]  }
0x3d: {  	_ =	shalt  }
0x3e: {  	_ =	shalt  }
0x3f: {  	_ =	shalt  }
0x40: {  	_ =	shalt  }
0x41: {  	_ =	shalt  }
0x42: {  	_ =	shalt  }
0x43: {  	_ =	shalt  }
0x44: {  	_ =	shalt  }
0x45: {  	_ =	shalt  }
0x46: {  	_ =	shalt  }
0x47: {  	_ =	shalt  }
0x48: {  	_ =	shalt  }
0x49: {  	_ =	shalt  }
0x4a: {  	_ =	shalt  }
0x4b: {  	_ =	shalt  }
0x4c: {  	_ =	shalt  }
0x4d: {  	_ =	shalt  }
0x4e: {  	_ =	shalt  }
0x4f: {  	_ =	shalt  }
0x50: {  	_ =	shalt  }
0x51: {  	_ =	shalt  }
0x52: {  	_ =	shalt  }
0x53: {  	_ =	shalt  }
0x54: {  	_ =	shalt  }
0x55: {  	_ =	shalt  }
0x56: {  	_ =	shalt  }
0x57: {  	_ =	shalt  }
0x58: {  	_ =	shalt  }
0x59: {  	_ =	shalt  }
0x5a: {  	_ =	shalt  }
0x5b: {  	_ =	shalt  }
0x5c: {  	_ =	shalt  }
0x5d: {  	_ =	shalt  }
0x5e: {  	_ =	shalt  }
0x5f: {  	_ =	shalt  }
0x60: {  	_ =	shalt  }
0x61: {  	_ =	shalt  }
0x62: {  	_ =	shalt  }
0x63: {  	_ =	shalt  }
0x64: {  	_ =	shalt  }
0x65: {  	_ =	shalt  }
0x66: {  	_ =	shalt  }
0x67: {  	_ =	shalt  }
0x68: {  	_ =	shalt  }
0x69: {  	_ =	shalt  }
0x6a: {  	_ =	shalt  }
0x6b: {  	_ =	shalt  }
0x6c: {  	_ =	shalt  }
0x6d: {  	_ =	shalt  }
0x6e: {  	_ =	shalt  }
0x6f: {  	_ =	shalt  }
0x70: {  	_ =	shalt  }
0x71: {  	_ =	shalt  }
0x72: {  	_ =	shalt  }
0x73: {  	_ =	shalt  }
0x74: {  	_ =	shalt  }
0x75: {  	_ =	shalt  }
0x76: {  	_ =	shalt  }
0x77: {  	_ =	shalt  }
0x78: {  	_ =	shalt  }
0x79: {  	_ =	shalt  }
0x7a: {  	_ =	shalt  }
0x7b: {  	_ =	shalt  }
0x7c: {  	_ =	shalt  }
0x7d: {  	_ =	shalt  }
0x7e: {  	_ =	shalt  }
0x7f: {  	_ =	shalt  }
0x80: {  	_ =	shalt  }
0x81: {  	_ =	shalt  }
0x82: {  	_ =	shalt  }
0x83: {  	_ =	shalt  }
0x84: {  	_ =	shalt  }
0x85: {  	_ =	shalt  }
0x86: {  	_ =	shalt  }
0x87: {  	_ =	shalt  }
.Lfunc_end0:
.L_simem_size_0:
called_computation_lowered:
.L_overlay_start_0:
0x88: {  	s0 =	sld [smem:$0x3FD9]  }
0x89: {  	s1 =	sld [smem:$0x3FFE];
	_ =	sdelay $0x3  }
0x8a: {  	s0 =	sadd.s32 s1, s0  }
0x8b: {  	[smem:$0x3FC6] =	sst s0  }
0x8c: {  	_ = 	snop  }
0x8d: {  	s0 =	sld [smem:$0x3FC9]  }
0x8e: {  	s17 =	sld [smem:$0x3FC8]  }
0x8f: {  	s2 =	sld [smem:$0x3FD0];
	(tm) =	ssettm $0x1  }
0x90: {  	s3 =	sld [smem:$0x3FFB];
	_ =	sdelay $0x3  }
0x91: {  	_ =	strace s3  }
0x92: {  	s3 =	sld [smem:$0x3FFC];
	_ =	sdelay $0x3  }
0x93: {  	_ =	strace s3  }
0x94: {  	s3 =	sld [smem:$0x3FFD];
	_ =	sdelay $0x3  }
0x95: {  	_ =	strace s3  }
0x96: {  	_ =	strace $0x8FFFFFFF  }
0x97: {  	s18 =	sld [smem:$0x3FDB];
	_ =	sdelay $0x1  }
0x98: {  	s4 =	simm.s32 $_scs_section_size  }
0x99: {  	s5 =	simm.s32 $_size__tile_overlayer_lowered;
	s6 =	simm.s32 $_tile_overlayer_lowered  }
0x9a: {  	s21 =	simm.s32 $0x1BFF;
	s20 =	sshll.u32 s6, $0x1;
	s3 =	sadd.s32 s4, s18  }
0x9b: {  	s7 =	simm.s32 $0x0;
	s19 =	sshll.u32 s5, $0x1;
	s5 =	sadd.s32 s20, s3  }
0x9c: {  	[timem:s7], [sflag:s21] =	dma.local [hbm:s5], s19  }
0x9d: {  	_ =	swait.ge [sflag:s21], s19  }
0x9e: {  	s4 =	ssub.s32 $0x0, s19;
	[sflag:s21] =	ssyncset.done $0x0  }
0x9f: {  	[sflag:s21] =	ssyncadd.s32 s4;
	_ =	sdelay $0x1  }
0xa0: {  	s22 =	simm.s32 $0x1B8B  }
0xa1: {  	_ =	swait.ge [sflag:s22], $0x1  }
0xa2: {  	[sflag:s22] =	ssyncset.done $0x0  }
0xa3: {  	s23 =	simm.s32 $0x1B8E;
	[sflag:s22] =	ssyncadd.s32 $0xFFFFFFFF  }
0xa4: {  	s24 =	simm.s32 $execute0_lowered;
	[smem:$0x3FD2] =	sst s23  }
0xa5: {  	s4 =	sshll.u32 s24, $0x1;
	_ =	strace $0x80000046;
	[dreg:$0x1] =	wrdreg $0xFFFFFFFF  }
0xa6: {  	s25 =	simm.s32 $_size_execute0_lowered;
	s3 =	sadd.s32 s3, s4;
	[dreg:$0x0] =	wrdreg $0x0  }
0xa7: {  	s4 =	sshll.u32 s25, $0x1;
	[dreg:$0x2] =	wrdreg s3  }
0xa8: {  	[dreg:$0x3] =	wrdreg s4  }
0xa9: {  	[dreg:$0x4] =	wrdreg $0xC0  }
0xaa: {  	_ =	task [dreg:s7], $0x5FFFF  }
0xab: {  	[dreg:$0x1] =	wrdreg $0xFFFFFFFF  }
0xac: {  	[dreg:$0x0] =	wrdreg $0x60  }
0xad: {  	[dreg:$0x2] =	wrdreg s0  }
0xae: {  	[dreg:$0x3] =	wrdreg s17  }
0xaf: {  	[dreg:$0x4] =	wrdreg s2  }
0xb0: {  	[dreg:$0x5] =	wrdreg $0x9  }
0xb1: {  	_ =	task.clear_ibuf [dreg:s7], $0x6FFFF;
	_ =	strace $0x90000046  }
0xb2: {  	s26 =	simm.s32 $0x9;
	_ =	strace $0x80000048  }
0xb3: {  	_ =	swait.ge [sflag:s26], $0x1  }
0xb4: {  	[sflag:s26] =	ssyncadd.s32 $0xFFFFFFFF  }
0xb5: {  	_ =	strace $0x90000048  }
0xb6: {  	_ =	sfence  }
0xb7: {  	s28 =	sld [smem:$0x0];
	_ =	sdelay $0x1  }
0xb8: {  	s29 =	srdreg.scid  }
0xb9: {  	s30 =	sshll.u32 s29, $0xD;
	s31 =	sshrl.u32 s29, $0x2  }
0xba: {  	s1 =	sand.u32 $0x1, s29;
	s2 =	sand.u32 $0x4000, s30;
	s0 =	sadd.s32 s31, s28  }
0xbb: {  	s1 =	sor.u32 s2, s1;
	s0 =	sshll.u32 s0, $0x11  }
0xbc: {  	s0 =	sor.u32 s0, s1  }
0xbd: {  	s0 =	sadd.s32 $0x8F2B, s0  }
0xbe: {  	[sflag:s0] =	ssyncadd.remote.s32 $0x1  }
0xbf: {  	_ =	sfence.sel $0xFFFF  }
0xc0: {  	[dreg:$0x0] =	wrdreg $0xFFFFFFFF;
	(pc) =	sbr.abs _section_cstart, $3  }
0xc1: {  	[dreg:$0x1] =	wrdreg $0xFFFFFFFF  }
0xc2: {  	_ =	task.clear_ibuf [dreg:s7], $0x2FFFF;
	_ =	strace $0x9FFFFFFF  }
0xc3: {  	(tm) =	ssettm $0x7FFFFFFF  }
tec
execute0_lowered:
.L_overlay_start_1:
0x0: {  	(tag) =	ssettag $0x1  }
0x1: {  	s1 =	stileid.u32  }
0x2: {  	p0 =	sgt.u32 s1, $0x3  }
.Ltmp0:
0x3: {  	s5 =	rddreg [dreg:$0x0];
	(pc) =	sbr.rel @p0 .LBB2_2-.Ltmp0, $4  }
0x4: {  	s4 =	rddreg [dreg:$0x1]  }
0x5: {  	s3 =	rddreg [dreg:$0x2];
	s2 =	simm.s32 $0x0  }
0x6: {  	[smem:$0x7FF] =	sst s2  }
0x7: {  	s0 =	rddreg [dreg:$0x3];
	_ =	strace $0x80000047  }
0x8: {  	s6 =	smul.u32 $0x61C000, s1;
	_ =	sdelay $0x1  }
0x9: {  	s7 =	sshrl.u32 s6, $0x3  }
0xa: {  	s7 =	sadd.s32 s7, s5  }
0xb: {  	s8 =	sadd.s32 $0x71, s7  }
0xc: {  	[tilespmem:s2], [sflag:$0x1] =	stream.linear.gather [hbm4b:s8+s2], $0x8, $0x38;
	[tilespmem:$0x300] =	vst v63  }
0xd: {  	s9 =	simm.s32 $0x8;
	s12 =	sadd.s32 $0x170, s7  }
0xe: {  	[tilespmem:s9], [sflag:$0x1] =	stream.linear.gather [hbm4b:s12+s2], $0x8, $0x38;
	[tilespmem:$0x300] =	vst v63  }
0xf: {  	s14 =	simm.s32 $0x10;
	s17 =	sadd.s32 $0x13B88, s6;
	s13 =	sadd.s32 $0x470, s7  }
0x10: {  	[tilespmem:s14], [sflag:$0x1] =	stream.linear.gather [hbm4b:s13+s2], $0x8, $0x38;
	[tilespmem:$0x300] =	vst v63  }
0x11: {  	s16 =	simm.s32 $0x18;
	s15 =	sadd.s32 $0x1070, s7;
	s8 =	sshrl.u32 s17, $0x3  }
0x12: {  	[tilespmem:s16], [sflag:$0x1] =	stream.linear.gather [hbm4b:s15+s2], $0x8, $0x38;
	[tilespmem:$0x300] =	vst v63  }
0x13: {  	s18 =	simm.s32 $0x20;
	s8 =	sadd.s32 s5, s8  }
0x14: {  	[tilespmem:s18], [sflag:$0x1] =	stream.linear.gather [hbm4b:s8+s2], $0x8, $0x38;
	[tilespmem:$0x300] =	vst v63  }
0x15: {  	s20 =	simm.s32 $0x28;
	s23 =	sadd.s32 $0xC3798, s6;
	s19 =	sadd.s32 $0x4E74, s7  }
0x16: {  	[tilespmem:s20], [sflag:$0x1] =	stream.linear.gather [hbm4b:s19+s2], $0x8, $0x38;
	[tilespmem:$0x300] =	vst v63  }
0x17: {  	s22 =	simm.s32 $0x30;
	s21 =	sadd.s32 $0xC37A, s7;
	s8 =	sshrl.u32 s23, $0x3  }
0x18: {  	[tilespmem:s22], [sflag:$0x1] =	stream.linear.gather [hbm4b:s21+s2], $0x8, $0x38;
	[tilespmem:$0x300] =	vst v63  }
0x19: {  	s24 =	simm.s32 $0x38;
	s25 =	sadd.s32 $0xC3B88, s6;
	s8 =	sadd.s32 s5, s8  }
0x1a: {  	[tilespmem:s24], [sflag:$0x1] =	stream.linear.gather [hbm4b:s8+s2], $0x8, $0x38;
	[tilespmem:$0x300] =	vst v63  }
0x1b: {  	s8 =	sshrl.u32 s25, $0x3  }
0x1c: {  	s26 =	simm.s32 $0x40;
	s8 =	sadd.s32 s5, s8  }
0x1d: {  	[tilespmem:s26], [sflag:$0x1] =	stream.linear.gather [hbm4b:s8+s2], $0x8, $0x38;
	[tilespmem:$0x300] =	vst v63  }
0x1e: {  	s29 =	simm.s32 $0x48;
	s28 =	sadd.s32 $0x18870, s7  }
0x1f: {  	[tilespmem:s29], [sflag:$0x1] =	stream.linear.gather [hbm4b:s28+s2], $0x8, $0x38;
	[tilespmem:$0x300] =	vst v63  }
0x20: {  	s31 =	simm.s32 $0x50;
	s11 =	sadd.s32 $0xD7388, s6;
	s30 =	sadd.s32 $0x18B70, s7  }
0x21: {  	[tilespmem:s31], [sflag:$0x1] =	stream.linear.gather [hbm4b:s30+s2], $0x8, $0x38;
	[tilespmem:$0x300] =	vst v63  }
0x22: {  	s10 =	simm.s32 $0x58;
	s9 =	sadd.s32 $0x19770, s7;
	s8 =	sshrl.u32 s11, $0x3  }
0x23: {  	[tilespmem:s10], [sflag:$0x1] =	stream.linear.gather [hbm4b:s9+s2], $0x8, $0x38;
	[tilespmem:$0x300] =	vst v63  }
0x24: {  	s12 =	simm.s32 $0x60;
	s8 =	sadd.s32 s5, s8  }
0x25: {  	[tilespmem:s12], [sflag:$0x1] =	stream.linear.gather [hbm4b:s8+s2], $0x8, $0x38;
	[tilespmem:$0x300] =	vst v63  }
0x26: {  	s17 =	sadd.s32 $0x186F98, s6;
	s13 =	sadd.s32 $0x1D574, s7;
	s14 =	simm.s32 $0x68  }
0x27: {  	[tilespmem:s14], [sflag:$0x1] =	stream.linear.gather [hbm4b:s13+s2], $0x8, $0x38;
	[tilespmem:$0x300] =	vst v63  }
0x28: {  	s15 =	sadd.s32 $0x24A7A, s7;
	s16 =	simm.s32 $0x70;
	s8 =	sshrl.u32 s17, $0x3  }
0x29: {  	[tilespmem:s16], [sflag:$0x1] =	stream.linear.gather [hbm4b:s15+s2], $0x8, $0x38;
	[tilespmem:$0x300] =	vst v63  }
0x2a: {  	s18 =	simm.s32 $0x78;
	s19 =	sadd.s32 $0x187388, s6;
	s8 =	sadd.s32 s5, s8  }
0x2b: {  	[tilespmem:s18], [sflag:$0x1] =	stream.linear.gather [hbm4b:s8+s2], $0x8, $0x38;
	[tilespmem:$0x300] =	vst v63  }
0x2c: {  	s8 =	sshrl.u32 s19, $0x3  }
0x2d: {  	s20 =	simm.s32 $0x80;
	s8 =	sadd.s32 s5, s8  }
0x2e: {  	[tilespmem:s20], [sflag:$0x1] =	stream.linear.gather [hbm4b:s8+s2], $0x8, $0x38;
	[tilespmem:$0x300] =	vst v63  }
0x2f: {  	s21 =	sadd.s32 $0x30F70, s7;
	s22 =	simm.s32 $0x88  }
0x30: {  	[tilespmem:s22], [sflag:$0x1] =	stream.linear.gather [hbm4b:s21+s2], $0x8, $0x38;
	[tilespmem:$0x300] =	vst v63  }
0x31: {  	s23 =	sadd.s32 $0x31270, s7;
	s24 =	simm.s32 $0x90;
	s28 =	sadd.s32 $0x19AB88, s6  }
0x32: {  	[tilespmem:s24], [sflag:$0x1] =	stream.linear.gather [hbm4b:s23+s2], $0x8, $0x38;
	[tilespmem:$0x300] =	vst v63  }
0x33: {  	s25 =	sadd.s32 $0x31E70, s7;
	s26 =	simm.s32 $0x98;
	s8 =	sshrl.u32 s28, $0x3  }
0x34: {  	[tilespmem:s26], [sflag:$0x1] =	stream.linear.gather [hbm4b:s25+s2], $0x8, $0x38;
	[tilespmem:$0x300] =	vst v63  }
0x35: {  	s29 =	simm.s32 $0xA0;
	s8 =	sadd.s32 s5, s8  }
0x36: {  	[tilespmem:s29], [sflag:$0x1] =	stream.linear.gather [hbm4b:s8+s2], $0x8, $0x38;
	[tilespmem:$0x300] =	vst v63  }
0x37: {  	s11 =	sadd.s32 $0x24A798, s6;
	s30 =	sadd.s32 $0x35C74, s7;
	s31 =	simm.s32 $0xA8  }
0x38: {  	[tilespmem:s31], [sflag:$0x1] =	stream.linear.gather [hbm4b:s30+s2], $0x8, $0x38;
	[tilespmem:$0x300] =	vst v63  }
0x39: {  	s9 =	sadd.s32 $0x3D17A, s7;
	s10 =	simm.s32 $0xB0;
	s8 =	sshrl.u32 s11, $0x3  }
0x3a: {  	[tilespmem:s10], [sflag:$0x1] =	stream.linear.gather [hbm4b:s9+s2], $0x8, $0x38;
	[tilespmem:$0x300] =	vst v63  }
0x3b: {  	s12 =	simm.s32 $0xB8;
	s13 =	sadd.s32 $0x24AB88, s6;
	s8 =	sadd.s32 s5, s8  }
0x3c: {  	[tilespmem:s12], [sflag:$0x1] =	stream.linear.gather [hbm4b:s8+s2], $0x8, $0x38;
	[tilespmem:$0x300] =	vst v63  }
0x3d: {  	s8 =	sshrl.u32 s13, $0x3  }
0x3e: {  	s14 =	simm.s32 $0xC0;
	s8 =	sadd.s32 s5, s8  }
0x3f: {  	[tilespmem:s14], [sflag:$0x1] =	stream.linear.gather [hbm4b:s8+s2], $0x8, $0x38;
	[tilespmem:$0x300] =	vst v63  }
0x40: {  	s15 =	sadd.s32 $0x49670, s7;
	s16 =	simm.s32 $0xC8  }
0x41: {  	[tilespmem:s16], [sflag:$0x1] =	stream.linear.gather [hbm4b:s15+s2], $0x8, $0x38;
	[tilespmem:$0x300] =	vst v63  }
0x42: {  	s17 =	sadd.s32 $0x49970, s7;
	s18 =	simm.s32 $0xD0;
	s21 =	sadd.s32 $0x25E388, s6  }
0x43: {  	[tilespmem:s18], [sflag:$0x1] =	stream.linear.gather [hbm4b:s17+s2], $0x8, $0x38;
	[tilespmem:$0x300] =	vst v63  }
0x44: {  	s19 =	sadd.s32 $0x4A570, s7;
	s20 =	simm.s32 $0xD8;
	s8 =	sshrl.u32 s21, $0x3  }
0x45: {  	[tilespmem:s20], [sflag:$0x1] =	stream.linear.gather [hbm4b:s19+s2], $0x8, $0x38;
	[tilespmem:$0x300] =	vst v63  }
0x46: {  	s22 =	simm.s32 $0xE0;
	s8 =	sadd.s32 s5, s8  }
0x47: {  	[tilespmem:s22], [sflag:$0x1] =	stream.linear.gather [hbm4b:s8+s2], $0x8, $0x38;
	[tilespmem:$0x300] =	vst v63  }
0x48: {  	s28 =	sadd.s32 $0x30DF98, s6;
	s23 =	sadd.s32 $0x4E374, s7;
	s24 =	simm.s32 $0xE8  }
0x49: {  	[tilespmem:s24], [sflag:$0x1] =	stream.linear.gather [hbm4b:s23+s2], $0x8, $0x38;
	[tilespmem:$0x300] =	vst v63  }
0x4a: {  	s25 =	sadd.s32 $0x5587A, s7;
	s26 =	simm.s32 $0xF0;
	s8 =	sshrl.u32 s28, $0x3  }
0x4b: {  	[tilespmem:s26], [sflag:$0x1] =	stream.linear.gather [hbm4b:s25+s2], $0x8, $0x38;
	[tilespmem:$0x300] =	vst v63  }
0x4c: {  	s29 =	simm.s32 $0xF8;
	s30 =	sadd.s32 $0x30E388, s6;
	s8 =	sadd.s32 s5, s8  }
0x4d: {  	[tilespmem:s29], [sflag:$0x1] =	stream.linear.gather [hbm4b:s8+s2], $0x8, $0x38;
	[tilespmem:$0x300] =	vst v63  }
0x4e: {  	s8 =	sshrl.u32 s30, $0x3  }
0x4f: {  	s31 =	simm.s32 $0x100;
	s8 =	sadd.s32 s5, s8  }
0x50: {  	[tilespmem:s31], [sflag:$0x1] =	stream.linear.gather [hbm4b:s8+s2], $0x8, $0x38;
	[tilespmem:$0x300] =	vst v63  }
0x51: {  	s9 =	sadd.s32 $0x61D70, s7;
	s10 =	simm.s32 $0x108  }
0x52: {  	[tilespmem:s10], [sflag:$0x1] =	stream.linear.gather [hbm4b:s9+s2], $0x8, $0x38;
	[tilespmem:$0x300] =	vst v63  }
0x53: {  	s11 =	sadd.s32 $0x62070, s7;
	s12 =	simm.s32 $0x110;
	s15 =	sadd.s32 $0x321B88, s6  }
0x54: {  	[tilespmem:s12], [sflag:$0x1] =	stream.linear.gather [hbm4b:s11+s2], $0x8, $0x38;
	[tilespmem:$0x300] =	vst v63  }
0x55: {  	s13 =	sadd.s32 $0x62C70, s7;
	s14 =	simm.s32 $0x118;
	s8 =	sshrl.u32 s15, $0x3  }
0x56: {  	[tilespmem:s14], [sflag:$0x1] =	stream.linear.gather [hbm4b:s13+s2], $0x8, $0x38;
	[tilespmem:$0x300] =	vst v63  }
0x57: {  	s16 =	simm.s32 $0x120;
	s8 =	sadd.s32 s5, s8  }
0x58: {  	[tilespmem:s16], [sflag:$0x1] =	stream.linear.gather [hbm4b:s8+s2], $0x8, $0x38;
	[tilespmem:$0x300] =	vst v63  }
0x59: {  	s21 =	sadd.s32 $0x3D1798, s6;
	s17 =	sadd.s32 $0x66A74, s7;
	s18 =	simm.s32 $0x128  }
0x5a: {  	[tilespmem:s18], [sflag:$0x1] =	stream.linear.gather [hbm4b:s17+s2], $0x8, $0x38;
	[tilespmem:$0x300] =	vst v63  }
0x5b: {  	s19 =	sadd.s32 $0x6DF7A, s7;
	s20 =	simm.s32 $0x130;
	s8 =	sshrl.u32 s21, $0x3  }
0x5c: {  	[tilespmem:s20], [sflag:$0x1] =	stream.linear.gather [hbm4b:s19+s2], $0x8, $0x38;
	[tilespmem:$0x300] =	vst v63  }
0x5d: {  	s22 =	simm.s32 $0x138;
	s23 =	sadd.s32 $0x3D1B88, s6;
	s8 =	sadd.s32 s5, s8  }
0x5e: {  	[tilespmem:s22], [sflag:$0x1] =	stream.linear.gather [hbm4b:s8+s2], $0x8, $0x38;
	[tilespmem:$0x300] =	vst v63  }
0x5f: {  	s8 =	sshrl.u32 s23, $0x3  }
0x60: {  	s24 =	simm.s32 $0x140;
	s8 =	sadd.s32 s5, s8  }
0x61: {  	[tilespmem:s24], [sflag:$0x1] =	stream.linear.gather [hbm4b:s8+s2], $0x8, $0x38;
	[tilespmem:$0x300] =	vst v63  }
0x62: {  	s25 =	sadd.s32 $0x7A470, s7;
	s26 =	simm.s32 $0x148  }
0x63: {  	[tilespmem:s26], [sflag:$0x1] =	stream.linear.gather [hbm4b:s25+s2], $0x8, $0x38;
	[tilespmem:$0x300] =	vst v63  }
0x64: {  	s28 =	sadd.s32 $0x7A770, s7;
	s29 =	simm.s32 $0x150;
	s9 =	sadd.s32 $0x3E5388, s6  }
0x65: {  	[tilespmem:s29], [sflag:$0x1] =	stream.linear.gather [hbm4b:s28+s2], $0x8, $0x38;
	[tilespmem:$0x300] =	vst v63  }
0x66: {  	s30 =	sadd.s32 $0x7B370, s7;
	s31 =	simm.s32 $0x158;
	s8 =	sshrl.u32 s9, $0x3  }
0x67: {  	[tilespmem:s31], [sflag:$0x1] =	stream.linear.gather [hbm4b:s30+s2], $0x8, $0x38;
	[tilespmem:$0x300] =	vst v63  }
0x68: {  	s10 =	simm.s32 $0x160;
	s8 =	sadd.s32 s5, s8  }
0x69: {  	[tilespmem:s10], [sflag:$0x1] =	stream.linear.gather [hbm4b:s8+s2], $0x8, $0x38;
	[tilespmem:$0x300] =	vst v63  }
0x6a: {  	s15 =	sadd.s32 $0x494F98, s6;
	s11 =	sadd.s32 $0x7F174, s7;
	s12 =	simm.s32 $0x168  }
0x6b: {  	[tilespmem:s12], [sflag:$0x1] =	stream.linear.gather [hbm4b:s11+s2], $0x8, $0x38;
	[tilespmem:$0x300] =	vst v63  }
0x6c: {  	s13 =	sadd.s32 $0x8667A, s7;
	s14 =	simm.s32 $0x170;
	s8 =	sshrl.u32 s15, $0x3  }
0x6d: {  	[tilespmem:s14], [sflag:$0x1] =	stream.linear.gather [hbm4b:s13+s2], $0x8, $0x38;
	[tilespmem:$0x300] =	vst v63  }
0x6e: {  	s16 =	simm.s32 $0x178;
	s17 =	sadd.s32 $0x495388, s6;
	s8 =	sadd.s32 s5, s8  }
0x6f: {  	[tilespmem:s16], [sflag:$0x1] =	stream.linear.gather [hbm4b:s8+s2], $0x8, $0x38;
	[tilespmem:$0x300] =	vst v63  }
0x70: {  	s8 =	sshrl.u32 s17, $0x3  }
0x71: {  	s18 =	simm.s32 $0x180;
	s8 =	sadd.s32 s5, s8  }
0x72: {  	[tilespmem:s18], [sflag:$0x1] =	stream.linear.gather [hbm4b:s8+s2], $0x8, $0x38;
	[tilespmem:$0x300] =	vst v63  }
0x73: {  	s19 =	sadd.s32 $0x92B70, s7;
	s20 =	simm.s32 $0x188  }
0x74: {  	[tilespmem:s20], [sflag:$0x1] =	stream.linear.gather [hbm4b:s19+s2], $0x8, $0x38;
	[tilespmem:$0x300] =	vst v63  }
0x75: {  	s21 =	sadd.s32 $0x92E70, s7;
	s22 =	simm.s32 $0x190;
	s25 =	sadd.s32 $0x4A8B88, s6  }
0x76: {  	[tilespmem:s22], [sflag:$0x1] =	stream.linear.gather [hbm4b:s21+s2], $0x8, $0x38;
	[tilespmem:$0x300] =	vst v63  }
0x77: {  	s23 =	sadd.s32 $0x93A70, s7;
	s24 =	simm.s32 $0x198;
	s8 =	sshrl.u32 s25, $0x3  }
0x78: {  	[tilespmem:s24], [sflag:$0x1] =	stream.linear.gather [hbm4b:s23+s2], $0x8, $0x38;
	[tilespmem:$0x300] =	vst v63  }
0x79: {  	s26 =	simm.s32 $0x1A0;
	s8 =	sadd.s32 s5, s8  }
0x7a: {  	[tilespmem:s26], [sflag:$0x1] =	stream.linear.gather [hbm4b:s8+s2], $0x8, $0x38;
	[tilespmem:$0x300] =	vst v63  }
0x7b: {  	s28 =	sadd.s32 $0x97874, s7;
	s29 =	simm.s32 $0x1A8;
	s10 =	sadd.s32 $0x558798, s6  }
0x7c: {  	[tilespmem:s29], [sflag:$0x1] =	stream.linear.gather [hbm4b:s28+s2], $0x8, $0x38;
	[tilespmem:$0x300] =	vst v63  }
0x7d: {  	s30 =	sadd.s32 $0x9ED7A, s7;
	s31 =	simm.s32 $0x1B0;
	s8 =	sshrl.u32 s10, $0x3  }
0x7e: {  	[tilespmem:s31], [sflag:$0x1] =	stream.linear.gather [hbm4b:s30+s2], $0x8, $0x38;
	[tilespmem:$0x300] =	vst v63  }
0x7f: {  	s11 =	simm.s32 $0x1B8;
	s12 =	sadd.s32 $0x558B88, s6;
	s8 =	sadd.s32 s5, s8  }
0x80: {  	[tilespmem:s11], [sflag:$0x1] =	stream.linear.gather [hbm4b:s8+s2], $0x8, $0x38;
	[tilespmem:$0x300] =	vst v63  }
0x81: {  	s8 =	sshrl.u32 s12, $0x3  }
0x82: {  	s13 =	simm.s32 $0x1C0;
	s8 =	sadd.s32 s5, s8  }
0x83: {  	[tilespmem:s13], [sflag:$0x1] =	stream.linear.gather [hbm4b:s8+s2], $0x8, $0x38;
	[tilespmem:$0x300] =	vst v63  }
0x84: {  	s15 =	simm.s32 $0x1C8;
	s14 =	sadd.s32 $0xAB270, s7  }
0x85: {  	[tilespmem:s15], [sflag:$0x1] =	stream.linear.gather [hbm4b:s14+s2], $0x8, $0x38;
	[tilespmem:$0x300] =	vst v63  }
0x86: {  	s16 =	sadd.s32 $0xAB570, s7;
	s17 =	simm.s32 $0x1D0;
	s20 =	sadd.s32 $0x56C388, s6  }
0x87: {  	[tilespmem:s17], [sflag:$0x1] =	stream.linear.gather [hbm4b:s16+s2], $0x8, $0x38;
	[tilespmem:$0x300] =	vst v63  }
0x88: {  	s18 =	sadd.s32 $0xAC170, s7;
	s19 =	simm.s32 $0x1D8;
	s8 =	sshrl.u32 s20, $0x3  }
0x89: {  	[tilespmem:s19], [sflag:$0x1] =	stream.linear.gather [hbm4b:s18+s2], $0x8, $0x38;
	[tilespmem:$0x300] =	vst v63  }
0x8a: {  	s21 =	simm.s32 $0x1E0;
	s8 =	sadd.s32 s5, s8  }
0x8b: {  	[tilespmem:s21], [sflag:$0x1] =	stream.linear.gather [hbm4b:s8+s2], $0x8, $0x38;
	[tilespmem:$0x300] =	vst v63  }
0x8c: {  	s6 =	sadd.s32 $0x61BF98, s6;
	s22 =	sadd.s32 $0xAFF74, s7;
	s23 =	simm.s32 $0x1E8  }
0x8d: {  	[tilespmem:s23], [sflag:$0x1] =	stream.linear.gather [hbm4b:s22+s2], $0x8, $0x38;
	[tilespmem:$0x300] =	vst v63  }
0x8e: {  	s6 =	sshrl.u32 s6, $0x3;
	s7 =	sadd.s32 $0xB747A, s7;
	s24 =	simm.s32 $0x1F0  }
0x8f: {  	[tilespmem:s24], [sflag:$0x1] =	stream.linear.gather [hbm4b:s7+s2], $0x8, $0x38;
	[tilespmem:$0x300] =	vst v63  }
0x90: {  	s25 =	sadd.s32 s5, s6;
	s26 =	simm.s32 $0x1F8  }
0x91: {  	[tilespmem:s26], [sflag:$0x1] =	stream.linear.gather [hbm4b:s25+s2], $0x8, $0x38;
	[tilespmem:$0x300] =	vst v63  }
0x92: {  	s4 =	sadd.s32 s4, s1;
	s28 =	simm.s32 $0x200;
	s29 =	simm.s32 $0x2  }
0x93: {  	[tilespmem:s28], [sflag:$0x2] =	stream.linear.gather [hbm4b:s4+s2], $0x8, $0x38;
	[tilespmem:$0x300] =	vst v63  }
0x94: {  	_ =	swait.ge [sflag:s29], $0x8  }
0x95: {  	[sflag:s29] =	ssyncset.done $0x0  }
0x96: {  	s30 =	simm.s32 $0x1;
	[sflag:s29] =	ssyncadd.s32 $0xFFFFFFF8  }
0x97: {  	_ =	swait.ge [sflag:s30], $0x8  }
0x98: {  	[sflag:s30] =	ssyncset.done $0x0  }
0x99: {  	[sflag:s30] =	ssyncadd.s32 $0xFFFFFFF8  }
0x9a: {  	_ =	swait.ge [sflag:s30], $0x8  }
0x9b: {  	[sflag:s30] =	ssyncset.done $0x0  }
0x9c: {  	[sflag:s30] =	ssyncadd.s32 $0xFFFFFFF8  }
0x9d: {  	_ =	swait.ge [sflag:s30], $0x8  }
0x9e: {  	[sflag:s30] =	ssyncset.done $0x0  }
0x9f: {  	[sflag:s30] =	ssyncadd.s32 $0xFFFFFFF8  }
0xa0: {  	_ =	swait.ge [sflag:s30], $0x8  }
0xa1: {  	[sflag:s30] =	ssyncset.done $0x0  }
0xa2: {  	[sflag:s30] =	ssyncadd.s32 $0xFFFFFFF8  }
0xa3: {  	_ =	swait.ge [sflag:s30], $0x8  }
0xa4: {  	[sflag:s30] =	ssyncset.done $0x0  }
0xa5: {  	[sflag:s30] =	ssyncadd.s32 $0xFFFFFFF8  }
0xa6: {  	_ =	swait.ge [sflag:s30], $0x8  }
0xa7: {  	[sflag:s30] =	ssyncset.done $0x0  }
0xa8: {  	[sflag:s30] =	ssyncadd.s32 $0xFFFFFFF8  }
0xa9: {  	_ =	swait.ge [sflag:s30], $0x8  }
0xaa: {  	[sflag:s30] =	ssyncset.done $0x0  }
0xab: {  	[sflag:s30] =	ssyncadd.s32 $0xFFFFFFF8  }
0xac: {  	_ =	swait.ge [sflag:s30], $0x8  }
0xad: {  	[sflag:s30] =	ssyncset.done $0x0  }
0xae: {  	[sflag:s30] =	ssyncadd.s32 $0xFFFFFFF8  }
0xaf: {  	_ =	swait.ge [sflag:s30], $0x8  }
0xb0: {  	[sflag:s30] =	ssyncset.done $0x0  }
0xb1: {  	[sflag:s30] =	ssyncadd.s32 $0xFFFFFFF8  }
0xb2: {  	_ =	swait.ge [sflag:s30], $0x8  }
0xb3: {  	[sflag:s30] =	ssyncset.done $0x0  }
0xb4: {  	[sflag:s30] =	ssyncadd.s32 $0xFFFFFFF8  }
0xb5: {  	_ =	swait.ge [sflag:s30], $0x8  }
0xb6: {  	[sflag:s30] =	ssyncset.done $0x0  }
0xb7: {  	[sflag:s30] =	ssyncadd.s32 $0xFFFFFFF8  }
0xb8: {  	_ =	swait.ge [sflag:s30], $0x8  }
0xb9: {  	[sflag:s30] =	ssyncset.done $0x0  }
0xba: {  	[sflag:s30] =	ssyncadd.s32 $0xFFFFFFF8  }
0xbb: {  	_ =	swait.ge [sflag:s30], $0x8  }
0xbc: {  	[sflag:s30] =	ssyncset.done $0x0  }
0xbd: {  	[sflag:s30] =	ssyncadd.s32 $0xFFFFFFF8  }
0xbe: {  	_ =	swait.ge [sflag:s30], $0x8  }
0xbf: {  	[sflag:s30] =	ssyncset.done $0x0  }
0xc0: {  	[sflag:s30] =	ssyncadd.s32 $0xFFFFFFF8  }
0xc1: {  	_ =	swait.ge [sflag:s30], $0x8  }
0xc2: {  	[sflag:s30] =	ssyncset.done $0x0  }
0xc3: {  	[sflag:s30] =	ssyncadd.s32 $0xFFFFFFF8  }
0xc4: {  	_ =	swait.ge [sflag:s30], $0x8  }
0xc5: {  	[sflag:s30] =	ssyncset.done $0x0  }
0xc6: {  	[sflag:s30] =	ssyncadd.s32 $0xFFFFFFF8  }
0xc7: {  	_ =	swait.ge [sflag:s30], $0x8  }
0xc8: {  	[sflag:s30] =	ssyncset.done $0x0  }
0xc9: {  	[sflag:s30] =	ssyncadd.s32 $0xFFFFFFF8  }
0xca: {  	_ =	swait.ge [sflag:s30], $0x8  }
0xcb: {  	[sflag:s30] =	ssyncset.done $0x0  }
0xcc: {  	[sflag:s30] =	ssyncadd.s32 $0xFFFFFFF8  }
0xcd: {  	_ =	swait.ge [sflag:s30], $0x8  }
0xce: {  	[sflag:s30] =	ssyncset.done $0x0  }
0xcf: {  	[sflag:s30] =	ssyncadd.s32 $0xFFFFFFF8  }
0xd0: {  	_ =	swait.ge [sflag:s30], $0x8  }
0xd1: {  	[sflag:s30] =	ssyncset.done $0x0  }
0xd2: {  	[sflag:s30] =	ssyncadd.s32 $0xFFFFFFF8  }
0xd3: {  	_ =	swait.ge [sflag:s30], $0x8  }
0xd4: {  	[sflag:s30] =	ssyncset.done $0x0  }
0xd5: {  	[sflag:s30] =	ssyncadd.s32 $0xFFFFFFF8  }
0xd6: {  	_ =	swait.ge [sflag:s30], $0x8  }
0xd7: {  	[sflag:s30] =	ssyncset.done $0x0  }
0xd8: {  	[sflag:s30] =	ssyncadd.s32 $0xFFFFFFF8  }
0xd9: {  	_ =	swait.ge [sflag:s30], $0x8  }
0xda: {  	[sflag:s30] =	ssyncset.done $0x0  }
0xdb: {  	[sflag:s30] =	ssyncadd.s32 $0xFFFFFFF8  }
0xdc: {  	_ =	swait.ge [sflag:s30], $0x8  }
0xdd: {  	[sflag:s30] =	ssyncset.done $0x0  }
0xde: {  	[sflag:s30] =	ssyncadd.s32 $0xFFFFFFF8  }
0xdf: {  	_ =	swait.ge [sflag:s30], $0x8  }
0xe0: {  	[sflag:s30] =	ssyncset.done $0x0  }
0xe1: {  	[sflag:s30] =	ssyncadd.s32 $0xFFFFFFF8  }
0xe2: {  	_ =	swait.ge [sflag:s30], $0x8  }
0xe3: {  	[sflag:s30] =	ssyncset.done $0x0  }
0xe4: {  	[sflag:s30] =	ssyncadd.s32 $0xFFFFFFF8  }
0xe5: {  	_ =	swait.ge [sflag:s30], $0x8  }
0xe6: {  	[sflag:s30] =	ssyncset.done $0x0  }
0xe7: {  	[sflag:s30] =	ssyncadd.s32 $0xFFFFFFF8  }
0xe8: {  	_ =	swait.ge [sflag:s30], $0x8  }
0xe9: {  	[sflag:s30] =	ssyncset.done $0x0  }
0xea: {  	[sflag:s30] =	ssyncadd.s32 $0xFFFFFFF8  }
0xeb: {  	_ =	swait.ge [sflag:s30], $0x8  }
0xec: {  	[sflag:s30] =	ssyncset.done $0x0  }
0xed: {  	[sflag:s30] =	ssyncadd.s32 $0xFFFFFFF8  }
0xee: {  	_ =	swait.ge [sflag:s30], $0x8  }
0xef: {  	[sflag:s30] =	ssyncset.done $0x0  }
0xf0: {  	[sflag:s30] =	ssyncadd.s32 $0xFFFFFFF8  }
0xf1: {  	_ =	swait.ge [sflag:s30], $0x8  }
0xf2: {  	[sflag:s30] =	ssyncset.done $0x0  }
0xf3: {  	[sflag:s30] =	ssyncadd.s32 $0xFFFFFFF8  }
0xf4: {  	_ =	swait.ge [sflag:s30], $0x8  }
0xf5: {  	[sflag:s30] =	ssyncset.done $0x0  }
0xf6: {  	[sflag:s30] =	ssyncadd.s32 $0xFFFFFFF8  }
0xf7: {  	_ =	swait.ge [sflag:s30], $0x8  }
0xf8: {  	[sflag:s30] =	ssyncset.done $0x0  }
0xf9: {  	[sflag:s30] =	ssyncadd.s32 $0xFFFFFFF8  }
0xfa: {  	_ =	swait.ge [sflag:s30], $0x8  }
0xfb: {  	[sflag:s30] =	ssyncset.done $0x0  }
0xfc: {  	[sflag:s30] =	ssyncadd.s32 $0xFFFFFFF8  }
0xfd: {  	_ =	swait.ge [sflag:s30], $0x8  }
0xfe: {  	[sflag:s30] =	ssyncset.done $0x0  }
0xff: {  	[sflag:s30] =	ssyncadd.s32 $0xFFFFFFF8  }
0x100: {  	_ =	swait.ge [sflag:s30], $0x8  }
0x101: {  	[sflag:s30] =	ssyncset.done $0x0  }
0x102: {  	[sflag:s30] =	ssyncadd.s32 $0xFFFFFFF8  }
0x103: {  	_ =	swait.ge [sflag:s30], $0x8  }
0x104: {  	[sflag:s30] =	ssyncset.done $0x0  }
0x105: {  	[sflag:s30] =	ssyncadd.s32 $0xFFFFFFF8  }
0x106: {  	_ =	swait.ge [sflag:s30], $0x8  }
0x107: {  	[sflag:s30] =	ssyncset.done $0x0  }
0x108: {  	[sflag:s30] =	ssyncadd.s32 $0xFFFFFFF8  }
0x109: {  	_ =	swait.ge [sflag:s30], $0x8  }
0x10a: {  	[sflag:s30] =	ssyncset.done $0x0  }
0x10b: {  	[sflag:s30] =	ssyncadd.s32 $0xFFFFFFF8  }
0x10c: {  	_ =	swait.ge [sflag:s30], $0x8  }
0x10d: {  	[sflag:s30] =	ssyncset.done $0x0  }
0x10e: {  	[sflag:s30] =	ssyncadd.s32 $0xFFFFFFF8  }
0x10f: {  	_ =	swait.ge [sflag:s30], $0x8  }
0x110: {  	[sflag:s30] =	ssyncset.done $0x0  }
0x111: {  	[sflag:s30] =	ssyncadd.s32 $0xFFFFFFF8  }
0x112: {  	_ =	swait.ge [sflag:s30], $0x8  }
0x113: {  	[sflag:s30] =	ssyncset.done $0x0  }
0x114: {  	[sflag:s30] =	ssyncadd.s32 $0xFFFFFFF8  }
0x115: {  	_ =	swait.ge [sflag:s30], $0x8  }
0x116: {  	[sflag:s30] =	ssyncset.done $0x0  }
0x117: {  	[sflag:s30] =	ssyncadd.s32 $0xFFFFFFF8  }
0x118: {  	_ =	swait.ge [sflag:s30], $0x8  }
0x119: {  	[sflag:s30] =	ssyncset.done $0x0  }
0x11a: {  	[sflag:s30] =	ssyncadd.s32 $0xFFFFFFF8  }
0x11b: {  	_ =	swait.ge [sflag:s30], $0x8  }
0x11c: {  	[sflag:s30] =	ssyncset.done $0x0  }
0x11d: {  	[sflag:s30] =	ssyncadd.s32 $0xFFFFFFF8  }
0x11e: {  	_ =	swait.ge [sflag:s30], $0x8  }
0x11f: {  	[sflag:s30] =	ssyncset.done $0x0  }
0x120: {  	[sflag:s30] =	ssyncadd.s32 $0xFFFFFFF8  }
0x121: {  	_ =	swait.ge [sflag:s30], $0x8  }
0x122: {  	[sflag:s30] =	ssyncset.done $0x0  }
0x123: {  	[sflag:s30] =	ssyncadd.s32 $0xFFFFFFF8  }
0x124: {  	_ =	swait.ge [sflag:s30], $0x8  }
0x125: {  	[sflag:s30] =	ssyncset.done $0x0  }
0x126: {  	[sflag:s30] =	ssyncadd.s32 $0xFFFFFFF8  }
0x127: {  	_ =	swait.ge [sflag:s30], $0x8  }
0x128: {  	[sflag:s30] =	ssyncset.done $0x0  }
0x129: {  	[sflag:s30] =	ssyncadd.s32 $0xFFFFFFF8  }
0x12a: {  	_ =	swait.ge [sflag:s30], $0x8  }
0x12b: {  	[sflag:s30] =	ssyncset.done $0x0  }
0x12c: {  	[sflag:s30] =	ssyncadd.s32 $0xFFFFFFF8  }
0x12d: {  	_ =	swait.ge [sflag:s30], $0x8  }
0x12e: {  	[sflag:s30] =	ssyncset.done $0x0  }
0x12f: {  	[sflag:s30] =	ssyncadd.s32 $0xFFFFFFF8  }
0x130: {  	_ =	swait.ge [sflag:s30], $0x8  }
0x131: {  	[sflag:s30] =	ssyncset.done $0x0  }
0x132: {  	[sflag:s30] =	ssyncadd.s32 $0xFFFFFFF8  }
0x133: {  	_ =	swait.ge [sflag:s30], $0x8  }
0x134: {  	[sflag:s30] =	ssyncset.done $0x0  }
0x135: {  	[sflag:s30] =	ssyncadd.s32 $0xFFFFFFF8  }
0x136: {  	_ =	swait.ge [sflag:s30], $0x8  }
0x137: {  	[sflag:s30] =	ssyncset.done $0x0  }
0x138: {  	[sflag:s30] =	ssyncadd.s32 $0xFFFFFFF8  }
0x139: {  	_ =	swait.ge [sflag:s30], $0x8  }
0x13a: {  	[sflag:s30] =	ssyncset.done $0x0  }
0x13b: {  	[sflag:s30] =	ssyncadd.s32 $0xFFFFFFF8  }
0x13c: {  	_ =	swait.ge [sflag:s30], $0x8  }
0x13d: {  	[sflag:s30] =	ssyncset.done $0x0  }
0x13e: {  	[sflag:s30] =	ssyncadd.s32 $0xFFFFFFF8  }
0x13f: {  	_ =	swait.ge [sflag:s30], $0x8  }
0x140: {  	[sflag:s30] =	ssyncset.done $0x0  }
0x141: {  	[sflag:s30] =	ssyncadd.s32 $0xFFFFFFF8  }
0x142: {  	_ =	swait.ge [sflag:s30], $0x8  }
0x143: {  	[sflag:s30] =	ssyncset.done $0x0  }
0x144: {  	[sflag:s30] =	ssyncadd.s32 $0xFFFFFFF8  }
0x145: {  	_ =	swait.ge [sflag:s30], $0x8  }
0x146: {  	[sflag:s30] =	ssyncset.done $0x0  }
0x147: {  	[sflag:s30] =	ssyncadd.s32 $0xFFFFFFF8  }
0x148: {  	_ =	swait.ge [sflag:s30], $0x8  }
0x149: {  	[sflag:s30] =	ssyncset.done $0x0  }
0x14a: {  	[sflag:s30] =	ssyncadd.s32 $0xFFFFFFF8  }
0x14b: {  	_ =	swait.ge [sflag:s30], $0x8  }
0x14c: {  	[sflag:s30] =	ssyncset.done $0x0  }
0x14d: {  	[sflag:s30] =	ssyncadd.s32 $0xFFFFFFF8  }
0x14e: {  	v0 =	vlaneseq.u32;
	_ =	swait.ge [sflag:s30], $0x8  }
0x14f: {  	v0 =	vand.u32 $0x7, v0;
	[sflag:s30] =	ssyncset.done $0x0  }
0x150: {  	v1 =	vmul.u32 $0x40, v0;
	[sflag:s30] =	ssyncadd.s32 $0xFFFFFFF8  }
0x151: {  	_ =	swait.ge [sflag:s30], $0x8  }
0x152: {  	v2 =	vor.u32 $0x3, v1;
	[sflag:s30] =	ssyncset.done $0x0  }
0x153: {  	v3 =	vor.u32 $0x9, v1;
	[sflag:s30] =	ssyncadd.s32 $0xFFFFFFF8  }
0x154: {  	v4 =	vor.u32 $0x10, v1;
	_ =	swait.ge [sflag:s30], $0x8  }
0x155: {  	v5 =	vor.u32 $0x18, v1;
	[sflag:s30] =	ssyncset.done $0x0  }
0x156: {  	v6 =	vor.u32 $0x27, v1;
	[sflag:s30] =	ssyncadd.s32 $0xFFFFFFF8  }
0x157: {  	v7 =	vor.u32 $0x28, v1;
	v2 =	vld.idx.msk [tilespmem:v2+s2+$0x0], $0xffff  }
0x158: {  	v8 =	vor.u32 $0x30, v1;
	v3 =	vld.idx.msk [tilespmem:v3+s2+$0x0], $0xffff  }
0x159: {  	v1 =	vor.u32 $0x3F, v1;
	v4 =	vld.idx.msk [tilespmem:v4+s2+$0x0], $0xffff  }
0x15a: {  	v5 =	vld.idx.msk [tilespmem:v5+s2+$0x0], $0xffff  }
0x15b: {  	v6 =	vld.idx.msk [tilespmem:v6+s2+$0x0], $0xffff  }
0x15c: {  	v7 =	vld.idx.msk [tilespmem:v7+s2+$0x0], $0xffff  }
0x15d: {  	v8 =	vld.idx.msk [tilespmem:v8+s2+$0x0], $0xffff;
	v9 =	vmax.f32 v2, v3  }
0x15e: {  	v1 =	vld.idx.msk [tilespmem:v1+s2+$0x0], $0xffff;
	v9 =	vmax.f32 v9, v4  }
0x15f: {  	v9 =	vmax.f32 v9, v5  }
0x160: {  	v9 =	vmax.f32 v9, v6  }
0x161: {  	v9 =	vmax.f32 v9, v7  }
0x162: {  	v9 =	vmax.f32 v9, v8  }
0x163: {  	v9 =	vmax.f32 v9, v1  }
0x164: {  	v10 =	vsub.f32 v2, v9  }
0x165: {  	v11 =	vsub.f32 v3, v9  }
0x166: {  	v10 =	vmul.f32 $1.442695020e+00, v10  }
0x167: {  	v12 =	vsub.f32 v4, v9;
	v11 =	vmul.f32 $1.442695020e+00, v11  }
0x168: {  	(erf) = vpow2.f32 v10  }
0x169: {  	v44 =	vsub.f32 v5, v9;
	v43 =	vmul.f32 $1.442695020e+00, v12;
	(erf) = vpow2.f32 v11;
	_ =	sdelay $0x1  }
0x16a: {  	v46 =	vsub.f32 v6, v9;
	v45 =	vmul.f32 $1.442695020e+00, v44;
	(erf) = vpow2.f32 v43;
	_ =	sdelay $0x1  }
0x16b: {  	v48 =	vsub.f32 v7, v9;
	v47 =	vmul.f32 $1.442695020e+00, v46;
	(erf) = vpow2.f32 v45;
	_ =	sdelay $0x1  }
0x16c: {  	v50 =	vsub.f32 v8, v9;
	v49 =	vmul.f32 $1.442695020e+00, v48;
	(erf) = vpow2.f32 v47;
	_ =	sdelay $0x1  }
0x16d: {  	v53 =	vsub.f32 v1, v9;
	v52 =	vmul.f32 $1.442695020e+00, v50;
	v51 =	vpop (erf);
	(erf) = vpow2.f32 v49  }
0x16e: {  	v13 =	vpop (erf)  }
0x16f: {  	v54 =	vmul.f32 $1.442695020e+00, v53;
	(erf) = vpow2.f32 v52;
	v12 =	vadd.f32 v13, v51  }
0x170: {  	v55 =	vpop (erf)  }
0x171: {  	(erf) = vpow2.f32 v54;
	v11 =	vadd.f32 v12, v55  }
0x172: {  	v56 =	vpop (erf)  }
0x173: {  	v10 =	vadd.f32 v11, v56  }
0x174: {  	v57 =	vpop (erf)  }
0x175: {  	v10 =	vadd.f32 v10, v57  }
0x176: {  	v58 =	vpop (erf)  }
0x177: {  	v10 =	vadd.f32 v10, v58  }
0x178: {  	v59 =	vpop (erf)  }
0x179: {  	v10 =	vadd.f32 v10, v59  }
0x17a: {  	v60 =	vpop (erf)  }
0x17b: {  	v10 =	vadd.f32 v10, v60;
	_ =	sdelay $0x1  }
0x17c: {  	v11 =	vcvt.s32.f32 v10;
	_ =	sdelay $0x1  }
0x17d: {  	v11 =	vmul.f32 $8.262958320e-08, v11;
	_ =	sdelay $0x1  }
0x17e: {  	v11 =	vadd.f32 $-8.806091300e+01, v11;
	_ =	sdelay $0x1  }
0x17f: {  	v61 =	vsub.f32 $0.0e+00, v11;
	_ =	sdelay $0x1  }
0x180: {  	v12 =	vmul.f32 $1.442695020e+00, v61;
	_ =	sdelay $0x1  }
0x181: {  	(erf) = vpow2.f32 v12;
	_ =	sdelay $0x8  }
0x182: {  	v12 =	vpop (erf)  }
0x183: {  	v11 =	vadd.f32 $-1.000000000e+00, v11;
	v12 =	vmul.f32 v12, v10;
	_ =	sdelay $0x1  }
0x184: {  	v11 =	vadd.f32 v12, v11;
	_ =	sdelay $0x1  }
0x185: {  	v12 =	vsub.f32 $0.0e+00, v11;
	_ =	sdelay $0x1  }
0x186: {  	v12 =	vmul.f32 $1.442695020e+00, v12;
	_ =	sdelay $0x1  }
0x187: {  	(erf) = vpow2.f32 v12;
	_ =	sdelay $0x8  }
0x188: {  	v12 =	vpop (erf)  }
0x189: {  	v11 =	vadd.f32 $-1.000000000e+00, v11;
	v12 =	vmul.f32 v12, v10;
	_ =	sdelay $0x1  }
0x18a: {  	v11 =	vadd.f32 v12, v11;
	_ =	sdelay $0x1  }
0x18b: {  	v12 =	vsub.f32 $0.0e+00, v11;
	_ =	sdelay $0x1  }
0x18c: {  	v12 =	vmul.f32 $1.442695020e+00, v12;
	_ =	sdelay $0x1  }
0x18d: {  	(erf) = vpow2.f32 v12;
	_ =	sdelay $0x2  }
0x18e: {  	v0 =	vld.idx.msk [tilespmem:v0+s28+$0x0], $0xffff;
	_ =	sdelay $0x4  }
0x18f: {  	vm0 =	veq.s32 v0, $0x1  }
0x190: {  	vm10 =	veq.s32 v0, $0x2;
	vm11 =	veq.s32 v0, $0x3;
	v2 =	vsel vm0, v3, v2;
	v62 =	vpop (erf)  }
0x191: {  	v2 =	vsel vm10, v4, v2;
	v11 =	vadd.f32 $-1.000000000e+00, v11;
	v3 =	vmul.f32 v62, v10  }
0x192: {  	vm12 =	veq.s32 v0, $0x4;
	v2 =	vsel vm11, v5, v2  }
0x193: {  	vm13 =	veq.s32 v0, $0x5;
	v2 =	vsel vm12, v6, v2;
	v3 =	vadd.f32 v3, v11  }
0x194: {  	vm14 =	veq.s32 v0, $0x6;
	v2 =	vsel vm13, v7, v2  }
0x195: {  	vm15 =	veq.s32 v0, $0x7;
	v2 =	vsel vm14, v8, v2;
	v63 =	vadd.f32 v3, v9  }
0x196: {  	v1 =	vsel vm15, v1, v2  }
0x197: {  	v0 =	vsub.f32 v63, v1;
	_ =	sdelay $0x1  }
0x198: {  	s3 =	sadd.s32 s3, s1;
	s31 =	simm.s32 $0x280;
	[tilespmem:$0x280] =	vst v0  }
0x199: {  	[hbm4b:s3+s2] =	stream.linear.scatter [tilespmem:s31], [sflag:$0x2], $0x8, $0x38;
	[tilespmem:$0x300] =	vst v63  }
0x19a: {  	_ =	swait.ge [sflag:s29], $0x8  }
0x19b: {  	[sflag:s29] =	ssyncset.done $0x0  }
0x19c: {  	[sflag:s29] =	ssyncadd.s32 $0xFFFFFFF8  }
.LBB2_2:
0x19d: {  	_ =	sfence.sel $0x180000  }
0x19e: {  	[bflag:$0x0] =	sbarrier.arrive $0xFFFF  }
0x19f: {  	p0 =	sne.s32 s1, $0x0;
	_ =	strace $0x90000047  }
0x1a0: {  	s0 =	sadd.s32 @!p0 $0x100000, s0;
	[bflag:$0x2] =	sbarrier.arrive $0xFFFF  }
0x1a1: {  	[sflag:s0] =	ssyncadd.tile.s32 @!p0 $0x1;
	_ =	shalt  }
.Lfunc_end2:
_tile_overlayer_lowered:
.L_overlay_start_2:
0x1a2: {  	(tag) =	ssettag $0x2  }
0x1a3: {  	s0 =	rddreg [dreg:$0x0];
	s2 =	stileid.u32  }
0x1a4: {  	s1 =	rddreg [dreg:$0x1];
	p0 =	sne.s32 s2, $0x0  }
0x1a5: {  	s3 =	rddreg [dreg:$0x2];
	[bflag:$0x3] =	sbarrier.arrive $0xFFFF;
	s2 =	simm.s32 @!p0 $0x1C02  }
0x1a6: {  	[timem:s3], [sflag:s2] =	dma.local @!p0 [hbm:s0], s1  }
0x1a7: {  	s0 =	simm.s32 @!p0 $0x2  }
0x1a8: {  	_ =	swait.ge @!p0 [sflag:s0], s1  }
0x1a9: {  	s1 =	ssub.s32 @!p0 $0x0, s1;
	[sflag:s0] =	ssyncset.done @!p0 $0x0  }
0x1aa: {  	[sflag:s0] =	ssyncadd.s32 @!p0 s1  }
0x1ab: {  	[bflag:$0x3] =	sbarrier.arrive $0xFFFF  }
0x1ac: {  	_ =	shalt  }

</sc_bundles>
